<compile_context>
chip_gen: v7x
topology: tpu7x:2x2x1
jax: 0.10.2.dev20260603
libtpu: 0.0.44.dev20260713+nightly
codegen_flags: <defaults>
</compile_context>

<pallas_src>
import jax
import jax.numpy as jnp
import numpy as np
from jax import lax
from jax.experimental import pallas as pl
from jax.experimental.pallas import tpu as pltpu
from jax.experimental.pallas import tpu_sc as plsc

N_GRID = 1000000
N_OFFSET = 3
N_POINTS = 4194304
NP_TAB = N_GRID + 2 * N_OFFSET
NWIN = 2 * N_OFFSET + 1
N_ROWS = 500000

H = np.float32(1.0 / (N_GRID - 1))
FACTOR = np.float32(1.0 / np.sqrt(np.pi))

NC, NS, LANES = 2, 16, 16
NW = NC * NS

ROWS_PAD = 500224
ROWS_PER_TILE = ROWS_PAD // NW
PCH = 3908
N_PCH = ROWS_PER_TILE // PCH
SRC_PAD = 2 * ROWS_PAD + 16

PTS_PER_W = N_POINTS // NW
CHUNK = 2048
N_CHUNKS = PTS_PER_W // CHUNK
GROUPS = CHUNK // LANES
DMA_SLICE = 128
N_DMA = CHUNK // DMA_SLICE

_PARAMS = pltpu.CompilerParams(
    needs_layout_passes=False, use_tc_tiling_on_sc=False
)


def _prep_body(xg_hbm, u_hbm, tab_hbm, xgb, ub, tb):
    c = lax.axis_index("c")
    s = lax.axis_index("s")
    wid = s * NC + c
    tile_row0 = wid * ROWS_PER_TILE

    lane = lax.iota(jnp.int32, LANES)
    lowmask = lane < 8
    shdn8 = jnp.where(lane >= 8, lane - 8, 0)

    def chunk_body(pc, carry):
        row0 = tile_row0 + pc * PCH
        src0 = 2 * row0
        pltpu.sync_copy(xg_hbm.at[pl.ds(src0, 2 * PCH + 16)], xgb)
        pltpu.sync_copy(u_hbm.at[pl.ds(src0, 2 * PCH + 16)], ub)

        def row_body(rr, carry2):
            a = xgb[pl.ds(2 * rr, LANES)]
            b = ub[pl.ds(2 * rr, LANES)]
            bs = lax.gather(
                b, shdn8[:, None],
                lax.GatherDimensionNumbers(
                    offset_dims=(), collapsed_slice_dims=(0,),
                    start_index_map=(0,)),
                (1,), mode=lax.GatherScatterMode.PROMISE_IN_BOUNDS,
            )
            tb[pl.ds(pl.multiple_of(rr * 16, 16), LANES)] = jnp.where(
                lowmask, a, bs
            )
            return carry2

        lax.fori_loop(0, PCH, row_body, 0)
        pltpu.sync_copy(tb, tab_hbm.at[pl.ds(row0 * 16, PCH * 16)])
        return carry

    lax.fori_loop(0, N_PCH, chunk_body, 0)


def _sc_body(x_hbm, tab_hbm, out_hbm, xbuf, rbuf, rows, ybuf, semx, semg, semy):
    c = lax.axis_index("c")
    s = lax.axis_index("s")
    wid = s * NC + c
    base = wid * PTS_PER_W

    lane = lax.iota(jnp.int32, LANES)

    def fire_x(ci, sl):
        pltpu.async_copy(
            x_hbm.at[pl.ds(base + ci * CHUNK, CHUNK)], xbuf.at[sl], semx
        )

    def wait_x(sl):
        pltpu.make_async_copy(
            x_hbm.at[pl.ds(base, CHUNK)], xbuf.at[sl], semx
        ).wait()

    def idx_pass(sl):
        def idx_body(r, carry2):
            ssl = pl.ds(pl.multiple_of(r * LANES, LANES), LANES)
            v = xbuf[sl, ssl]
            q = (v / H).astype(jnp.int32)
            rbuf[sl, ssl] = lax.shift_right_arithmetic(q, 1)
            return carry2

        lax.fori_loop(0, GROUPS, idx_body, 0)

    def fire_g(sl):
        for j in range(N_DMA):
            jsl = pl.ds(j * DMA_SLICE, DMA_SLICE)
            pltpu.async_copy(
                tab_hbm.at[rbuf.at[sl, jsl]], rows.at[sl, jsl], semg
            )

    def wait_g(sl):
        for j in range(N_DMA):
            jsl = pl.ds(j * DMA_SLICE, DMA_SLICE)
            pltpu.make_async_copy(
                tab_hbm.at[rbuf.at[sl, jsl]], rows.at[sl, jsl], semg
            ).wait()

    def compute(sl):
        def cmp_body(r, carry2):
            ssl = pl.ds(pl.multiple_of(r * LANES, LANES), LANES)
            v = xbuf[sl, ssl]
            q = (v / H).astype(jnp.int32)
            cb = jnp.bitwise_and(q, 1)
            p = r * LANES + lane
            y1 = jnp.zeros((LANES,), jnp.float32)
            y = jnp.zeros((LANES,), jnp.float32)
            rows_sl = rows.at[sl]
            for i in range(NWIN):
                col = cb + i
                xg = plsc.load_gather(rows_sl, [p, col])
                uu = plsc.load_gather(rows_sl, [p, col + 8])
                d = (v - xg) / H
                e = jnp.exp(-(d * d))
                y1 = y1 + e
                y = y + e * uu
            ybuf[sl, ssl] = y * FACTOR / y1
            return carry2

        lax.fori_loop(0, GROUPS, cmp_body, 0)

    def fire_y(ci, sl):
        pltpu.async_copy(
            ybuf.at[sl], out_hbm.at[pl.ds(base + ci * CHUNK, CHUNK)], semy
        )

    def wait_y(sl):
        pltpu.make_async_copy(
            ybuf.at[sl], out_hbm.at[pl.ds(base, CHUNK)], semy
        ).wait()

    fire_x(0, 0)
    wait_x(0)
    idx_pass(0)
    fire_g(0)
    fire_x(1, 1)

    def pair_body(k, carry):
        c0 = 2 * k
        last = k == (N_CHUNKS // 2 - 1)
        wait_x(1)
        idx_pass(1)
        fire_g(1)
        wait_g(0)

        @pl.when(k > 0)
        def _():
            wait_y(0)

        compute(0)
        fire_y(c0, 0)

        @pl.when(jnp.logical_not(last))
        def _():
            fire_x(c0 + 2, 0)

        @pl.when(jnp.logical_not(last))
        def _():
            wait_x(0)
            idx_pass(0)
            fire_g(0)

        wait_g(1)

        @pl.when(k > 0)
        def _():
            wait_y(1)

        compute(1)
        fire_y(c0 + 1, 1)

        @pl.when(jnp.logical_not(last))
        def _():
            fire_x(c0 + 3, 1)

        return carry

    lax.fori_loop(0, N_CHUNKS // 2, pair_body, 0)
    wait_y(0)
    wait_y(1)


@jax.jit
def kernel(x, u):
    dx = 1.0 / (N_GRID - 1)
    xgrid = jnp.linspace(
        -dx * N_OFFSET, 1.0 + dx * N_OFFSET, NP_TAB, dtype=jnp.float32
    )
    zpad = jnp.zeros((SRC_PAD - NP_TAB,), jnp.float32)
    xgp = jnp.concatenate([xgrid, zpad])
    up = jnp.concatenate([u, zpad])

    mesh = plsc.VectorSubcoreMesh(
        core_axis_name="c", subcore_axis_name="s", num_cores=NC, num_subcores=NS
    )

    prep = pl.kernel(
        _prep_body,
        out_type=jax.ShapeDtypeStruct((ROWS_PAD * 16,), jnp.float32),
        mesh=mesh,
        compiler_params=_PARAMS,
        scratch_types=[
            pltpu.VMEM((2 * PCH + 16,), jnp.float32),
            pltpu.VMEM((2 * PCH + 16,), jnp.float32),
            pltpu.VMEM((PCH * 16,), jnp.float32),
        ],
    )
    tab = prep(xgp, up).reshape(ROWS_PAD, 16)

    run = pl.kernel(
        _sc_body,
        out_type=jax.ShapeDtypeStruct((N_POINTS,), jnp.float32),
        mesh=mesh,
        compiler_params=_PARAMS,
        scratch_types=[
            pltpu.VMEM((2, CHUNK), jnp.float32),
            pltpu.VMEM((2, CHUNK), jnp.int32),
            pltpu.VMEM((2, CHUNK, 16), jnp.float32),
            pltpu.VMEM((2, CHUNK), jnp.float32),
            pltpu.SemaphoreType.DMA,
            pltpu.SemaphoreType.DMA,
            pltpu.SemaphoreType.DMA,
        ],
    )
    return run(x, tab)

# --- scband reference (transcript-rebuilt; emitter-appended) ---
"""Pipeline reference for scband-fdnet-72550587564172 (READ-ONLY COPY).

The authoritative reference and input builder live on the scoring server;
editing this copy changes nothing except your own understanding.
"""

import jax, jax.numpy as jnp
import numpy as np

N_GRID = 1000000
N_OFFSET = 3
N_POINTS = 4194304


def activation(z):
    # 'gaussian' activation: exp(-z^2); factor 1/sqrt(pi) in forward matches RBF normalization
    return jnp.exp(-z * z)


def setup_inputs(seed: int = 0) -> dict:
    key = jax.random.key(seed)
    k1, k2 = jax.random.split(key)
    x = jax.random.uniform(k1, (N_POINTS,), dtype=jnp.float32, minval=0.0, maxval=1.0)
    np_ = N_GRID + 2 * N_OFFSET
    # learned parameter u (torch init is zeros; use small randn so output is nontrivial)
    u = jax.random.normal(k2, (np_,), dtype=jnp.float32) * 0.02
    return {"x": x, "u": u}


def reference(x, u):
    n = N_GRID
    no = N_OFFSET
    dx = 1.0 / (n - 1)
    h = dx
    np_ = n + 2 * no
    xgrid = jnp.linspace(-dx * no, 1.0 + dx * no, np_, dtype=jnp.float32)
    idx = jnp.floor(x / h).astype(jnp.int32)
    factor = 1.0 / np.sqrt(np.pi)
    y = jnp.zeros_like(x)
    y1 = jnp.zeros_like(x)  # use_pu=True
    for i in range(0, 2 * no + 1):
        ix = idx + i
        diff = (x - jnp.take(xgrid, ix)) / h
        _r = activation(diff)
        y1 = y1 + _r
        y = y + _r * jnp.take(u, ix)
    return y * factor / y1

if __name__ == "__main__":
    import jax
    _d = setup_inputs()
    print(jax.jit(kernel)(*tuple(_d.values())))

</pallas_src>

<mosaic_0001>
#map = affine_map<(d0, d1) -> (0)>
#map1 = affine_map<(d0, d1) -> (0, 0)>
module attributes {stable_mosaic.version = 14 : i64} {
  func.func @_sc_body(%arg0: i32, %arg1: i32, %arg2: memref<4194304xf32, #tpu.memory_space<hbm>>, %arg3: memref<500224x16xf32, #tpu.memory_space<hbm>>, %arg4: memref<4194304xf32, #tpu.memory_space<hbm>>, %arg5: memref<2x2048xf32, #tpu.memory_space<vmem>>, %arg6: memref<2x2048xi32, #tpu.memory_space<vmem>>, %arg7: memref<2x2048x16xf32, #tpu.memory_space<vmem>>, %arg8: memref<2x2048xf32, #tpu.memory_space<vmem>>, %arg9: memref<!tpu.dma_semaphore, #tpu.memory_space<semaphore_mem>>, %arg10: memref<!tpu.dma_semaphore, #tpu.memory_space<semaphore_mem>>, %arg11: memref<!tpu.dma_semaphore, #tpu.memory_space<semaphore_mem>>) attributes {dimension_semantics = [#tpu.dimension_semantics<core_parallel>, #tpu.dimension_semantics<subcore_parallel>], iteration_bounds = array<i64: 2, 16>, scalar_prefetch = 0 : i64, scratch_operands = 7 : i64, tpu.core_type = #tpu.core_type<sc_vector_subcore>, window_params = [{transform_indices = #map}, {transform_indices = #map1}, {transform_indices = #map}]} {
    %mul3A = arith.constant 2 : i32
    %mul3A_0 = arith.muli %arg1, %mul3A : i32
    %add3A = arith.addi %mul3A_0, %arg0 : i32
    %mul3A_1 = arith.constant 131072 : i32
    %mul3A_2 = arith.muli %add3A, %mul3A_1 : i32
    %iota3A = tpu.iota {dimensions = array<i32: 0>} : vector<16xi32>
    %add3A_3 = arith.constant 0 : i32
    %add3A_4 = arith.addi %mul3A_2, %add3A_3 : i32
    %dma_start3A = arith.constant 0 : i32
    %dma_start3A_5 = arith.constant 0 : i32
    %dma_start3A_6 = tpu.memref_slice %arg5[%dma_start3A, %dma_start3A_5] : memref<2x2048xf32, #tpu.memory_space<vmem>> -> memref<1x2048xf32, #tpu.memory_space<vmem>>
    %dma_start3A_7 = tpu.memref_squeeze %dma_start3A_6 : memref<1x2048xf32, #tpu.memory_space<vmem>> -> memref<2048xf32, #tpu.memory_space<vmem>>
    %dma_start3A_8 = tpu.memref_slice %arg2[%add3A_4] : memref<4194304xf32, #tpu.memory_space<hbm>> -> memref<2048xf32, #tpu.memory_space<hbm>>
    %dma_start3A_9 = arith.constant 0 : i32
    %dma_start3A_10 = tpu.memref_slice %arg5[%dma_start3A, %dma_start3A_9] : memref<2x2048xf32, #tpu.memory_space<vmem>> -> memref<1x2048xf32, #tpu.memory_space<vmem>>
    %dma_start3A_11 = tpu.memref_squeeze %dma_start3A_10 : memref<1x2048xf32, #tpu.memory_space<vmem>> -> memref<2048xf32, #tpu.memory_space<vmem>>
    %dma_start3A_12 = tpu.memref_slice %arg2[%add3A_4] : memref<4194304xf32, #tpu.memory_space<hbm>> -> memref<2048xf32, #tpu.memory_space<hbm>>
    tpu.enqueue_dma source(%dma_start3A_12 : memref<2048xf32, #tpu.memory_space<hbm>>) target(%dma_start3A_11 : memref<2048xf32, #tpu.memory_space<vmem>>) target_semaphore(%arg9 : memref<!tpu.dma_semaphore, #tpu.memory_space<semaphore_mem>>)
    %dma_wait3A = arith.constant 0 : i32
    %dma_wait3A_13 = arith.constant 0 : i32
    %dma_wait3A_14 = tpu.memref_slice %arg5[%dma_wait3A, %dma_wait3A_13] : memref<2x2048xf32, #tpu.memory_space<vmem>> -> memref<1x2048xf32, #tpu.memory_space<vmem>>
    %dma_wait3A_15 = tpu.memref_squeeze %dma_wait3A_14 : memref<1x2048xf32, #tpu.memory_space<vmem>> -> memref<2048xf32, #tpu.memory_space<vmem>>
    %dma_wait3A_16 = tpu.memref_slice %arg2[%mul3A_2] : memref<4194304xf32, #tpu.memory_space<hbm>> -> memref<2048xf32, #tpu.memory_space<hbm>>
    %dma_wait3A_17 = arith.constant 0 : i32
    %dma_wait3A_18 = tpu.memref_slice %arg5[%dma_wait3A, %dma_wait3A_17] : memref<2x2048xf32, #tpu.memory_space<vmem>> -> memref<1x2048xf32, #tpu.memory_space<vmem>>
    %dma_wait3A_19 = tpu.memref_squeeze %dma_wait3A_18 : memref<1x2048xf32, #tpu.memory_space<vmem>> -> memref<2048xf32, #tpu.memory_space<vmem>>
    %dma_wait3A_20 = tpu.memref_slice %arg2[%mul3A_2] : memref<4194304xf32, #tpu.memory_space<hbm>> -> memref<2048xf32, #tpu.memory_space<hbm>>
    tpu.wait_dma2 semaphore(%arg9 : memref<!tpu.dma_semaphore, #tpu.memory_space<semaphore_mem>>) src(%dma_wait3A_20 : memref<2048xf32, #tpu.memory_space<hbm>>) dst(%dma_wait3A_19 : memref<2048xf32, #tpu.memory_space<vmem>>)
    %scan3A = arith.constant 0 : i32
    %scan3A_21 = arith.constant 0 : i32
    %scan3A_22 = arith.constant 128 : i32
    %scan3A_23 = arith.addi %scan3A_21, %scan3A_22 : i32
    %scan3A_24 = arith.constant 1 : i32
    scf.for %scan3A_253 = %scan3A_21 to %scan3A_23 step %scan3A_24  : i32 {
      %mul3A_254 = arith.constant 16 : i32
      %mul3A_255 = arith.muli %scan3A_253, %mul3A_254 : i32
      %multiple_of3A = tpu.assume_multiple %mul3A_255, 16 : i32
      %get3A = arith.constant 0 : i32
      %get3A_256 = arith.index_cast %get3A : i32 to index
      %get3A_257 = arith.index_cast %multiple_of3A : i32 to index
      %get3A_258 = tpu.vector_load %arg5[%get3A_256, %get3A_257] {strides = array<i32>} : memref<2x2048xf32, #tpu.memory_space<vmem>>, vector<16xf32>,
      %div3A = arith.constant 1.00000102E-6 : f32
      %div3A_259 = vector.broadcast %div3A : f32 to vector<16xf32>
      %div3A_260 = arith.divf %get3A_258, %div3A_259 : vector<16xf32>
      %convert_element_type3A = arith.fptosi %div3A_260 : vector<16xf32> to vector<16xi32>
      %shift_right_arithmetic3A = arith.constant 1 : i32
      %shift_right_arithmetic3A_261 = vector.broadcast %shift_right_arithmetic3A : i32 to vector<16xi32>
      %shift_right_arithmetic3A_262 = arith.shrsi %convert_element_type3A, %shift_right_arithmetic3A_261 : vector<16xi32>
      %swap3A = arith.constant 0 : i32
      %swap3A_263 = arith.index_cast %swap3A : i32 to index
      %swap3A_264 = arith.index_cast %multiple_of3A : i32 to index
      %swap3A_265 = tpu.vector_load %arg6[%swap3A_263, %swap3A_264] {strides = array<i32>} : memref<2x2048xi32, #tpu.memory_space<vmem>>, vector<16xi32>,
      tpu.vector_store %arg6[%swap3A_263, %swap3A_264], %shift_right_arithmetic3A_262 {strides = array<i32>} : memref<2x2048xi32, #tpu.memory_space<vmem>>, vector<16xi32>,
    }
    %scan3A_25 = arith.constant 128 : i32
    %dma_start3A_26 = arith.constant 0 : i32
    %dma_start3A_27 = arith.constant 0 : i32
    %dma_start3A_28 = arith.constant 0 : i32
    %dma_start3A_29 = arith.constant 0 : i32
    %dma_start3A_30 = tpu.memref_slice %arg7[%dma_start3A_27, %dma_start3A_28, %dma_start3A_29] : memref<2x2048x16xf32, #tpu.memory_space<vmem>> -> memref<1x128x16xf32, #tpu.memory_space<vmem>>
    %dma_start3A_31 = tpu.memref_squeeze %dma_start3A_30 : memref<1x128x16xf32, #tpu.memory_space<vmem>> -> memref<128x16xf32, #tpu.memory_space<vmem>>
    %dma_start3A_32 = arith.constant 0 : i32
    %dma_start3A_33 = tpu.memref_slice %arg6[%dma_start3A_26, %dma_start3A_32] : memref<2x2048xi32, #tpu.memory_space<vmem>> -> memref<1x128xi32, #tpu.memory_space<vmem>>
    %dma_start3A_34 = tpu.memref_squeeze %dma_start3A_33 : memref<1x128xi32, #tpu.memory_space<vmem>> -> memref<128xi32, #tpu.memory_space<vmem>>
    %dma_start3A_35 = arith.constant 0 : i32
    %dma_start3A_36 = arith.constant 0 : i32
    %dma_start3A_37 = tpu.memref_slice %arg3[%dma_start3A_35, %dma_start3A_36] : memref<500224x16xf32, #tpu.memory_space<hbm>> -> memref<500224x16xf32, #tpu.memory_space<hbm>>
    tpu.enqueue_indirect_dma source(%dma_start3A_37 : memref<500224x16xf32, #tpu.memory_space<hbm>>) target(%dma_start3A_31 : memref<128x16xf32, #tpu.memory_space<vmem>>) offsets(%dma_start3A_34 : memref<128xi32, #tpu.memory_space<vmem>>) semaphore(%arg10 : memref<!tpu.dma_semaphore, #tpu.memory_space<semaphore_mem>>)
    %dma_start3A_38 = arith.constant 0 : i32
    %dma_start3A_39 = arith.constant 0 : i32
    %dma_start3A_40 = arith.constant 128 : i32
    %dma_start3A_41 = arith.constant 0 : i32
    %dma_start3A_42 = tpu.memref_slice %arg7[%dma_start3A_39, %dma_start3A_40, %dma_start3A_41] : memref<2x2048x16xf32, #tpu.memory_space<vmem>> -> memref<1x128x16xf32, #tpu.memory_space<vmem>>
    %dma_start3A_43 = tpu.memref_squeeze %dma_start3A_42 : memref<1x128x16xf32, #tpu.memory_space<vmem>> -> memref<128x16xf32, #tpu.memory_space<vmem>>
    %dma_start3A_44 = arith.constant 128 : i32
    %dma_start3A_45 = tpu.memref_slice %arg6[%dma_start3A_38, %dma_start3A_44] : memref<2x2048xi32, #tpu.memory_space<vmem>> -> memref<1x128xi32, #tpu.memory_space<vmem>>
    %dma_start3A_46 = tpu.memref_squeeze %dma_start3A_45 : memref<1x128xi32, #tpu.memory_space<vmem>> -> memref<128xi32, #tpu.memory_space<vmem>>
    %dma_start3A_47 = arith.constant 0 : i32
    %dma_start3A_48 = arith.constant 0 : i32
    %dma_start3A_49 = tpu.memref_slice %arg3[%dma_start3A_47, %dma_start3A_48] : memref<500224x16xf32, #tpu.memory_space<hbm>> -> memref<500224x16xf32, #tpu.memory_space<hbm>>
    tpu.enqueue_indirect_dma source(%dma_start3A_49 : memref<500224x16xf32, #tpu.memory_space<hbm>>) target(%dma_start3A_43 : memref<128x16xf32, #tpu.memory_space<vmem>>) offsets(%dma_start3A_46 : memref<128xi32, #tpu.memory_space<vmem>>) semaphore(%arg10 : memref<!tpu.dma_semaphore, #tpu.memory_space<semaphore_mem>>)
    %dma_start3A_50 = arith.constant 0 : i32
    %dma_start3A_51 = arith.constant 0 : i32
    %dma_start3A_52 = arith.constant 256 : i32
    %dma_start3A_53 = arith.constant 0 : i32
    %dma_start3A_54 = tpu.memref_slice %arg7[%dma_start3A_51, %dma_start3A_52, %dma_start3A_53] : memref<2x2048x16xf32, #tpu.memory_space<vmem>> -> memref<1x128x16xf32, #tpu.memory_space<vmem>>
    %dma_start3A_55 = tpu.memref_squeeze %dma_start3A_54 : memref<1x128x16xf32, #tpu.memory_space<vmem>> -> memref<128x16xf32, #tpu.memory_space<vmem>>
    %dma_start3A_56 = arith.constant 256 : i32
    %dma_start3A_57 = tpu.memref_slice %arg6[%dma_start3A_50, %dma_start3A_56] : memref<2x2048xi32, #tpu.memory_space<vmem>> -> memref<1x128xi32, #tpu.memory_space<vmem>>
    %dma_start3A_58 = tpu.memref_squeeze %dma_start3A_57 : memref<1x128xi32, #tpu.memory_space<vmem>> -> memref<128xi32, #tpu.memory_space<vmem>>
    %dma_start3A_59 = arith.constant 0 : i32
    %dma_start3A_60 = arith.constant 0 : i32
    %dma_start3A_61 = tpu.memref_slice %arg3[%dma_start3A_59, %dma_start3A_60] : memref<500224x16xf32, #tpu.memory_space<hbm>> -> memref<500224x16xf32, #tpu.memory_space<hbm>>
    tpu.enqueue_indirect_dma source(%dma_start3A_61 : memref<500224x16xf32, #tpu.memory_space<hbm>>) target(%dma_start3A_55 : memref<128x16xf32, #tpu.memory_space<vmem>>) offsets(%dma_start3A_58 : memref<128xi32, #tpu.memory_space<vmem>>) semaphore(%arg10 : memref<!tpu.dma_semaphore, #tpu.memory_space<semaphore_mem>>)
    %dma_start3A_62 = arith.constant 0 : i32
    %dma_start3A_63 = arith.constant 0 : i32
    %dma_start3A_64 = arith.constant 384 : i32
    %dma_start3A_65 = arith.constant 0 : i32
    %dma_start3A_66 = tpu.memref_slice %arg7[%dma_start3A_63, %dma_start3A_64, %dma_start3A_65] : memref<2x2048x16xf32, #tpu.memory_space<vmem>> -> memref<1x128x16xf32, #tpu.memory_space<vmem>>
    %dma_start3A_67 = tpu.memref_squeeze %dma_start3A_66 : memref<1x128x16xf32, #tpu.memory_space<vmem>> -> memref<128x16xf32, #tpu.memory_space<vmem>>
    %dma_start3A_68 = arith.constant 384 : i32
    %dma_start3A_69 = tpu.memref_slice %arg6[%dma_start3A_62, %dma_start3A_68] : memref<2x2048xi32, #tpu.memory_space<vmem>> -> memref<1x128xi32, #tpu.memory_space<vmem>>
    %dma_start3A_70 = tpu.memref_squeeze %dma_start3A_69 : memref<1x128xi32, #tpu.memory_space<vmem>> -> memref<128xi32, #tpu.memory_space<vmem>>
    %dma_start3A_71 = arith.constant 0 : i32
    %dma_start3A_72 = arith.constant 0 : i32
    %dma_start3A_73 = tpu.memref_slice %arg3[%dma_start3A_71, %dma_start3A_72] : memref<500224x16xf32, #tpu.memory_space<hbm>> -> memref<500224x16xf32, #tpu.memory_space<hbm>>
    tpu.enqueue_indirect_dma source(%dma_start3A_73 : memref<500224x16xf32, #tpu.memory_space<hbm>>) target(%dma_start3A_67 : memref<128x16xf32, #tpu.memory_space<vmem>>) offsets(%dma_start3A_70 : memref<128xi32, #tpu.memory_space<vmem>>) semaphore(%arg10 : memref<!tpu.dma_semaphore, #tpu.memory_space<semaphore_mem>>)
    %dma_start3A_74 = arith.constant 0 : i32
    %dma_start3A_75 = arith.constant 0 : i32
    %dma_start3A_76 = arith.constant 512 : i32
    %dma_start3A_77 = arith.constant 0 : i32
    %dma_start3A_78 = tpu.memref_slice %arg7[%dma_start3A_75, %dma_start3A_76, %dma_start3A_77] : memref<2x2048x16xf32, #tpu.memory_space<vmem>> -> memref<1x128x16xf32, #tpu.memory_space<vmem>>
    %dma_start3A_79 = tpu.memref_squeeze %dma_start3A_78 : memref<1x128x16xf32, #tpu.memory_space<vmem>> -> memref<128x16xf32, #tpu.memory_space<vmem>>
    %dma_start3A_80 = arith.constant 512 : i32
    %dma_start3A_81 = tpu.memref_slice %arg6[%dma_start3A_74, %dma_start3A_80] : memref<2x2048xi32, #tpu.memory_space<vmem>> -> memref<1x128xi32, #tpu.memory_space<vmem>>
    %dma_start3A_82 = tpu.memref_squeeze %dma_start3A_81 : memref<1x128xi32, #tpu.memory_space<vmem>> -> memref<128xi32, #tpu.memory_space<vmem>>
    %dma_start3A_83 = arith.constant 0 : i32
    %dma_start3A_84 = arith.constant 0 : i32
    %dma_start3A_85 = tpu.memref_slice %arg3[%dma_start3A_83, %dma_start3A_84] : memref<500224x16xf32, #tpu.memory_space<hbm>> -> memref<500224x16xf32, #tpu.memory_space<hbm>>
    tpu.enqueue_indirect_dma source(%dma_start3A_85 : memref<500224x16xf32, #tpu.memory_space<hbm>>) target(%dma_start3A_79 : memref<128x16xf32, #tpu.memory_space<vmem>>) offsets(%dma_start3A_82 : memref<128xi32, #tpu.memory_space<vmem>>) semaphore(%arg10 : memref<!tpu.dma_semaphore, #tpu.memory_space<semaphore_mem>>)
    %dma_start3A_86 = arith.constant 0 : i32
    %dma_start3A_87 = arith.constant 0 : i32
    %dma_start3A_88 = arith.constant 640 : i32
    %dma_start3A_89 = arith.constant 0 : i32
    %dma_start3A_90 = tpu.memref_slice %arg7[%dma_start3A_87, %dma_start3A_88, %dma_start3A_89] : memref<2x2048x16xf32, #tpu.memory_space<vmem>> -> memref<1x128x16xf32, #tpu.memory_space<vmem>>
    %dma_start3A_91 = tpu.memref_squeeze %dma_start3A_90 : memref<1x128x16xf32, #tpu.memory_space<vmem>> -> memref<128x16xf32, #tpu.memory_space<vmem>>
    %dma_start3A_92 = arith.constant 640 : i32
    %dma_start3A_93 = tpu.memref_slice %arg6[%dma_start3A_86, %dma_start3A_92] : memref<2x2048xi32, #tpu.memory_space<vmem>> -> memref<1x128xi32, #tpu.memory_space<vmem>>
    %dma_start3A_94 = tpu.memref_squeeze %dma_start3A_93 : memref<1x128xi32, #tpu.memory_space<vmem>> -> memref<128xi32, #tpu.memory_space<vmem>>
    %dma_start3A_95 = arith.constant 0 : i32
    %dma_start3A_96 = arith.constant 0 : i32
    %dma_start3A_97 = tpu.memref_slice %arg3[%dma_start3A_95, %dma_start3A_96] : memref<500224x16xf32, #tpu.memory_space<hbm>> -> memref<500224x16xf32, #tpu.memory_space<hbm>>
    tpu.enqueue_indirect_dma source(%dma_start3A_97 : memref<500224x16xf32, #tpu.memory_space<hbm>>) target(%dma_start3A_91 : memref<128x16xf32, #tpu.memory_space<vmem>>) offsets(%dma_start3A_94 : memref<128xi32, #tpu.memory_space<vmem>>) semaphore(%arg10 : memref<!tpu.dma_semaphore, #tpu.memory_space<semaphore_mem>>)
    %dma_start3A_98 = arith.constant 0 : i32
    %dma_start3A_99 = arith.constant 0 : i32
    %dma_start3A_100 = arith.constant 768 : i32
    %dma_start3A_101 = arith.constant 0 : i32
    %dma_start3A_102 = tpu.memref_slice %arg7[%dma_start3A_99, %dma_start3A_100, %dma_start3A_101] : memref<2x2048x16xf32, #tpu.memory_space<vmem>> -> memref<1x128x16xf32, #tpu.memory_space<vmem>>
    %dma_start3A_103 = tpu.memref_squeeze %dma_start3A_102 : memref<1x128x16xf32, #tpu.memory_space<vmem>> -> memref<128x16xf32, #tpu.memory_space<vmem>>
    %dma_start3A_104 = arith.constant 768 : i32
    %dma_start3A_105 = tpu.memref_slice %arg6[%dma_start3A_98, %dma_start3A_104] : memref<2x2048xi32, #tpu.memory_space<vmem>> -> memref<1x128xi32, #tpu.memory_space<vmem>>
    %dma_start3A_106 = tpu.memref_squeeze %dma_start3A_105 : memref<1x128xi32, #tpu.memory_space<vmem>> -> memref<128xi32, #tpu.memory_space<vmem>>
    %dma_start3A_107 = arith.constant 0 : i32
    %dma_start3A_108 = arith.constant 0 : i32
    %dma_start3A_109 = tpu.memref_slice %arg3[%dma_start3A_107, %dma_start3A_108] : memref<500224x16xf32, #tpu.memory_space<hbm>> -> memref<500224x16xf32, #tpu.memory_space<hbm>>
    tpu.enqueue_indirect_dma source(%dma_start3A_109 : memref<500224x16xf32, #tpu.memory_space<hbm>>) target(%dma_start3A_103 : memref<128x16xf32, #tpu.memory_space<vmem>>) offsets(%dma_start3A_106 : memref<128xi32, #tpu.memory_space<vmem>>) semaphore(%arg10 : memref<!tpu.dma_semaphore, #tpu.memory_space<semaphore_mem>>)
    %dma_start3A_110 = arith.constant 0 : i32
    %dma_start3A_111 = arith.constant 0 : i32
    %dma_start3A_112 = arith.constant 896 : i32
    %dma_start3A_113 = arith.constant 0 : i32
    %dma_start3A_114 = tpu.memref_slice %arg7[%dma_start3A_111, %dma_start3A_112, %dma_start3A_113] : memref<2x2048x16xf32, #tpu.memory_space<vmem>> -> memref<1x128x16xf32, #tpu.memory_space<vmem>>
    %dma_start3A_115 = tpu.memref_squeeze %dma_start3A_114 : memref<1x128x16xf32, #tpu.memory_space<vmem>> -> memref<128x16xf32, #tpu.memory_space<vmem>>
    %dma_start3A_116 = arith.constant 896 : i32
    %dma_start3A_117 = tpu.memref_slice %arg6[%dma_start3A_110, %dma_start3A_116] : memref<2x2048xi32, #tpu.memory_space<vmem>> -> memref<1x128xi32, #tpu.memory_space<vmem>>
    %dma_start3A_118 = tpu.memref_squeeze %dma_start3A_117 : memref<1x128xi32, #tpu.memory_space<vmem>> -> memref<128xi32, #tpu.memory_space<vmem>>
    %dma_start3A_119 = arith.constant 0 : i32
    %dma_start3A_120 = arith.constant 0 : i32
    %dma_start3A_121 = tpu.memref_slice %arg3[%dma_start3A_119, %dma_start3A_120] : memref<500224x16xf32, #tpu.memory_space<hbm>> -> memref<500224x16xf32, #tpu.memory_space<hbm>>
    tpu.enqueue_indirect_dma source(%dma_start3A_121 : memref<500224x16xf32, #tpu.memory_space<hbm>>) target(%dma_start3A_115 : memref<128x16xf32, #tpu.memory_space<vmem>>) offsets(%dma_start3A_118 : memref<128xi32, #tpu.memory_space<vmem>>) semaphore(%arg10 : memref<!tpu.dma_semaphore, #tpu.memory_space<semaphore_mem>>)
    %dma_start3A_122 = arith.constant 0 : i32
    %dma_start3A_123 = arith.constant 0 : i32
    %dma_start3A_124 = arith.constant 1024 : i32
    %dma_start3A_125 = arith.constant 0 : i32
    %dma_start3A_126 = tpu.memref_slice %arg7[%dma_start3A_123, %dma_start3A_124, %dma_start3A_125] : memref<2x2048x16xf32, #tpu.memory_space<vmem>> -> memref<1x128x16xf32, #tpu.memory_space<vmem>>
    %dma_start3A_127 = tpu.memref_squeeze %dma_start3A_126 : memref<1x128x16xf32, #tpu.memory_space<vmem>> -> memref<128x16xf32, #tpu.memory_space<vmem>>
    %dma_start3A_128 = arith.constant 1024 : i32
    %dma_start3A_129 = tpu.memref_slice %arg6[%dma_start3A_122, %dma_start3A_128] : memref<2x2048xi32, #tpu.memory_space<vmem>> -> memref<1x128xi32, #tpu.memory_space<vmem>>
    %dma_start3A_130 = tpu.memref_squeeze %dma_start3A_129 : memref<1x128xi32, #tpu.memory_space<vmem>> -> memref<128xi32, #tpu.memory_space<vmem>>
    %dma_start3A_131 = arith.constant 0 : i32
    %dma_start3A_132 = arith.constant 0 : i32
    %dma_start3A_133 = tpu.memref_slice %arg3[%dma_start3A_131, %dma_start3A_132] : memref<500224x16xf32, #tpu.memory_space<hbm>> -> memref<500224x16xf32, #tpu.memory_space<hbm>>
    tpu.enqueue_indirect_dma source(%dma_start3A_133 : memref<500224x16xf32, #tpu.memory_space<hbm>>) target(%dma_start3A_127 : memref<128x16xf32, #tpu.memory_space<vmem>>) offsets(%dma_start3A_130 : memref<128xi32, #tpu.memory_space<vmem>>) semaphore(%arg10 : memref<!tpu.dma_semaphore, #tpu.memory_space<semaphore_mem>>)
    %dma_start3A_134 = arith.constant 0 : i32
    %dma_start3A_135 = arith.constant 0 : i32
    %dma_start3A_136 = arith.constant 1152 : i32
    %dma_start3A_137 = arith.constant 0 : i32
    %dma_start3A_138 = tpu.memref_slice %arg7[%dma_start3A_135, %dma_start3A_136, %dma_start3A_137] : memref<2x2048x16xf32, #tpu.memory_space<vmem>> -> memref<1x128x16xf32, #tpu.memory_space<vmem>>
    %dma_start3A_139 = tpu.memref_squeeze %dma_start3A_138 : memref<1x128x16xf32, #tpu.memory_space<vmem>> -> memref<128x16xf32, #tpu.memory_space<vmem>>
    %dma_start3A_140 = arith.constant 1152 : i32
    %dma_start3A_141 = tpu.memref_slice %arg6[%dma_start3A_134, %dma_start3A_140] : memref<2x2048xi32, #tpu.memory_space<vmem>> -> memref<1x128xi32, #tpu.memory_space<vmem>>
    %dma_start3A_142 = tpu.memref_squeeze %dma_start3A_141 : memref<1x128xi32, #tpu.memory_space<vmem>> -> memref<128xi32, #tpu.memory_space<vmem>>
    %dma_start3A_143 = arith.constant 0 : i32
    %dma_start3A_144 = arith.constant 0 : i32
    %dma_start3A_145 = tpu.memref_slice %arg3[%dma_start3A_143, %dma_start3A_144] : memref<500224x16xf32, #tpu.memory_space<hbm>> -> memref<500224x16xf32, #tpu.memory_space<hbm>>
    tpu.enqueue_indirect_dma source(%dma_start3A_145 : memref<500224x16xf32, #tpu.memory_space<hbm>>) target(%dma_start3A_139 : memref<128x16xf32, #tpu.memory_space<vmem>>) offsets(%dma_start3A_142 : memref<128xi32, #tpu.memory_space<vmem>>) semaphore(%arg10 : memref<!tpu.dma_semaphore, #tpu.memory_space<semaphore_mem>>)
    %dma_start3A_146 = arith.constant 0 : i32
    %dma_start3A_147 = arith.constant 0 : i32
    %dma_start3A_148 = arith.constant 1280 : i32
    %dma_start3A_149 = arith.constant 0 : i32
    %dma_start3A_150 = tpu.memref_slice %arg7[%dma_start3A_147, %dma_start3A_148, %dma_start3A_149] : memref<2x2048x16xf32, #tpu.memory_space<vmem>> -> memref<1x128x16xf32, #tpu.memory_space<vmem>>
    %dma_start3A_151 = tpu.memref_squeeze %dma_start3A_150 : memref<1x128x16xf32, #tpu.memory_space<vmem>> -> memref<128x16xf32, #tpu.memory_space<vmem>>
    %dma_start3A_152 = arith.constant 1280 : i32
    %dma_start3A_153 = tpu.memref_slice %arg6[%dma_start3A_146, %dma_start3A_152] : memref<2x2048xi32, #tpu.memory_space<vmem>> -> memref<1x128xi32, #tpu.memory_space<vmem>>
    %dma_start3A_154 = tpu.memref_squeeze %dma_start3A_153 : memref<1x128xi32, #tpu.memory_space<vmem>> -> memref<128xi32, #tpu.memory_space<vmem>>
    %dma_start3A_155 = arith.constant 0 : i32
    %dma_start3A_156 = arith.constant 0 : i32
    %dma_start3A_157 = tpu.memref_slice %arg3[%dma_start3A_155, %dma_start3A_156] : memref<500224x16xf32, #tpu.memory_space<hbm>> -> memref<500224x16xf32, #tpu.memory_space<hbm>>
    tpu.enqueue_indirect_dma source(%dma_start3A_157 : memref<500224x16xf32, #tpu.memory_space<hbm>>) target(%dma_start3A_151 : memref<128x16xf32, #tpu.memory_space<vmem>>) offsets(%dma_start3A_154 : memref<128xi32, #tpu.memory_space<vmem>>) semaphore(%arg10 : memref<!tpu.dma_semaphore, #tpu.memory_space<semaphore_mem>>)
    %dma_start3A_158 = arith.constant 0 : i32
    %dma_start3A_159 = arith.constant 0 : i32
    %dma_start3A_160 = arith.constant 1408 : i32
    %dma_start3A_161 = arith.constant 0 : i32
    %dma_start3A_162 = tpu.memref_slice %arg7[%dma_start3A_159, %dma_start3A_160, %dma_start3A_161] : memref<2x2048x16xf32, #tpu.memory_space<vmem>> -> memref<1x128x16xf32, #tpu.memory_space<vmem>>
    %dma_start3A_163 = tpu.memref_squeeze %dma_start3A_162 : memref<1x128x16xf32, #tpu.memory_space<vmem>> -> memref<128x16xf32, #tpu.memory_space<vmem>>
    %dma_start3A_164 = arith.constant 1408 : i32
    %dma_start3A_165 = tpu.memref_slice %arg6[%dma_start3A_158, %dma_start3A_164] : memref<2x2048xi32, #tpu.memory_space<vmem>> -> memref<1x128xi32, #tpu.memory_space<vmem>>
    %dma_start3A_166 = tpu.memref_squeeze %dma_start3A_165 : memref<1x128xi32, #tpu.memory_space<vmem>> -> memref<128xi32, #tpu.memory_space<vmem>>
    %dma_start3A_167 = arith.constant 0 : i32
    %dma_start3A_168 = arith.constant 0 : i32
    %dma_start3A_169 = tpu.memref_slice %arg3[%dma_start3A_167, %dma_start3A_168] : memref<500224x16xf32, #tpu.memory_space<hbm>> -> memref<500224x16xf32, #tpu.memory_space<hbm>>
    tpu.enqueue_indirect_dma source(%dma_start3A_169 : memref<500224x16xf32, #tpu.memory_space<hbm>>) target(%dma_start3A_163 : memref<128x16xf32, #tpu.memory_space<vmem>>) offsets(%dma_start3A_166 : memref<128xi32, #tpu.memory_space<vmem>>) semaphore(%arg10 : memref<!tpu.dma_semaphore, #tpu.memory_space<semaphore_mem>>)
    %dma_start3A_170 = arith.constant 0 : i32
    %dma_start3A_171 = arith.constant 0 : i32
    %dma_start3A_172 = arith.constant 1536 : i32
    %dma_start3A_173 = arith.constant 0 : i32
    %dma_start3A_174 = tpu.memref_slice %arg7[%dma_start3A_171, %dma_start3A_172, %dma_start3A_173] : memref<2x2048x16xf32, #tpu.memory_space<vmem>> -> memref<1x128x16xf32, #tpu.memory_space<vmem>>
    %dma_start3A_175 = tpu.memref_squeeze %dma_start3A_174 : memref<1x128x16xf32, #tpu.memory_space<vmem>> -> memref<128x16xf32, #tpu.memory_space<vmem>>
    %dma_start3A_176 = arith.constant 1536 : i32
    %dma_start3A_177 = tpu.memref_slice %arg6[%dma_start3A_170, %dma_start3A_176] : memref<2x2048xi32, #tpu.memory_space<vmem>> -> memref<1x128xi32, #tpu.memory_space<vmem>>
    %dma_start3A_178 = tpu.memref_squeeze %dma_start3A_177 : memref<1x128xi32, #tpu.memory_space<vmem>> -> memref<128xi32, #tpu.memory_space<vmem>>
    %dma_start3A_179 = arith.constant 0 : i32
    %dma_start3A_180 = arith.constant 0 : i32
    %dma_start3A_181 = tpu.memref_slice %arg3[%dma_start3A_179, %dma_start3A_180] : memref<500224x16xf32, #tpu.memory_space<hbm>> -> memref<500224x16xf32, #tpu.memory_space<hbm>>
    tpu.enqueue_indirect_dma source(%dma_start3A_181 : memref<500224x16xf32, #tpu.memory_space<hbm>>) target(%dma_start3A_175 : memref<128x16xf32, #tpu.memory_space<vmem>>) offsets(%dma_start3A_178 : memref<128xi32, #tpu.memory_space<vmem>>) semaphore(%arg10 : memref<!tpu.dma_semaphore, #tpu.memory_space<semaphore_mem>>)
    %dma_start3A_182 = arith.constant 0 : i32
    %dma_start3A_183 = arith.constant 0 : i32
    %dma_start3A_184 = arith.constant 1664 : i32
    %dma_start3A_185 = arith.constant 0 : i32
    %dma_start3A_186 = tpu.memref_slice %arg7[%dma_start3A_183, %dma_start3A_184, %dma_start3A_185] : memref<2x2048x16xf32, #tpu.memory_space<vmem>> -> memref<1x128x16xf32, #tpu.memory_space<vmem>>
    %dma_start3A_187 = tpu.memref_squeeze %dma_start3A_186 : memref<1x128x16xf32, #tpu.memory_space<vmem>> -> memref<128x16xf32, #tpu.memory_space<vmem>>
    %dma_start3A_188 = arith.constant 1664 : i32
    %dma_start3A_189 = tpu.memref_slice %arg6[%dma_start3A_182, %dma_start3A_188] : memref<2x2048xi32, #tpu.memory_space<vmem>> -> memref<1x128xi32, #tpu.memory_space<vmem>>
    %dma_start3A_190 = tpu.memref_squeeze %dma_start3A_189 : memref<1x128xi32, #tpu.memory_space<vmem>> -> memref<128xi32, #tpu.memory_space<vmem>>
    %dma_start3A_191 = arith.constant 0 : i32
    %dma_start3A_192 = arith.constant 0 : i32
    %dma_start3A_193 = tpu.memref_slice %arg3[%dma_start3A_191, %dma_start3A_192] : memref<500224x16xf32, #tpu.memory_space<hbm>> -> memref<500224x16xf32, #tpu.memory_space<hbm>>
    tpu.enqueue_indirect_dma source(%dma_start3A_193 : memref<500224x16xf32, #tpu.memory_space<hbm>>) target(%dma_start3A_187 : memref<128x16xf32, #tpu.memory_space<vmem>>) offsets(%dma_start3A_190 : memref<128xi32, #tpu.memory_space<vmem>>) semaphore(%arg10 : memref<!tpu.dma_semaphore, #tpu.memory_space<semaphore_mem>>)
    %dma_start3A_194 = arith.constant 0 : i32
    %dma_start3A_195 = arith.constant 0 : i32
    %dma_start3A_196 = arith.constant 1792 : i32
    %dma_start3A_197 = arith.constant 0 : i32
    %dma_start3A_198 = tpu.memref_slice %arg7[%dma_start3A_195, %dma_start3A_196, %dma_start3A_197] : memref<2x2048x16xf32, #tpu.memory_space<vmem>> -> memref<1x128x16xf32, #tpu.memory_space<vmem>>
    %dma_start3A_199 = tpu.memref_squeeze %dma_start3A_198 : memref<1x128x16xf32, #tpu.memory_space<vmem>> -> memref<128x16xf32, #tpu.memory_space<vmem>>
    %dma_start3A_200 = arith.constant 1792 : i32
    %dma_start3A_201 = tpu.memref_slice %arg6[%dma_start3A_194, %dma_start3A_200] : memref<2x2048xi32, #tpu.memory_space<vmem>> -> memref<1x128xi32, #tpu.memory_space<vmem>>
    %dma_start3A_202 = tpu.memref_squeeze %dma_start3A_201 : memref<1x128xi32, #tpu.memory_space<vmem>> -> memref<128xi32, #tpu.memory_space<vmem>>
    %dma_start3A_203 = arith.constant 0 : i32
    %dma_start3A_204 = arith.constant 0 : i32
    %dma_start3A_205 = tpu.memref_slice %arg3[%dma_start3A_203, %dma_start3A_204] : memref<500224x16xf32, #tpu.memory_space<hbm>> -> memref<500224x16xf32, #tpu.memory_space<hbm>>
    tpu.enqueue_indirect_dma source(%dma_start3A_205 : memref<500224x16xf32, #tpu.memory_space<hbm>>) target(%dma_start3A_199 : memref<128x16xf32, #tpu.memory_space<vmem>>) offsets(%dma_start3A_202 : memref<128xi32, #tpu.memory_space<vmem>>) semaphore(%arg10 : memref<!tpu.dma_semaphore, #tpu.memory_space<semaphore_mem>>)
    %dma_start3A_206 = arith.constant 0 : i32
    %dma_start3A_207 = arith.constant 0 : i32
    %dma_start3A_208 = arith.constant 1920 : i32
    %dma_start3A_209 = arith.constant 0 : i32
    %dma_start3A_210 = tpu.memref_slice %arg7[%dma_start3A_207, %dma_start3A_208, %dma_start3A_209] : memref<2x2048x16xf32, #tpu.memory_space<vmem>> -> memref<1x128x16xf32, #tpu.memory_space<vmem>>
    %dma_start3A_211 = tpu.memref_squeeze %dma_start3A_210 : memref<1x128x16xf32, #tpu.memory_space<vmem>> -> memref<128x16xf32, #tpu.memory_space<vmem>>
    %dma_start3A_212 = arith.constant 1920 : i32
    %dma_start3A_213 = tpu.memref_slice %arg6[%dma_start3A_206, %dma_start3A_212] : memref<2x2048xi32, #tpu.memory_space<vmem>> -> memref<1x128xi32, #tpu.memory_space<vmem>>
    %dma_start3A_214 = tpu.memref_squeeze %dma_start3A_213 : memref<1x128xi32, #tpu.memory_space<vmem>> -> memref<128xi32, #tpu.memory_space<vmem>>
    %dma_start3A_215 = arith.constant 0 : i32
    %dma_start3A_216 = arith.constant 0 : i32
    %dma_start3A_217 = tpu.memref_slice %arg3[%dma_start3A_215, %dma_start3A_216] : memref<500224x16xf32, #tpu.memory_space<hbm>> -> memref<500224x16xf32, #tpu.memory_space<hbm>>
    tpu.enqueue_indirect_dma source(%dma_start3A_217 : memref<500224x16xf32, #tpu.memory_space<hbm>>) target(%dma_start3A_211 : memref<128x16xf32, #tpu.memory_space<vmem>>) offsets(%dma_start3A_214 : memref<128xi32, #tpu.memory_space<vmem>>) semaphore(%arg10 : memref<!tpu.dma_semaphore, #tpu.memory_space<semaphore_mem>>)
    %add3A_218 = arith.constant 2048 : i32
    %add3A_219 = arith.addi %mul3A_2, %add3A_218 : i32
    %dma_start3A_220 = arith.constant 1 : i32
    %dma_start3A_221 = arith.constant 0 : i32
    %dma_start3A_222 = tpu.memref_slice %arg5[%dma_start3A_220, %dma_start3A_221] : memref<2x2048xf32, #tpu.memory_space<vmem>> -> memref<1x2048xf32, #tpu.memory_space<vmem>>
    %dma_start3A_223 = tpu.memref_squeeze %dma_start3A_222 : memref<1x2048xf32, #tpu.memory_space<vmem>> -> memref<2048xf32, #tpu.memory_space<vmem>>
    %dma_start3A_224 = tpu.memref_slice %arg2[%add3A_219] : memref<4194304xf32, #tpu.memory_space<hbm>> -> memref<2048xf32, #tpu.memory_space<hbm>>
    %dma_start3A_225 = arith.constant 0 : i32
    %dma_start3A_226 = tpu.memref_slice %arg5[%dma_start3A_220, %dma_start3A_225] : memref<2x2048xf32, #tpu.memory_space<vmem>> -> memref<1x2048xf32, #tpu.memory_space<vmem>>
    %dma_start3A_227 = tpu.memref_squeeze %dma_start3A_226 : memref<1x2048xf32, #tpu.memory_space<vmem>> -> memref<2048xf32, #tpu.memory_space<vmem>>
    %dma_start3A_228 = tpu.memref_slice %arg2[%add3A_219] : memref<4194304xf32, #tpu.memory_space<hbm>> -> memref<2048xf32, #tpu.memory_space<hbm>>
    tpu.enqueue_dma source(%dma_start3A_228 : memref<2048xf32, #tpu.memory_space<hbm>>) target(%dma_start3A_227 : memref<2048xf32, #tpu.memory_space<vmem>>) target_semaphore(%arg9 : memref<!tpu.dma_semaphore, #tpu.memory_space<semaphore_mem>>)
    %scan3A_229 = arith.constant 0 : i32
    %scan3A_230 = arith.constant 0 : i32
    %scan3A_231 = arith.constant 32 : i32
    %scan3A_232 = arith.addi %scan3A_230, %scan3A_231 : i32
    %scan3A_233 = arith.constant 1 : i32
    scf.for %scan3A_253 = %scan3A_230 to %scan3A_232 step %scan3A_233  : i32 {
      %mul3A_254 = arith.constant 2 : i32
      %mul3A_255 = arith.muli %mul3A_254, %scan3A_253 : i32
      %eq3A = arith.constant 31 : i32
      %eq3A_256 = arith.cmpi eq, %scan3A_253, %eq3A : i32
      %dma_wait3A_257 = arith.constant 1 : i32
      %dma_wait3A_258 = arith.constant 0 : i32
      %dma_wait3A_259 = tpu.memref_slice %arg5[%dma_wait3A_257, %dma_wait3A_258] : memref<2x2048xf32, #tpu.memory_space<vmem>> -> memref<1x2048xf32, #tpu.memory_space<vmem>>
      %dma_wait3A_260 = tpu.memref_squeeze %dma_wait3A_259 : memref<1x2048xf32, #tpu.memory_space<vmem>> -> memref<2048xf32, #tpu.memory_space<vmem>>
      %dma_wait3A_261 = tpu.memref_slice %arg2[%mul3A_2] : memref<4194304xf32, #tpu.memory_space<hbm>> -> memref<2048xf32, #tpu.memory_space<hbm>>
      %dma_wait3A_262 = arith.constant 0 : i32
      %dma_wait3A_263 = tpu.memref_slice %arg5[%dma_wait3A_257, %dma_wait3A_262] : memref<2x2048xf32, #tpu.memory_space<vmem>> -> memref<1x2048xf32, #tpu.memory_space<vmem>>
      %dma_wait3A_264 = tpu.memref_squeeze %dma_wait3A_263 : memref<1x2048xf32, #tpu.memory_space<vmem>> -> memref<2048xf32, #tpu.memory_space<vmem>>
      %dma_wait3A_265 = tpu.memref_slice %arg2[%mul3A_2] : memref<4194304xf32, #tpu.memory_space<hbm>> -> memref<2048xf32, #tpu.memory_space<hbm>>
      tpu.wait_dma2 semaphore(%arg9 : memref<!tpu.dma_semaphore, #tpu.memory_space<semaphore_mem>>) src(%dma_wait3A_265 : memref<2048xf32, #tpu.memory_space<hbm>>) dst(%dma_wait3A_264 : memref<2048xf32, #tpu.memory_space<vmem>>)
      %scan3A_266 = arith.constant 0 : i32
      %scan3A_267 = arith.constant 0 : i32
      %scan3A_268 = arith.constant 128 : i32
      %scan3A_269 = arith.addi %scan3A_267, %scan3A_268 : i32
      %scan3A_270 = arith.constant 1 : i32
      scf.for %scan3A_907 = %scan3A_267 to %scan3A_269 step %scan3A_270  : i32 {
        %mul3A_908 = arith.constant 16 : i32
        %mul3A_909 = arith.muli %scan3A_907, %mul3A_908 : i32
        %multiple_of3A = tpu.assume_multiple %mul3A_909, 16 : i32
        %get3A = arith.constant 1 : i32
        %get3A_910 = arith.index_cast %get3A : i32 to index
        %get3A_911 = arith.index_cast %multiple_of3A : i32 to index
        %get3A_912 = tpu.vector_load %arg5[%get3A_910, %get3A_911] {strides = array<i32>} : memref<2x2048xf32, #tpu.memory_space<vmem>>, vector<16xf32>,
        %div3A = arith.constant 1.00000102E-6 : f32
        %div3A_913 = vector.broadcast %div3A : f32 to vector<16xf32>
        %div3A_914 = arith.divf %get3A_912, %div3A_913 : vector<16xf32>
        %convert_element_type3A_915 = arith.fptosi %div3A_914 : vector<16xf32> to vector<16xi32>
        %shift_right_arithmetic3A = arith.constant 1 : i32
        %shift_right_arithmetic3A_916 = vector.broadcast %shift_right_arithmetic3A : i32 to vector<16xi32>
        %shift_right_arithmetic3A_917 = arith.shrsi %convert_element_type3A_915, %shift_right_arithmetic3A_916 : vector<16xi32>
        %swap3A = arith.constant 1 : i32
        %swap3A_918 = arith.index_cast %swap3A : i32 to index
        %swap3A_919 = arith.index_cast %multiple_of3A : i32 to index
        %swap3A_920 = tpu.vector_load %arg6[%swap3A_918, %swap3A_919] {strides = array<i32>} : memref<2x2048xi32, #tpu.memory_space<vmem>>, vector<16xi32>,
        tpu.vector_store %arg6[%swap3A_918, %swap3A_919], %shift_right_arithmetic3A_917 {strides = array<i32>} : memref<2x2048xi32, #tpu.memory_space<vmem>>, vector<16xi32>,
      }
      %scan3A_271 = arith.constant 128 : i32
      %dma_start3A_272 = arith.constant 1 : i32
      %dma_start3A_273 = arith.constant 1 : i32
      %dma_start3A_274 = arith.constant 0 : i32
      %dma_start3A_275 = arith.constant 0 : i32
      %dma_start3A_276 = tpu.memref_slice %arg7[%dma_start3A_273, %dma_start3A_274, %dma_start3A_275] : memref<2x2048x16xf32, #tpu.memory_space<vmem>> -> memref<1x128x16xf32, #tpu.memory_space<vmem>>
      %dma_start3A_277 = tpu.memref_squeeze %dma_start3A_276 : memref<1x128x16xf32, #tpu.memory_space<vmem>> -> memref<128x16xf32, #tpu.memory_space<vmem>>
      %dma_start3A_278 = arith.constant 0 : i32
      %dma_start3A_279 = tpu.memref_slice %arg6[%dma_start3A_272, %dma_start3A_278] : memref<2x2048xi32, #tpu.memory_space<vmem>> -> memref<1x128xi32, #tpu.memory_space<vmem>>
      %dma_start3A_280 = tpu.memref_squeeze %dma_start3A_279 : memref<1x128xi32, #tpu.memory_space<vmem>> -> memref<128xi32, #tpu.memory_space<vmem>>
      %dma_start3A_281 = arith.constant 0 : i32
      %dma_start3A_282 = arith.constant 0 : i32
      %dma_start3A_283 = tpu.memref_slice %arg3[%dma_start3A_281, %dma_start3A_282] : memref<500224x16xf32, #tpu.memory_space<hbm>> -> memref<500224x16xf32, #tpu.memory_space<hbm>>
      tpu.enqueue_indirect_dma source(%dma_start3A_283 : memref<500224x16xf32, #tpu.memory_space<hbm>>) target(%dma_start3A_277 : memref<128x16xf32, #tpu.memory_space<vmem>>) offsets(%dma_start3A_280 : memref<128xi32, #tpu.memory_space<vmem>>) semaphore(%arg10 : memref<!tpu.dma_semaphore, #tpu.memory_space<semaphore_mem>>)
      %dma_start3A_284 = arith.constant 1 : i32
      %dma_start3A_285 = arith.constant 1 : i32
      %dma_start3A_286 = arith.constant 128 : i32
      %dma_start3A_287 = arith.constant 0 : i32
      %dma_start3A_288 = tpu.memref_slice %arg7[%dma_start3A_285, %dma_start3A_286, %dma_start3A_287] : memref<2x2048x16xf32, #tpu.memory_space<vmem>> -> memref<1x128x16xf32, #tpu.memory_space<vmem>>
      %dma_start3A_289 = tpu.memref_squeeze %dma_start3A_288 : memref<1x128x16xf32, #tpu.memory_space<vmem>> -> memref<128x16xf32, #tpu.memory_space<vmem>>
      %dma_start3A_290 = arith.constant 128 : i32
      %dma_start3A_291 = tpu.memref_slice %arg6[%dma_start3A_284, %dma_start3A_290] : memref<2x2048xi32, #tpu.memory_space<vmem>> -> memref<1x128xi32, #tpu.memory_space<vmem>>
      %dma_start3A_292 = tpu.memref_squeeze %dma_start3A_291 : memref<1x128xi32, #tpu.memory_space<vmem>> -> memref<128xi32, #tpu.memory_space<vmem>>
      %dma_start3A_293 = arith.constant 0 : i32
      %dma_start3A_294 = arith.constant 0 : i32
      %dma_start3A_295 = tpu.memref_slice %arg3[%dma_start3A_293, %dma_start3A_294] : memref<500224x16xf32, #tpu.memory_space<hbm>> -> memref<500224x16xf32, #tpu.memory_space<hbm>>
      tpu.enqueue_indirect_dma source(%dma_start3A_295 : memref<500224x16xf32, #tpu.memory_space<hbm>>) target(%dma_start3A_289 : memref<128x16xf32, #tpu.memory_space<vmem>>) offsets(%dma_start3A_292 : memref<128xi32, #tpu.memory_space<vmem>>) semaphore(%arg10 : memref<!tpu.dma_semaphore, #tpu.memory_space<semaphore_mem>>)
      %dma_start3A_296 = arith.constant 1 : i32
      %dma_start3A_297 = arith.constant 1 : i32
      %dma_start3A_298 = arith.constant 256 : i32
      %dma_start3A_299 = arith.constant 0 : i32
      %dma_start3A_300 = tpu.memref_slice %arg7[%dma_start3A_297, %dma_start3A_298, %dma_start3A_299] : memref<2x2048x16xf32, #tpu.memory_space<vmem>> -> memref<1x128x16xf32, #tpu.memory_space<vmem>>
      %dma_start3A_301 = tpu.memref_squeeze %dma_start3A_300 : memref<1x128x16xf32, #tpu.memory_space<vmem>> -> memref<128x16xf32, #tpu.memory_space<vmem>>
      %dma_start3A_302 = arith.constant 256 : i32
      %dma_start3A_303 = tpu.memref_slice %arg6[%dma_start3A_296, %dma_start3A_302] : memref<2x2048xi32, #tpu.memory_space<vmem>> -> memref<1x128xi32, #tpu.memory_space<vmem>>
      %dma_start3A_304 = tpu.memref_squeeze %dma_start3A_303 : memref<1x128xi32, #tpu.memory_space<vmem>> -> memref<128xi32, #tpu.memory_space<vmem>>
      %dma_start3A_305 = arith.constant 0 : i32
      %dma_start3A_306 = arith.constant 0 : i32
      %dma_start3A_307 = tpu.memref_slice %arg3[%dma_start3A_305, %dma_start3A_306] : memref<500224x16xf32, #tpu.memory_space<hbm>> -> memref<500224x16xf32, #tpu.memory_space<hbm>>
      tpu.enqueue_indirect_dma source(%dma_start3A_307 : memref<500224x16xf32, #tpu.memory_space<hbm>>) target(%dma_start3A_301 : memref<128x16xf32, #tpu.memory_space<vmem>>) offsets(%dma_start3A_304 : memref<128xi32, #tpu.memory_space<vmem>>) semaphore(%arg10 : memref<!tpu.dma_semaphore, #tpu.memory_space<semaphore_mem>>)
      %dma_start3A_308 = arith.constant 1 : i32
      %dma_start3A_309 = arith.constant 1 : i32
      %dma_start3A_310 = arith.constant 384 : i32
      %dma_start3A_311 = arith.constant 0 : i32
      %dma_start3A_312 = tpu.memref_slice %arg7[%dma_start3A_309, %dma_start3A_310, %dma_start3A_311] : memref<2x2048x16xf32, #tpu.memory_space<vmem>> -> memref<1x128x16xf32, #tpu.memory_space<vmem>>
      %dma_start3A_313 = tpu.memref_squeeze %dma_start3A_312 : memref<1x128x16xf32, #tpu.memory_space<vmem>> -> memref<128x16xf32, #tpu.memory_space<vmem>>
      %dma_start3A_314 = arith.constant 384 : i32
      %dma_start3A_315 = tpu.memref_slice %arg6[%dma_start3A_308, %dma_start3A_314] : memref<2x2048xi32, #tpu.memory_space<vmem>> -> memref<1x128xi32, #tpu.memory_space<vmem>>
      %dma_start3A_316 = tpu.memref_squeeze %dma_start3A_315 : memref<1x128xi32, #tpu.memory_space<vmem>> -> memref<128xi32, #tpu.memory_space<vmem>>
      %dma_start3A_317 = arith.constant 0 : i32
      %dma_start3A_318 = arith.constant 0 : i32
      %dma_start3A_319 = tpu.memref_slice %arg3[%dma_start3A_317, %dma_start3A_318] : memref<500224x16xf32, #tpu.memory_space<hbm>> -> memref<500224x16xf32, #tpu.memory_space<hbm>>
      tpu.enqueue_indirect_dma source(%dma_start3A_319 : memref<500224x16xf32, #tpu.memory_space<hbm>>) target(%dma_start3A_313 : memref<128x16xf32, #tpu.memory_space<vmem>>) offsets(%dma_start3A_316 : memref<128xi32, #tpu.memory_space<vmem>>) semaphore(%arg10 : memref<!tpu.dma_semaphore, #tpu.memory_space<semaphore_mem>>)
      %dma_start3A_320 = arith.constant 1 : i32
      %dma_start3A_321 = arith.constant 1 : i32
      %dma_start3A_322 = arith.constant 512 : i32
      %dma_start3A_323 = arith.constant 0 : i32
      %dma_start3A_324 = tpu.memref_slice %arg7[%dma_start3A_321, %dma_start3A_322, %dma_start3A_323] : memref<2x2048x16xf32, #tpu.memory_space<vmem>> -> memref<1x128x16xf32, #tpu.memory_space<vmem>>
      %dma_start3A_325 = tpu.memref_squeeze %dma_start3A_324 : memref<1x128x16xf32, #tpu.memory_space<vmem>> -> memref<128x16xf32, #tpu.memory_space<vmem>>
      %dma_start3A_326 = arith.constant 512 : i32
      %dma_start3A_327 = tpu.memref_slice %arg6[%dma_start3A_320, %dma_start3A_326] : memref<2x2048xi32, #tpu.memory_space<vmem>> -> memref<1x128xi32, #tpu.memory_space<vmem>>
      %dma_start3A_328 = tpu.memref_squeeze %dma_start3A_327 : memref<1x128xi32, #tpu.memory_space<vmem>> -> memref<128xi32, #tpu.memory_space<vmem>>
      %dma_start3A_329 = arith.constant 0 : i32
      %dma_start3A_330 = arith.constant 0 : i32
      %dma_start3A_331 = tpu.memref_slice %arg3[%dma_start3A_329, %dma_start3A_330] : memref<500224x16xf32, #tpu.memory_space<hbm>> -> memref<500224x16xf32, #tpu.memory_space<hbm>>
      tpu.enqueue_indirect_dma source(%dma_start3A_331 : memref<500224x16xf32, #tpu.memory_space<hbm>>) target(%dma_start3A_325 : memref<128x16xf32, #tpu.memory_space<vmem>>) offsets(%dma_start3A_328 : memref<128xi32, #tpu.memory_space<vmem>>) semaphore(%arg10 : memref<!tpu.dma_semaphore, #tpu.memory_space<semaphore_mem>>)
      %dma_start3A_332 = arith.constant 1 : i32
      %dma_start3A_333 = arith.constant 1 : i32
      %dma_start3A_334 = arith.constant 640 : i32
      %dma_start3A_335 = arith.constant 0 : i32
      %dma_start3A_336 = tpu.memref_slice %arg7[%dma_start3A_333, %dma_start3A_334, %dma_start3A_335] : memref<2x2048x16xf32, #tpu.memory_space<vmem>> -> memref<1x128x16xf32, #tpu.memory_space<vmem>>
      %dma_start3A_337 = tpu.memref_squeeze %dma_start3A_336 : memref<1x128x16xf32, #tpu.memory_space<vmem>> -> memref<128x16xf32, #tpu.memory_space<vmem>>
      %dma_start3A_338 = arith.constant 640 : i32
      %dma_start3A_339 = tpu.memref_slice %arg6[%dma_start3A_332, %dma_start3A_338] : memref<2x2048xi32, #tpu.memory_space<vmem>> -> memref<1x128xi32, #tpu.memory_space<vmem>>
      %dma_start3A_340 = tpu.memref_squeeze %dma_start3A_339 : memref<1x128xi32, #tpu.memory_space<vmem>> -> memref<128xi32, #tpu.memory_space<vmem>>
      %dma_start3A_341 = arith.constant 0 : i32
      %dma_start3A_342 = arith.constant 0 : i32
      %dma_start3A_343 = tpu.memref_slice %arg3[%dma_start3A_341, %dma_start3A_342] : memref<500224x16xf32, #tpu.memory_space<hbm>> -> memref<500224x16xf32, #tpu.memory_space<hbm>>
      tpu.enqueue_indirect_dma source(%dma_start3A_343 : memref<500224x16xf32, #tpu.memory_space<hbm>>) target(%dma_start3A_337 : memref<128x16xf32, #tpu.memory_space<vmem>>) offsets(%dma_start3A_340 : memref<128xi32, #tpu.memory_space<vmem>>) semaphore(%arg10 : memref<!tpu.dma_semaphore, #tpu.memory_space<semaphore_mem>>)
      %dma_start3A_344 = arith.constant 1 : i32
      %dma_start3A_345 = arith.constant 1 : i32
      %dma_start3A_346 = arith.constant 768 : i32
      %dma_start3A_347 = arith.constant 0 : i32
      %dma_start3A_348 = tpu.memref_slice %arg7[%dma_start3A_345, %dma_start3A_346, %dma_start3A_347] : memref<2x2048x16xf32, #tpu.memory_space<vmem>> -> memref<1x128x16xf32, #tpu.memory_space<vmem>>
      %dma_start3A_349 = tpu.memref_squeeze %dma_start3A_348 : memref<1x128x16xf32, #tpu.memory_space<vmem>> -> memref<128x16xf32, #tpu.memory_space<vmem>>
      %dma_start3A_350 = arith.constant 768 : i32
      %dma_start3A_351 = tpu.memref_slice %arg6[%dma_start3A_344, %dma_start3A_350] : memref<2x2048xi32, #tpu.memory_space<vmem>> -> memref<1x128xi32, #tpu.memory_space<vmem>>
      %dma_start3A_352 = tpu.memref_squeeze %dma_start3A_351 : memref<1x128xi32, #tpu.memory_space<vmem>> -> memref<128xi32, #tpu.memory_space<vmem>>
      %dma_start3A_353 = arith.constant 0 : i32
      %dma_start3A_354 = arith.constant 0 : i32
      %dma_start3A_355 = tpu.memref_slice %arg3[%dma_start3A_353, %dma_start3A_354] : memref<500224x16xf32, #tpu.memory_space<hbm>> -> memref<500224x16xf32, #tpu.memory_space<hbm>>
      tpu.enqueue_indirect_dma source(%dma_start3A_355 : memref<500224x16xf32, #tpu.memory_space<hbm>>) target(%dma_start3A_349 : memref<128x16xf32, #tpu.memory_space<vmem>>) offsets(%dma_start3A_352 : memref<128xi32, #tpu.memory_space<vmem>>) semaphore(%arg10 : memref<!tpu.dma_semaphore, #tpu.memory_space<semaphore_mem>>)
      %dma_start3A_356 = arith.constant 1 : i32
      %dma_start3A_357 = arith.constant 1 : i32
      %dma_start3A_358 = arith.constant 896 : i32
      %dma_start3A_359 = arith.constant 0 : i32
      %dma_start3A_360 = tpu.memref_slice %arg7[%dma_start3A_357, %dma_start3A_358, %dma_start3A_359] : memref<2x2048x16xf32, #tpu.memory_space<vmem>> -> memref<1x128x16xf32, #tpu.memory_space<vmem>>
      %dma_start3A_361 = tpu.memref_squeeze %dma_start3A_360 : memref<1x128x16xf32, #tpu.memory_space<vmem>> -> memref<128x16xf32, #tpu.memory_space<vmem>>
      %dma_start3A_362 = arith.constant 896 : i32
      %dma_start3A_363 = tpu.memref_slice %arg6[%dma_start3A_356, %dma_start3A_362] : memref<2x2048xi32, #tpu.memory_space<vmem>> -> memref<1x128xi32, #tpu.memory_space<vmem>>
      %dma_start3A_364 = tpu.memref_squeeze %dma_start3A_363 : memref<1x128xi32, #tpu.memory_space<vmem>> -> memref<128xi32, #tpu.memory_space<vmem>>
      %dma_start3A_365 = arith.constant 0 : i32
      %dma_start3A_366 = arith.constant 0 : i32
      %dma_start3A_367 = tpu.memref_slice %arg3[%dma_start3A_365, %dma_start3A_366] : memref<500224x16xf32, #tpu.memory_space<hbm>> -> memref<500224x16xf32, #tpu.memory_space<hbm>>
      tpu.enqueue_indirect_dma source(%dma_start3A_367 : memref<500224x16xf32, #tpu.memory_space<hbm>>) target(%dma_start3A_361 : memref<128x16xf32, #tpu.memory_space<vmem>>) offsets(%dma_start3A_364 : memref<128xi32, #tpu.memory_space<vmem>>) semaphore(%arg10 : memref<!tpu.dma_semaphore, #tpu.memory_space<semaphore_mem>>)
      %dma_start3A_368 = arith.constant 1 : i32
      %dma_start3A_369 = arith.constant 1 : i32
      %dma_start3A_370 = arith.constant 1024 : i32
      %dma_start3A_371 = arith.constant 0 : i32
      %dma_start3A_372 = tpu.memref_slice %arg7[%dma_start3A_369, %dma_start3A_370, %dma_start3A_371] : memref<2x2048x16xf32, #tpu.memory_space<vmem>> -> memref<1x128x16xf32, #tpu.memory_space<vmem>>
      %dma_start3A_373 = tpu.memref_squeeze %dma_start3A_372 : memref<1x128x16xf32, #tpu.memory_space<vmem>> -> memref<128x16xf32, #tpu.memory_space<vmem>>
      %dma_start3A_374 = arith.constant 1024 : i32
      %dma_start3A_375 = tpu.memref_slice %arg6[%dma_start3A_368, %dma_start3A_374] : memref<2x2048xi32, #tpu.memory_space<vmem>> -> memref<1x128xi32, #tpu.memory_space<vmem>>
      %dma_start3A_376 = tpu.memref_squeeze %dma_start3A_375 : memref<1x128xi32, #tpu.memory_space<vmem>> -> memref<128xi32, #tpu.memory_space<vmem>>
      %dma_start3A_377 = arith.constant 0 : i32
      %dma_start3A_378 = arith.constant 0 : i32
      %dma_start3A_379 = tpu.memref_slice %arg3[%dma_start3A_377, %dma_start3A_378] : memref<500224x16xf32, #tpu.memory_space<hbm>> -> memref<500224x16xf32, #tpu.memory_space<hbm>>
      tpu.enqueue_indirect_dma source(%dma_start3A_379 : memref<500224x16xf32, #tpu.memory_space<hbm>>) target(%dma_start3A_373 : memref<128x16xf32, #tpu.memory_space<vmem>>) offsets(%dma_start3A_376 : memref<128xi32, #tpu.memory_space<vmem>>) semaphore(%arg10 : memref<!tpu.dma_semaphore, #tpu.memory_space<semaphore_mem>>)
      %dma_start3A_380 = arith.constant 1 : i32
      %dma_start3A_381 = arith.constant 1 : i32
      %dma_start3A_382 = arith.constant 1152 : i32
      %dma_start3A_383 = arith.constant 0 : i32
      %dma_start3A_384 = tpu.memref_slice %arg7[%dma_start3A_381, %dma_start3A_382, %dma_start3A_383] : memref<2x2048x16xf32, #tpu.memory_space<vmem>> -> memref<1x128x16xf32, #tpu.memory_space<vmem>>
      %dma_start3A_385 = tpu.memref_squeeze %dma_start3A_384 : memref<1x128x16xf32, #tpu.memory_space<vmem>> -> memref<128x16xf32, #tpu.memory_space<vmem>>
      %dma_start3A_386 = arith.constant 1152 : i32
      %dma_start3A_387 = tpu.memref_slice %arg6[%dma_start3A_380, %dma_start3A_386] : memref<2x2048xi32, #tpu.memory_space<vmem>> -> memref<1x128xi32, #tpu.memory_space<vmem>>
      %dma_start3A_388 = tpu.memref_squeeze %dma_start3A_387 : memref<1x128xi32, #tpu.memory_space<vmem>> -> memref<128xi32, #tpu.memory_space<vmem>>
      %dma_start3A_389 = arith.constant 0 : i32
      %dma_start3A_390 = arith.constant 0 : i32
      %dma_start3A_391 = tpu.memref_slice %arg3[%dma_start3A_389, %dma_start3A_390] : memref<500224x16xf32, #tpu.memory_space<hbm>> -> memref<500224x16xf32, #tpu.memory_space<hbm>>
      tpu.enqueue_indirect_dma source(%dma_start3A_391 : memref<500224x16xf32, #tpu.memory_space<hbm>>) target(%dma_start3A_385 : memref<128x16xf32, #tpu.memory_space<vmem>>) offsets(%dma_start3A_388 : memref<128xi32, #tpu.memory_space<vmem>>) semaphore(%arg10 : memref<!tpu.dma_semaphore, #tpu.memory_space<semaphore_mem>>)
      %dma_start3A_392 = arith.constant 1 : i32
      %dma_start3A_393 = arith.constant 1 : i32
      %dma_start3A_394 = arith.constant 1280 : i32
      %dma_start3A_395 = arith.constant 0 : i32
      %dma_start3A_396 = tpu.memref_slice %arg7[%dma_start3A_393, %dma_start3A_394, %dma_start3A_395] : memref<2x2048x16xf32, #tpu.memory_space<vmem>> -> memref<1x128x16xf32, #tpu.memory_space<vmem>>
      %dma_start3A_397 = tpu.memref_squeeze %dma_start3A_396 : memref<1x128x16xf32, #tpu.memory_space<vmem>> -> memref<128x16xf32, #tpu.memory_space<vmem>>
      %dma_start3A_398 = arith.constant 1280 : i32
      %dma_start3A_399 = tpu.memref_slice %arg6[%dma_start3A_392, %dma_start3A_398] : memref<2x2048xi32, #tpu.memory_space<vmem>> -> memref<1x128xi32, #tpu.memory_space<vmem>>
      %dma_start3A_400 = tpu.memref_squeeze %dma_start3A_399 : memref<1x128xi32, #tpu.memory_space<vmem>> -> memref<128xi32, #tpu.memory_space<vmem>>
      %dma_start3A_401 = arith.constant 0 : i32
      %dma_start3A_402 = arith.constant 0 : i32
      %dma_start3A_403 = tpu.memref_slice %arg3[%dma_start3A_401, %dma_start3A_402] : memref<500224x16xf32, #tpu.memory_space<hbm>> -> memref<500224x16xf32, #tpu.memory_space<hbm>>
      tpu.enqueue_indirect_dma source(%dma_start3A_403 : memref<500224x16xf32, #tpu.memory_space<hbm>>) target(%dma_start3A_397 : memref<128x16xf32, #tpu.memory_space<vmem>>) offsets(%dma_start3A_400 : memref<128xi32, #tpu.memory_space<vmem>>) semaphore(%arg10 : memref<!tpu.dma_semaphore, #tpu.memory_space<semaphore_mem>>)
      %dma_start3A_404 = arith.constant 1 : i32
      %dma_start3A_405 = arith.constant 1 : i32
      %dma_start3A_406 = arith.constant 1408 : i32
      %dma_start3A_407 = arith.constant 0 : i32
      %dma_start3A_408 = tpu.memref_slice %arg7[%dma_start3A_405, %dma_start3A_406, %dma_start3A_407] : memref<2x2048x16xf32, #tpu.memory_space<vmem>> -> memref<1x128x16xf32, #tpu.memory_space<vmem>>
      %dma_start3A_409 = tpu.memref_squeeze %dma_start3A_408 : memref<1x128x16xf32, #tpu.memory_space<vmem>> -> memref<128x16xf32, #tpu.memory_space<vmem>>
      %dma_start3A_410 = arith.constant 1408 : i32
      %dma_start3A_411 = tpu.memref_slice %arg6[%dma_start3A_404, %dma_start3A_410] : memref<2x2048xi32, #tpu.memory_space<vmem>> -> memref<1x128xi32, #tpu.memory_space<vmem>>
      %dma_start3A_412 = tpu.memref_squeeze %dma_start3A_411 : memref<1x128xi32, #tpu.memory_space<vmem>> -> memref<128xi32, #tpu.memory_space<vmem>>
      %dma_start3A_413 = arith.constant 0 : i32
      %dma_start3A_414 = arith.constant 0 : i32
      %dma_start3A_415 = tpu.memref_slice %arg3[%dma_start3A_413, %dma_start3A_414] : memref<500224x16xf32, #tpu.memory_space<hbm>> -> memref<500224x16xf32, #tpu.memory_space<hbm>>
      tpu.enqueue_indirect_dma source(%dma_start3A_415 : memref<500224x16xf32, #tpu.memory_space<hbm>>) target(%dma_start3A_409 : memref<128x16xf32, #tpu.memory_space<vmem>>) offsets(%dma_start3A_412 : memref<128xi32, #tpu.memory_space<vmem>>) semaphore(%arg10 : memref<!tpu.dma_semaphore, #tpu.memory_space<semaphore_mem>>)
      %dma_start3A_416 = arith.constant 1 : i32
      %dma_start3A_417 = arith.constant 1 : i32
      %dma_start3A_418 = arith.constant 1536 : i32
      %dma_start3A_419 = arith.constant 0 : i32
      %dma_start3A_420 = tpu.memref_slice %arg7[%dma_start3A_417, %dma_start3A_418, %dma_start3A_419] : memref<2x2048x16xf32, #tpu.memory_space<vmem>> -> memref<1x128x16xf32, #tpu.memory_space<vmem>>
      %dma_start3A_421 = tpu.memref_squeeze %dma_start3A_420 : memref<1x128x16xf32, #tpu.memory_space<vmem>> -> memref<128x16xf32, #tpu.memory_space<vmem>>
      %dma_start3A_422 = arith.constant 1536 : i32
      %dma_start3A_423 = tpu.memref_slice %arg6[%dma_start3A_416, %dma_start3A_422] : memref<2x2048xi32, #tpu.memory_space<vmem>> -> memref<1x128xi32, #tpu.memory_space<vmem>>
      %dma_start3A_424 = tpu.memref_squeeze %dma_start3A_423 : memref<1x128xi32, #tpu.memory_space<vmem>> -> memref<128xi32, #tpu.memory_space<vmem>>
      %dma_start3A_425 = arith.constant 0 : i32
      %dma_start3A_426 = arith.constant 0 : i32
      %dma_start3A_427 = tpu.memref_slice %arg3[%dma_start3A_425, %dma_start3A_426] : memref<500224x16xf32, #tpu.memory_space<hbm>> -> memref<500224x16xf32, #tpu.memory_space<hbm>>
      tpu.enqueue_indirect_dma source(%dma_start3A_427 : memref<500224x16xf32, #tpu.memory_space<hbm>>) target(%dma_start3A_421 : memref<128x16xf32, #tpu.memory_space<vmem>>) offsets(%dma_start3A_424 : memref<128xi32, #tpu.memory_space<vmem>>) semaphore(%arg10 : memref<!tpu.dma_semaphore, #tpu.memory_space<semaphore_mem>>)
      %dma_start3A_428 = arith.constant 1 : i32
      %dma_start3A_429 = arith.constant 1 : i32
      %dma_start3A_430 = arith.constant 1664 : i32
      %dma_start3A_431 = arith.constant 0 : i32
      %dma_start3A_432 = tpu.memref_slice %arg7[%dma_start3A_429, %dma_start3A_430, %dma_start3A_431] : memref<2x2048x16xf32, #tpu.memory_space<vmem>> -> memref<1x128x16xf32, #tpu.memory_space<vmem>>
      %dma_start3A_433 = tpu.memref_squeeze %dma_start3A_432 : memref<1x128x16xf32, #tpu.memory_space<vmem>> -> memref<128x16xf32, #tpu.memory_space<vmem>>
      %dma_start3A_434 = arith.constant 1664 : i32
      %dma_start3A_435 = tpu.memref_slice %arg6[%dma_start3A_428, %dma_start3A_434] : memref<2x2048xi32, #tpu.memory_space<vmem>> -> memref<1x128xi32, #tpu.memory_space<vmem>>
      %dma_start3A_436 = tpu.memref_squeeze %dma_start3A_435 : memref<1x128xi32, #tpu.memory_space<vmem>> -> memref<128xi32, #tpu.memory_space<vmem>>
      %dma_start3A_437 = arith.constant 0 : i32
      %dma_start3A_438 = arith.constant 0 : i32
      %dma_start3A_439 = tpu.memref_slice %arg3[%dma_start3A_437, %dma_start3A_438] : memref<500224x16xf32, #tpu.memory_space<hbm>> -> memref<500224x16xf32, #tpu.memory_space<hbm>>
      tpu.enqueue_indirect_dma source(%dma_start3A_439 : memref<500224x16xf32, #tpu.memory_space<hbm>>) target(%dma_start3A_433 : memref<128x16xf32, #tpu.memory_space<vmem>>) offsets(%dma_start3A_436 : memref<128xi32, #tpu.memory_space<vmem>>) semaphore(%arg10 : memref<!tpu.dma_semaphore, #tpu.memory_space<semaphore_mem>>)
      %dma_start3A_440 = arith.constant 1 : i32
      %dma_start3A_441 = arith.constant 1 : i32
      %dma_start3A_442 = arith.constant 1792 : i32
      %dma_start3A_443 = arith.constant 0 : i32
      %dma_start3A_444 = tpu.memref_slice %arg7[%dma_start3A_441, %dma_start3A_442, %dma_start3A_443] : memref<2x2048x16xf32, #tpu.memory_space<vmem>> -> memref<1x128x16xf32, #tpu.memory_space<vmem>>
      %dma_start3A_445 = tpu.memref_squeeze %dma_start3A_444 : memref<1x128x16xf32, #tpu.memory_space<vmem>> -> memref<128x16xf32, #tpu.memory_space<vmem>>
      %dma_start3A_446 = arith.constant 1792 : i32
      %dma_start3A_447 = tpu.memref_slice %arg6[%dma_start3A_440, %dma_start3A_446] : memref<2x2048xi32, #tpu.memory_space<vmem>> -> memref<1x128xi32, #tpu.memory_space<vmem>>
      %dma_start3A_448 = tpu.memref_squeeze %dma_start3A_447 : memref<1x128xi32, #tpu.memory_space<vmem>> -> memref<128xi32, #tpu.memory_space<vmem>>
      %dma_start3A_449 = arith.constant 0 : i32
      %dma_start3A_450 = arith.constant 0 : i32
      %dma_start3A_451 = tpu.memref_slice %arg3[%dma_start3A_449, %dma_start3A_450] : memref<500224x16xf32, #tpu.memory_space<hbm>> -> memref<500224x16xf32, #tpu.memory_space<hbm>>
      tpu.enqueue_indirect_dma source(%dma_start3A_451 : memref<500224x16xf32, #tpu.memory_space<hbm>>) target(%dma_start3A_445 : memref<128x16xf32, #tpu.memory_space<vmem>>) offsets(%dma_start3A_448 : memref<128xi32, #tpu.memory_space<vmem>>) semaphore(%arg10 : memref<!tpu.dma_semaphore, #tpu.memory_space<semaphore_mem>>)
      %dma_start3A_452 = arith.constant 1 : i32
      %dma_start3A_453 = arith.constant 1 : i32
      %dma_start3A_454 = arith.constant 1920 : i32
      %dma_start3A_455 = arith.constant 0 : i32
      %dma_start3A_456 = tpu.memref_slice %arg7[%dma_start3A_453, %dma_start3A_454, %dma_start3A_455] : memref<2x2048x16xf32, #tpu.memory_space<vmem>> -> memref<1x128x16xf32, #tpu.memory_space<vmem>>
      %dma_start3A_457 = tpu.memref_squeeze %dma_start3A_456 : memref<1x128x16xf32, #tpu.memory_space<vmem>> -> memref<128x16xf32, #tpu.memory_space<vmem>>
      %dma_start3A_458 = arith.constant 1920 : i32
      %dma_start3A_459 = tpu.memref_slice %arg6[%dma_start3A_452, %dma_start3A_458] : memref<2x2048xi32, #tpu.memory_space<vmem>> -> memref<1x128xi32, #tpu.memory_space<vmem>>
      %dma_start3A_460 = tpu.memref_squeeze %dma_start3A_459 : memref<1x128xi32, #tpu.memory_space<vmem>> -> memref<128xi32, #tpu.memory_space<vmem>>
      %dma_start3A_461 = arith.constant 0 : i32
      %dma_start3A_462 = arith.constant 0 : i32
      %dma_start3A_463 = tpu.memref_slice %arg3[%dma_start3A_461, %dma_start3A_462] : memref<500224x16xf32, #tpu.memory_space<hbm>> -> memref<500224x16xf32, #tpu.memory_space<hbm>>
      tpu.enqueue_indirect_dma source(%dma_start3A_463 : memref<500224x16xf32, #tpu.memory_space<hbm>>) target(%dma_start3A_457 : memref<128x16xf32, #tpu.memory_space<vmem>>) offsets(%dma_start3A_460 : memref<128xi32, #tpu.memory_space<vmem>>) semaphore(%arg10 : memref<!tpu.dma_semaphore, #tpu.memory_space<semaphore_mem>>)
      %dma_wait3A_464 = arith.constant 0 : i32
      %dma_wait3A_465 = arith.constant 0 : i32
      %dma_wait3A_466 = arith.constant 0 : i32
      %dma_wait3A_467 = arith.constant 0 : i32
      %dma_wait3A_468 = tpu.memref_slice %arg7[%dma_wait3A_465, %dma_wait3A_466, %dma_wait3A_467] : memref<2x2048x16xf32, #tpu.memory_space<vmem>> -> memref<1x128x16xf32, #tpu.memory_space<vmem>>
      %dma_wait3A_469 = tpu.memref_squeeze %dma_wait3A_468 : memref<1x128x16xf32, #tpu.memory_space<vmem>> -> memref<128x16xf32, #tpu.memory_space<vmem>>
      %dma_wait3A_470 = arith.constant 0 : i32
      %dma_wait3A_471 = tpu.memref_slice %arg6[%dma_wait3A_464, %dma_wait3A_470] : memref<2x2048xi32, #tpu.memory_space<vmem>> -> memref<1x128xi32, #tpu.memory_space<vmem>>
      %dma_wait3A_472 = tpu.memref_squeeze %dma_wait3A_471 : memref<1x128xi32, #tpu.memory_space<vmem>> -> memref<128xi32, #tpu.memory_space<vmem>>
      %dma_wait3A_473 = arith.constant 0 : i32
      %dma_wait3A_474 = arith.constant 0 : i32
      %dma_wait3A_475 = tpu.memref_slice %arg3[%dma_wait3A_473, %dma_wait3A_474] : memref<500224x16xf32, #tpu.memory_space<hbm>> -> memref<500224x16xf32, #tpu.memory_space<hbm>>
      tpu.wait_indirect_dma semaphore(%arg10 : memref<!tpu.dma_semaphore, #tpu.memory_space<semaphore_mem>>) src(%dma_wait3A_475 : memref<500224x16xf32, #tpu.memory_space<hbm>>) dst(%dma_wait3A_469 : memref<128x16xf32, #tpu.memory_space<vmem>>)
      %dma_wait3A_476 = arith.constant 0 : i32
      %dma_wait3A_477 = arith.constant 0 : i32
      %dma_wait3A_478 = arith.constant 128 : i32
      %dma_wait3A_479 = arith.constant 0 : i32
      %dma_wait3A_480 = tpu.memref_slice %arg7[%dma_wait3A_477, %dma_wait3A_478, %dma_wait3A_479] : memref<2x2048x16xf32, #tpu.memory_space<vmem>> -> memref<1x128x16xf32, #tpu.memory_space<vmem>>
      %dma_wait3A_481 = tpu.memref_squeeze %dma_wait3A_480 : memref<1x128x16xf32, #tpu.memory_space<vmem>> -> memref<128x16xf32, #tpu.memory_space<vmem>>
      %dma_wait3A_482 = arith.constant 128 : i32
      %dma_wait3A_483 = tpu.memref_slice %arg6[%dma_wait3A_476, %dma_wait3A_482] : memref<2x2048xi32, #tpu.memory_space<vmem>> -> memref<1x128xi32, #tpu.memory_space<vmem>>
      %dma_wait3A_484 = tpu.memref_squeeze %dma_wait3A_483 : memref<1x128xi32, #tpu.memory_space<vmem>> -> memref<128xi32, #tpu.memory_space<vmem>>
      %dma_wait3A_485 = arith.constant 0 : i32
      %dma_wait3A_486 = arith.constant 0 : i32
      %dma_wait3A_487 = tpu.memref_slice %arg3[%dma_wait3A_485, %dma_wait3A_486] : memref<500224x16xf32, #tpu.memory_space<hbm>> -> memref<500224x16xf32, #tpu.memory_space<hbm>>
      tpu.wait_indirect_dma semaphore(%arg10 : memref<!tpu.dma_semaphore, #tpu.memory_space<semaphore_mem>>) src(%dma_wait3A_487 : memref<500224x16xf32, #tpu.memory_space<hbm>>) dst(%dma_wait3A_481 : memref<128x16xf32, #tpu.memory_space<vmem>>)
      %dma_wait3A_488 = arith.constant 0 : i32
      %dma_wait3A_489 = arith.constant 0 : i32
      %dma_wait3A_490 = arith.constant 256 : i32
      %dma_wait3A_491 = arith.constant 0 : i32
      %dma_wait3A_492 = tpu.memref_slice %arg7[%dma_wait3A_489, %dma_wait3A_490, %dma_wait3A_491] : memref<2x2048x16xf32, #tpu.memory_space<vmem>> -> memref<1x128x16xf32, #tpu.memory_space<vmem>>
      %dma_wait3A_493 = tpu.memref_squeeze %dma_wait3A_492 : memref<1x128x16xf32, #tpu.memory_space<vmem>> -> memref<128x16xf32, #tpu.memory_space<vmem>>
      %dma_wait3A_494 = arith.constant 256 : i32
      %dma_wait3A_495 = tpu.memref_slice %arg6[%dma_wait3A_488, %dma_wait3A_494] : memref<2x2048xi32, #tpu.memory_space<vmem>> -> memref<1x128xi32, #tpu.memory_space<vmem>>
      %dma_wait3A_496 = tpu.memref_squeeze %dma_wait3A_495 : memref<1x128xi32, #tpu.memory_space<vmem>> -> memref<128xi32, #tpu.memory_space<vmem>>
      %dma_wait3A_497 = arith.constant 0 : i32
      %dma_wait3A_498 = arith.constant 0 : i32
      %dma_wait3A_499 = tpu.memref_slice %arg3[%dma_wait3A_497, %dma_wait3A_498] : memref<500224x16xf32, #tpu.memory_space<hbm>> -> memref<500224x16xf32, #tpu.memory_space<hbm>>
      tpu.wait_indirect_dma semaphore(%arg10 : memref<!tpu.dma_semaphore, #tpu.memory_space<semaphore_mem>>) src(%dma_wait3A_499 : memref<500224x16xf32, #tpu.memory_space<hbm>>) dst(%dma_wait3A_493 : memref<128x16xf32, #tpu.memory_space<vmem>>)
      %dma_wait3A_500 = arith.constant 0 : i32
      %dma_wait3A_501 = arith.constant 0 : i32
      %dma_wait3A_502 = arith.constant 384 : i32
      %dma_wait3A_503 = arith.constant 0 : i32
      %dma_wait3A_504 = tpu.memref_slice %arg7[%dma_wait3A_501, %dma_wait3A_502, %dma_wait3A_503] : memref<2x2048x16xf32, #tpu.memory_space<vmem>> -> memref<1x128x16xf32, #tpu.memory_space<vmem>>
      %dma_wait3A_505 = tpu.memref_squeeze %dma_wait3A_504 : memref<1x128x16xf32, #tpu.memory_space<vmem>> -> memref<128x16xf32, #tpu.memory_space<vmem>>
      %dma_wait3A_506 = arith.constant 384 : i32
      %dma_wait3A_507 = tpu.memref_slice %arg6[%dma_wait3A_500, %dma_wait3A_506] : memref<2x2048xi32, #tpu.memory_space<vmem>> -> memref<1x128xi32, #tpu.memory_space<vmem>>
      %dma_wait3A_508 = tpu.memref_squeeze %dma_wait3A_507 : memref<1x128xi32, #tpu.memory_space<vmem>> -> memref<128xi32, #tpu.memory_space<vmem>>
      %dma_wait3A_509 = arith.constant 0 : i32
      %dma_wait3A_510 = arith.constant 0 : i32
      %dma_wait3A_511 = tpu.memref_slice %arg3[%dma_wait3A_509, %dma_wait3A_510] : memref<500224x16xf32, #tpu.memory_space<hbm>> -> memref<500224x16xf32, #tpu.memory_space<hbm>>
      tpu.wait_indirect_dma semaphore(%arg10 : memref<!tpu.dma_semaphore, #tpu.memory_space<semaphore_mem>>) src(%dma_wait3A_511 : memref<500224x16xf32, #tpu.memory_space<hbm>>) dst(%dma_wait3A_505 : memref<128x16xf32, #tpu.memory_space<vmem>>)
      %dma_wait3A_512 = arith.constant 0 : i32
      %dma_wait3A_513 = arith.constant 0 : i32
      %dma_wait3A_514 = arith.constant 512 : i32
      %dma_wait3A_515 = arith.constant 0 : i32
      %dma_wait3A_516 = tpu.memref_slice %arg7[%dma_wait3A_513, %dma_wait3A_514, %dma_wait3A_515] : memref<2x2048x16xf32, #tpu.memory_space<vmem>> -> memref<1x128x16xf32, #tpu.memory_space<vmem>>
      %dma_wait3A_517 = tpu.memref_squeeze %dma_wait3A_516 : memref<1x128x16xf32, #tpu.memory_space<vmem>> -> memref<128x16xf32, #tpu.memory_space<vmem>>
      %dma_wait3A_518 = arith.constant 512 : i32
      %dma_wait3A_519 = tpu.memref_slice %arg6[%dma_wait3A_512, %dma_wait3A_518] : memref<2x2048xi32, #tpu.memory_space<vmem>> -> memref<1x128xi32, #tpu.memory_space<vmem>>
      %dma_wait3A_520 = tpu.memref_squeeze %dma_wait3A_519 : memref<1x128xi32, #tpu.memory_space<vmem>> -> memref<128xi32, #tpu.memory_space<vmem>>
      %dma_wait3A_521 = arith.constant 0 : i32
      %dma_wait3A_522 = arith.constant 0 : i32
      %dma_wait3A_523 = tpu.memref_slice %arg3[%dma_wait3A_521, %dma_wait3A_522] : memref<500224x16xf32, #tpu.memory_space<hbm>> -> memref<500224x16xf32, #tpu.memory_space<hbm>>
      tpu.wait_indirect_dma semaphore(%arg10 : memref<!tpu.dma_semaphore, #tpu.memory_space<semaphore_mem>>) src(%dma_wait3A_523 : memref<500224x16xf32, #tpu.memory_space<hbm>>) dst(%dma_wait3A_517 : memref<128x16xf32, #tpu.memory_space<vmem>>)
      %dma_wait3A_524 = arith.constant 0 : i32
      %dma_wait3A_525 = arith.constant 0 : i32
      %dma_wait3A_526 = arith.constant 640 : i32
      %dma_wait3A_527 = arith.constant 0 : i32
      %dma_wait3A_528 = tpu.memref_slice %arg7[%dma_wait3A_525, %dma_wait3A_526, %dma_wait3A_527] : memref<2x2048x16xf32, #tpu.memory_space<vmem>> -> memref<1x128x16xf32, #tpu.memory_space<vmem>>
      %dma_wait3A_529 = tpu.memref_squeeze %dma_wait3A_528 : memref<1x128x16xf32, #tpu.memory_space<vmem>> -> memref<128x16xf32, #tpu.memory_space<vmem>>
      %dma_wait3A_530 = arith.constant 640 : i32
      %dma_wait3A_531 = tpu.memref_slice %arg6[%dma_wait3A_524, %dma_wait3A_530] : memref<2x2048xi32, #tpu.memory_space<vmem>> -> memref<1x128xi32, #tpu.memory_space<vmem>>
      %dma_wait3A_532 = tpu.memref_squeeze %dma_wait3A_531 : memref<1x128xi32, #tpu.memory_space<vmem>> -> memref<128xi32, #tpu.memory_space<vmem>>
      %dma_wait3A_533 = arith.constant 0 : i32
      %dma_wait3A_534 = arith.constant 0 : i32
      %dma_wait3A_535 = tpu.memref_slice %arg3[%dma_wait3A_533, %dma_wait3A_534] : memref<500224x16xf32, #tpu.memory_space<hbm>> -> memref<500224x16xf32, #tpu.memory_space<hbm>>
      tpu.wait_indirect_dma semaphore(%arg10 : memref<!tpu.dma_semaphore, #tpu.memory_space<semaphore_mem>>) src(%dma_wait3A_535 : memref<500224x16xf32, #tpu.memory_space<hbm>>) dst(%dma_wait3A_529 : memref<128x16xf32, #tpu.memory_space<vmem>>)
      %dma_wait3A_536 = arith.constant 0 : i32
      %dma_wait3A_537 = arith.constant 0 : i32
      %dma_wait3A_538 = arith.constant 768 : i32
      %dma_wait3A_539 = arith.constant 0 : i32
      %dma_wait3A_540 = tpu.memref_slice %arg7[%dma_wait3A_537, %dma_wait3A_538, %dma_wait3A_539] : memref<2x2048x16xf32, #tpu.memory_space<vmem>> -> memref<1x128x16xf32, #tpu.memory_space<vmem>>
      %dma_wait3A_541 = tpu.memref_squeeze %dma_wait3A_540 : memref<1x128x16xf32, #tpu.memory_space<vmem>> -> memref<128x16xf32, #tpu.memory_space<vmem>>
      %dma_wait3A_542 = arith.constant 768 : i32
      %dma_wait3A_543 = tpu.memref_slice %arg6[%dma_wait3A_536, %dma_wait3A_542] : memref<2x2048xi32, #tpu.memory_space<vmem>> -> memref<1x128xi32, #tpu.memory_space<vmem>>
      %dma_wait3A_544 = tpu.memref_squeeze %dma_wait3A_543 : memref<1x128xi32, #tpu.memory_space<vmem>> -> memref<128xi32, #tpu.memory_space<vmem>>
      %dma_wait3A_545 = arith.constant 0 : i32
      %dma_wait3A_546 = arith.constant 0 : i32
      %dma_wait3A_547 = tpu.memref_slice %arg3[%dma_wait3A_545, %dma_wait3A_546] : memref<500224x16xf32, #tpu.memory_space<hbm>> -> memref<500224x16xf32, #tpu.memory_space<hbm>>
      tpu.wait_indirect_dma semaphore(%arg10 : memref<!tpu.dma_semaphore, #tpu.memory_space<semaphore_mem>>) src(%dma_wait3A_547 : memref<500224x16xf32, #tpu.memory_space<hbm>>) dst(%dma_wait3A_541 : memref<128x16xf32, #tpu.memory_space<vmem>>)
      %dma_wait3A_548 = arith.constant 0 : i32
      %dma_wait3A_549 = arith.constant 0 : i32
      %dma_wait3A_550 = arith.constant 896 : i32
      %dma_wait3A_551 = arith.constant 0 : i32
      %dma_wait3A_552 = tpu.memref_slice %arg7[%dma_wait3A_549, %dma_wait3A_550, %dma_wait3A_551] : memref<2x2048x16xf32, #tpu.memory_space<vmem>> -> memref<1x128x16xf32, #tpu.memory_space<vmem>>
      %dma_wait3A_553 = tpu.memref_squeeze %dma_wait3A_552 : memref<1x128x16xf32, #tpu.memory_space<vmem>> -> memref<128x16xf32, #tpu.memory_space<vmem>>
      %dma_wait3A_554 = arith.constant 896 : i32
      %dma_wait3A_555 = tpu.memref_slice %arg6[%dma_wait3A_548, %dma_wait3A_554] : memref<2x2048xi32, #tpu.memory_space<vmem>> -> memref<1x128xi32, #tpu.memory_space<vmem>>
      %dma_wait3A_556 = tpu.memref_squeeze %dma_wait3A_555 : memref<1x128xi32, #tpu.memory_space<vmem>> -> memref<128xi32, #tpu.memory_space<vmem>>
      %dma_wait3A_557 = arith.constant 0 : i32
      %dma_wait3A_558 = arith.constant 0 : i32
      %dma_wait3A_559 = tpu.memref_slice %arg3[%dma_wait3A_557, %dma_wait3A_558] : memref<500224x16xf32, #tpu.memory_space<hbm>> -> memref<500224x16xf32, #tpu.memory_space<hbm>>
      tpu.wait_indirect_dma semaphore(%arg10 : memref<!tpu.dma_semaphore, #tpu.memory_space<semaphore_mem>>) src(%dma_wait3A_559 : memref<500224x16xf32, #tpu.memory_space<hbm>>) dst(%dma_wait3A_553 : memref<128x16xf32, #tpu.memory_space<vmem>>)
      %dma_wait3A_560 = arith.constant 0 : i32
      %dma_wait3A_561 = arith.constant 0 : i32
      %dma_wait3A_562 = arith.constant 1024 : i32
      %dma_wait3A_563 = arith.constant 0 : i32
      %dma_wait3A_564 = tpu.memref_slice %arg7[%dma_wait3A_561, %dma_wait3A_562, %dma_wait3A_563] : memref<2x2048x16xf32, #tpu.memory_space<vmem>> -> memref<1x128x16xf32, #tpu.memory_space<vmem>>
      %dma_wait3A_565 = tpu.memref_squeeze %dma_wait3A_564 : memref<1x128x16xf32, #tpu.memory_space<vmem>> -> memref<128x16xf32, #tpu.memory_space<vmem>>
      %dma_wait3A_566 = arith.constant 1024 : i32
      %dma_wait3A_567 = tpu.memref_slice %arg6[%dma_wait3A_560, %dma_wait3A_566] : memref<2x2048xi32, #tpu.memory_space<vmem>> -> memref<1x128xi32, #tpu.memory_space<vmem>>
      %dma_wait3A_568 = tpu.memref_squeeze %dma_wait3A_567 : memref<1x128xi32, #tpu.memory_space<vmem>> -> memref<128xi32, #tpu.memory_space<vmem>>
      %dma_wait3A_569 = arith.constant 0 : i32
      %dma_wait3A_570 = arith.constant 0 : i32
      %dma_wait3A_571 = tpu.memref_slice %arg3[%dma_wait3A_569, %dma_wait3A_570] : memref<500224x16xf32, #tpu.memory_space<hbm>> -> memref<500224x16xf32, #tpu.memory_space<hbm>>
      tpu.wait_indirect_dma semaphore(%arg10 : memref<!tpu.dma_semaphore, #tpu.memory_space<semaphore_mem>>) src(%dma_wait3A_571 : memref<500224x16xf32, #tpu.memory_space<hbm>>) dst(%dma_wait3A_565 : memref<128x16xf32, #tpu.memory_space<vmem>>)
      %dma_wait3A_572 = arith.constant 0 : i32
      %dma_wait3A_573 = arith.constant 0 : i32
      %dma_wait3A_574 = arith.constant 1152 : i32
      %dma_wait3A_575 = arith.constant 0 : i32
      %dma_wait3A_576 = tpu.memref_slice %arg7[%dma_wait3A_573, %dma_wait3A_574, %dma_wait3A_575] : memref<2x2048x16xf32, #tpu.memory_space<vmem>> -> memref<1x128x16xf32, #tpu.memory_space<vmem>>
      %dma_wait3A_577 = tpu.memref_squeeze %dma_wait3A_576 : memref<1x128x16xf32, #tpu.memory_space<vmem>> -> memref<128x16xf32, #tpu.memory_space<vmem>>
      %dma_wait3A_578 = arith.constant 1152 : i32
      %dma_wait3A_579 = tpu.memref_slice %arg6[%dma_wait3A_572, %dma_wait3A_578] : memref<2x2048xi32, #tpu.memory_space<vmem>> -> memref<1x128xi32, #tpu.memory_space<vmem>>
      %dma_wait3A_580 = tpu.memref_squeeze %dma_wait3A_579 : memref<1x128xi32, #tpu.memory_space<vmem>> -> memref<128xi32, #tpu.memory_space<vmem>>
      %dma_wait3A_581 = arith.constant 0 : i32
      %dma_wait3A_582 = arith.constant 0 : i32
      %dma_wait3A_583 = tpu.memref_slice %arg3[%dma_wait3A_581, %dma_wait3A_582] : memref<500224x16xf32, #tpu.memory_space<hbm>> -> memref<500224x16xf32, #tpu.memory_space<hbm>>
      tpu.wait_indirect_dma semaphore(%arg10 : memref<!tpu.dma_semaphore, #tpu.memory_space<semaphore_mem>>) src(%dma_wait3A_583 : memref<500224x16xf32, #tpu.memory_space<hbm>>) dst(%dma_wait3A_577 : memref<128x16xf32, #tpu.memory_space<vmem>>)
      %dma_wait3A_584 = arith.constant 0 : i32
      %dma_wait3A_585 = arith.constant 0 : i32
      %dma_wait3A_586 = arith.constant 1280 : i32
      %dma_wait3A_587 = arith.constant 0 : i32
      %dma_wait3A_588 = tpu.memref_slice %arg7[%dma_wait3A_585, %dma_wait3A_586, %dma_wait3A_587] : memref<2x2048x16xf32, #tpu.memory_space<vmem>> -> memref<1x128x16xf32, #tpu.memory_space<vmem>>
      %dma_wait3A_589 = tpu.memref_squeeze %dma_wait3A_588 : memref<1x128x16xf32, #tpu.memory_space<vmem>> -> memref<128x16xf32, #tpu.memory_space<vmem>>
      %dma_wait3A_590 = arith.constant 1280 : i32
      %dma_wait3A_591 = tpu.memref_slice %arg6[%dma_wait3A_584, %dma_wait3A_590] : memref<2x2048xi32, #tpu.memory_space<vmem>> -> memref<1x128xi32, #tpu.memory_space<vmem>>
      %dma_wait3A_592 = tpu.memref_squeeze %dma_wait3A_591 : memref<1x128xi32, #tpu.memory_space<vmem>> -> memref<128xi32, #tpu.memory_space<vmem>>
      %dma_wait3A_593 = arith.constant 0 : i32
      %dma_wait3A_594 = arith.constant 0 : i32
      %dma_wait3A_595 = tpu.memref_slice %arg3[%dma_wait3A_593, %dma_wait3A_594] : memref<500224x16xf32, #tpu.memory_space<hbm>> -> memref<500224x16xf32, #tpu.memory_space<hbm>>
      tpu.wait_indirect_dma semaphore(%arg10 : memref<!tpu.dma_semaphore, #tpu.memory_space<semaphore_mem>>) src(%dma_wait3A_595 : memref<500224x16xf32, #tpu.memory_space<hbm>>) dst(%dma_wait3A_589 : memref<128x16xf32, #tpu.memory_space<vmem>>)
      %dma_wait3A_596 = arith.constant 0 : i32
      %dma_wait3A_597 = arith.constant 0 : i32
      %dma_wait3A_598 = arith.constant 1408 : i32
      %dma_wait3A_599 = arith.constant 0 : i32
      %dma_wait3A_600 = tpu.memref_slice %arg7[%dma_wait3A_597, %dma_wait3A_598, %dma_wait3A_599] : memref<2x2048x16xf32, #tpu.memory_space<vmem>> -> memref<1x128x16xf32, #tpu.memory_space<vmem>>
      %dma_wait3A_601 = tpu.memref_squeeze %dma_wait3A_600 : memref<1x128x16xf32, #tpu.memory_space<vmem>> -> memref<128x16xf32, #tpu.memory_space<vmem>>
      %dma_wait3A_602 = arith.constant 1408 : i32
      %dma_wait3A_603 = tpu.memref_slice %arg6[%dma_wait3A_596, %dma_wait3A_602] : memref<2x2048xi32, #tpu.memory_space<vmem>> -> memref<1x128xi32, #tpu.memory_space<vmem>>
      %dma_wait3A_604 = tpu.memref_squeeze %dma_wait3A_603 : memref<1x128xi32, #tpu.memory_space<vmem>> -> memref<128xi32, #tpu.memory_space<vmem>>
      %dma_wait3A_605 = arith.constant 0 : i32
      %dma_wait3A_606 = arith.constant 0 : i32
      %dma_wait3A_607 = tpu.memref_slice %arg3[%dma_wait3A_605, %dma_wait3A_606] : memref<500224x16xf32, #tpu.memory_space<hbm>> -> memref<500224x16xf32, #tpu.memory_space<hbm>>
      tpu.wait_indirect_dma semaphore(%arg10 : memref<!tpu.dma_semaphore, #tpu.memory_space<semaphore_mem>>) src(%dma_wait3A_607 : memref<500224x16xf32, #tpu.memory_space<hbm>>) dst(%dma_wait3A_601 : memref<128x16xf32, #tpu.memory_space<vmem>>)
      %dma_wait3A_608 = arith.constant 0 : i32
      %dma_wait3A_609 = arith.constant 0 : i32
      %dma_wait3A_610 = arith.constant 1536 : i32
      %dma_wait3A_611 = arith.constant 0 : i32
      %dma_wait3A_612 = tpu.memref_slice %arg7[%dma_wait3A_609, %dma_wait3A_610, %dma_wait3A_611] : memref<2x2048x16xf32, #tpu.memory_space<vmem>> -> memref<1x128x16xf32, #tpu.memory_space<vmem>>
      %dma_wait3A_613 = tpu.memref_squeeze %dma_wait3A_612 : memref<1x128x16xf32, #tpu.memory_space<vmem>> -> memref<128x16xf32, #tpu.memory_space<vmem>>
      %dma_wait3A_614 = arith.constant 1536 : i32
      %dma_wait3A_615 = tpu.memref_slice %arg6[%dma_wait3A_608, %dma_wait3A_614] : memref<2x2048xi32, #tpu.memory_space<vmem>> -> memref<1x128xi32, #tpu.memory_space<vmem>>
      %dma_wait3A_616 = tpu.memref_squeeze %dma_wait3A_615 : memref<1x128xi32, #tpu.memory_space<vmem>> -> memref<128xi32, #tpu.memory_space<vmem>>
      %dma_wait3A_617 = arith.constant 0 : i32
      %dma_wait3A_618 = arith.constant 0 : i32
      %dma_wait3A_619 = tpu.memref_slice %arg3[%dma_wait3A_617, %dma_wait3A_618] : memref<500224x16xf32, #tpu.memory_space<hbm>> -> memref<500224x16xf32, #tpu.memory_space<hbm>>
      tpu.wait_indirect_dma semaphore(%arg10 : memref<!tpu.dma_semaphore, #tpu.memory_space<semaphore_mem>>) src(%dma_wait3A_619 : memref<500224x16xf32, #tpu.memory_space<hbm>>) dst(%dma_wait3A_613 : memref<128x16xf32, #tpu.memory_space<vmem>>)
      %dma_wait3A_620 = arith.constant 0 : i32
      %dma_wait3A_621 = arith.constant 0 : i32
      %dma_wait3A_622 = arith.constant 1664 : i32
      %dma_wait3A_623 = arith.constant 0 : i32
      %dma_wait3A_624 = tpu.memref_slice %arg7[%dma_wait3A_621, %dma_wait3A_622, %dma_wait3A_623] : memref<2x2048x16xf32, #tpu.memory_space<vmem>> -> memref<1x128x16xf32, #tpu.memory_space<vmem>>
      %dma_wait3A_625 = tpu.memref_squeeze %dma_wait3A_624 : memref<1x128x16xf32, #tpu.memory_space<vmem>> -> memref<128x16xf32, #tpu.memory_space<vmem>>
      %dma_wait3A_626 = arith.constant 1664 : i32
      %dma_wait3A_627 = tpu.memref_slice %arg6[%dma_wait3A_620, %dma_wait3A_626] : memref<2x2048xi32, #tpu.memory_space<vmem>> -> memref<1x128xi32, #tpu.memory_space<vmem>>
      %dma_wait3A_628 = tpu.memref_squeeze %dma_wait3A_627 : memref<1x128xi32, #tpu.memory_space<vmem>> -> memref<128xi32, #tpu.memory_space<vmem>>
      %dma_wait3A_629 = arith.constant 0 : i32
      %dma_wait3A_630 = arith.constant 0 : i32
      %dma_wait3A_631 = tpu.memref_slice %arg3[%dma_wait3A_629, %dma_wait3A_630] : memref<500224x16xf32, #tpu.memory_space<hbm>> -> memref<500224x16xf32, #tpu.memory_space<hbm>>
      tpu.wait_indirect_dma semaphore(%arg10 : memref<!tpu.dma_semaphore, #tpu.memory_space<semaphore_mem>>) src(%dma_wait3A_631 : memref<500224x16xf32, #tpu.memory_space<hbm>>) dst(%dma_wait3A_625 : memref<128x16xf32, #tpu.memory_space<vmem>>)
      %dma_wait3A_632 = arith.constant 0 : i32
      %dma_wait3A_633 = arith.constant 0 : i32
      %dma_wait3A_634 = arith.constant 1792 : i32
      %dma_wait3A_635 = arith.constant 0 : i32
      %dma_wait3A_636 = tpu.memref_slice %arg7[%dma_wait3A_633, %dma_wait3A_634, %dma_wait3A_635] : memref<2x2048x16xf32, #tpu.memory_space<vmem>> -> memref<1x128x16xf32, #tpu.memory_space<vmem>>
      %dma_wait3A_637 = tpu.memref_squeeze %dma_wait3A_636 : memref<1x128x16xf32, #tpu.memory_space<vmem>> -> memref<128x16xf32, #tpu.memory_space<vmem>>
      %dma_wait3A_638 = arith.constant 1792 : i32
      %dma_wait3A_639 = tpu.memref_slice %arg6[%dma_wait3A_632, %dma_wait3A_638] : memref<2x2048xi32, #tpu.memory_space<vmem>> -> memref<1x128xi32, #tpu.memory_space<vmem>>
      %dma_wait3A_640 = tpu.memref_squeeze %dma_wait3A_639 : memref<1x128xi32, #tpu.memory_space<vmem>> -> memref<128xi32, #tpu.memory_space<vmem>>
      %dma_wait3A_641 = arith.constant 0 : i32
      %dma_wait3A_642 = arith.constant 0 : i32
      %dma_wait3A_643 = tpu.memref_slice %arg3[%dma_wait3A_641, %dma_wait3A_642] : memref<500224x16xf32, #tpu.memory_space<hbm>> -> memref<500224x16xf32, #tpu.memory_space<hbm>>
      tpu.wait_indirect_dma semaphore(%arg10 : memref<!tpu.dma_semaphore, #tpu.memory_space<semaphore_mem>>) src(%dma_wait3A_643 : memref<500224x16xf32, #tpu.memory_space<hbm>>) dst(%dma_wait3A_637 : memref<128x16xf32, #tpu.memory_space<vmem>>)
      %dma_wait3A_644 = arith.constant 0 : i32
      %dma_wait3A_645 = arith.constant 0 : i32
      %dma_wait3A_646 = arith.constant 1920 : i32
      %dma_wait3A_647 = arith.constant 0 : i32
      %dma_wait3A_648 = tpu.memref_slice %arg7[%dma_wait3A_645, %dma_wait3A_646, %dma_wait3A_647] : memref<2x2048x16xf32, #tpu.memory_space<vmem>> -> memref<1x128x16xf32, #tpu.memory_space<vmem>>
      %dma_wait3A_649 = tpu.memref_squeeze %dma_wait3A_648 : memref<1x128x16xf32, #tpu.memory_space<vmem>> -> memref<128x16xf32, #tpu.memory_space<vmem>>
      %dma_wait3A_650 = arith.constant 1920 : i32
      %dma_wait3A_651 = tpu.memref_slice %arg6[%dma_wait3A_644, %dma_wait3A_650] : memref<2x2048xi32, #tpu.memory_space<vmem>> -> memref<1x128xi32, #tpu.memory_space<vmem>>
      %dma_wait3A_652 = tpu.memref_squeeze %dma_wait3A_651 : memref<1x128xi32, #tpu.memory_space<vmem>> -> memref<128xi32, #tpu.memory_space<vmem>>
      %dma_wait3A_653 = arith.constant 0 : i32
      %dma_wait3A_654 = arith.constant 0 : i32
      %dma_wait3A_655 = tpu.memref_slice %arg3[%dma_wait3A_653, %dma_wait3A_654] : memref<500224x16xf32, #tpu.memory_space<hbm>> -> memref<500224x16xf32, #tpu.memory_space<hbm>>
      tpu.wait_indirect_dma semaphore(%arg10 : memref<!tpu.dma_semaphore, #tpu.memory_space<semaphore_mem>>) src(%dma_wait3A_655 : memref<500224x16xf32, #tpu.memory_space<hbm>>) dst(%dma_wait3A_649 : memref<128x16xf32, #tpu.memory_space<vmem>>)
      %gt3A = arith.constant 0 : i32
      %gt3A_656 = arith.cmpi sgt, %scan3A_253, %gt3A : i32
      %convert_element_type3A = arith.extui %gt3A_656 : i1 to i32
      %cond3A = arith.constant 0 : i32
      %cond3A_657 = arith.cmpi ne, %convert_element_type3A, %cond3A : i32
      scf.if %cond3A_657 {
        %dma_wait3A_907 = arith.constant 0 : i32
        %dma_wait3A_908 = arith.constant 0 : i32
        %dma_wait3A_909 = tpu.memref_slice %arg8[%dma_wait3A_907, %dma_wait3A_908] : memref<2x2048xf32, #tpu.memory_space<vmem>> -> memref<1x2048xf32, #tpu.memory_space<vmem>>
        %dma_wait3A_910 = tpu.memref_squeeze %dma_wait3A_909 : memref<1x2048xf32, #tpu.memory_space<vmem>> -> memref<2048xf32, #tpu.memory_space<vmem>>
        %dma_wait3A_911 = tpu.memref_slice %arg4[%mul3A_2] : memref<4194304xf32, #tpu.memory_space<hbm>> -> memref<2048xf32, #tpu.memory_space<hbm>>
        %dma_wait3A_912 = tpu.memref_slice %arg4[%mul3A_2] : memref<4194304xf32, #tpu.memory_space<hbm>> -> memref<2048xf32, #tpu.memory_space<hbm>>
        %dma_wait3A_913 = arith.constant 0 : i32
        %dma_wait3A_914 = tpu.memref_slice %arg8[%dma_wait3A_907, %dma_wait3A_913] : memref<2x2048xf32, #tpu.memory_space<vmem>> -> memref<1x2048xf32, #tpu.memory_space<vmem>>
        %dma_wait3A_915 = tpu.memref_squeeze %dma_wait3A_914 : memref<1x2048xf32, #tpu.memory_space<vmem>> -> memref<2048xf32, #tpu.memory_space<vmem>>
        tpu.wait_dma2 semaphore(%arg11 : memref<!tpu.dma_semaphore, #tpu.memory_space<semaphore_mem>>) src(%dma_wait3A_915 : memref<2048xf32, #tpu.memory_space<vmem>>) dst(%dma_wait3A_912 : memref<2048xf32, #tpu.memory_space<hbm>>)
      } else {
      }
      %scan3A_658 = arith.constant 0 : i32
      %scan3A_659 = arith.constant 0 : i32
      %scan3A_660 = arith.constant 128 : i32
      %scan3A_661 = arith.addi %scan3A_659, %scan3A_660 : i32
      %scan3A_662 = arith.constant 1 : i32
      scf.for %scan3A_907 = %scan3A_659 to %scan3A_661 step %scan3A_662  : i32 {
        %mul3A_908 = arith.constant 16 : i32
        %mul3A_909 = arith.muli %scan3A_907, %mul3A_908 : i32
        %multiple_of3A = tpu.assume_multiple %mul3A_909, 16 : i32
        %get3A = arith.constant 0 : i32
        %get3A_910 = arith.index_cast %get3A : i32 to index
        %get3A_911 = arith.index_cast %multiple_of3A : i32 to index
        %get3A_912 = tpu.vector_load %arg5[%get3A_910, %get3A_911] {strides = array<i32>} : memref<2x2048xf32, #tpu.memory_space<vmem>>, vector<16xf32>,
        %div3A = arith.constant 1.00000102E-6 : f32
        %div3A_913 = vector.broadcast %div3A : f32 to vector<16xf32>
        %div3A_914 = arith.divf %get3A_912, %div3A_913 : vector<16xf32>
        %convert_element_type3A_915 = arith.fptosi %div3A_914 : vector<16xf32> to vector<16xi32>
        %and3A = arith.constant 1 : i32
        %and3A_916 = vector.broadcast %and3A : i32 to vector<16xi32>
        %and3A_917 = arith.andi %convert_element_type3A_915, %and3A_916 : vector<16xi32>
        %mul3A_918 = arith.constant 16 : i32
        %mul3A_919 = arith.muli %scan3A_907, %mul3A_918 : i32
        %add3A_920 = vector.broadcast %mul3A_919 : i32 to vector<16xi32>
        %add3A_921 = arith.addi %add3A_920, %iota3A : vector<16xi32>
        %broadcast_in_dim3A = arith.constant 0.000000e+00 : f32
        %broadcast_in_dim3A_922 = vector.broadcast %broadcast_in_dim3A : f32 to vector<16xf32>
        %broadcast_in_dim3A_923 = arith.constant 0.000000e+00 : f32
        %broadcast_in_dim3A_924 = vector.broadcast %broadcast_in_dim3A_923 : f32 to vector<16xf32>
        %add3A_925 = arith.constant 0 : i32
        %add3A_926 = vector.broadcast %add3A_925 : i32 to vector<16xi32>
        %add3A_927 = arith.addi %and3A_917, %add3A_926 : vector<16xi32>
        %gather3A = arith.constant 0 : i32
        %gather3A_928 = arith.constant 0 : i32
        %gather3A_929 = arith.constant 0 : i32
        %gather3A_930 = tpu.memref_slice %arg7[%gather3A, %gather3A_928, %gather3A_929] : memref<2x2048x16xf32, #tpu.memory_space<vmem>> -> memref<1x2048x16xf32, #tpu.memory_space<vmem>>
        %gather3A_931 = tpu.memref_squeeze %gather3A_930 : memref<1x2048x16xf32, #tpu.memory_space<vmem>> -> memref<2048x16xf32, #tpu.memory_space<vmem>>
        %gather3A_932 = tpu.vector_load_idx %gather3A_931[%add3A_921, %add3A_927] : memref<2048x16xf32, #tpu.memory_space<vmem>>[vector<16xi32>, vector<16xi32>], vector<16xf32>,
        %add3A_933 = arith.constant 8 : i32
        %add3A_934 = vector.broadcast %add3A_933 : i32 to vector<16xi32>
        %add3A_935 = arith.addi %add3A_927, %add3A_934 : vector<16xi32>
        %gather3A_936 = arith.constant 0 : i32
        %gather3A_937 = arith.constant 0 : i32
        %gather3A_938 = arith.constant 0 : i32
        %gather3A_939 = tpu.memref_slice %arg7[%gather3A_936, %gather3A_937, %gather3A_938] : memref<2x2048x16xf32, #tpu.memory_space<vmem>> -> memref<1x2048x16xf32, #tpu.memory_space<vmem>>
        %gather3A_940 = tpu.memref_squeeze %gather3A_939 : memref<1x2048x16xf32, #tpu.memory_space<vmem>> -> memref<2048x16xf32, #tpu.memory_space<vmem>>
        %gather3A_941 = tpu.vector_load_idx %gather3A_940[%add3A_921, %add3A_935] : memref<2048x16xf32, #tpu.memory_space<vmem>>[vector<16xi32>, vector<16xi32>], vector<16xf32>,
        %sub3A = arith.subf %get3A_912, %gather3A_932 : vector<16xf32>
        %div3A_942 = arith.constant 1.00000102E-6 : f32
        %div3A_943 = vector.broadcast %div3A_942 : f32 to vector<16xf32>
        %div3A_944 = arith.divf %sub3A, %div3A_943 : vector<16xf32>
        %mul3A_945 = arith.mulf %div3A_944, %div3A_944 : vector<16xf32>
        %neg3A = arith.constant 0.000000e+00 : f32
        %neg3A_946 = vector.broadcast %neg3A : f32 to vector<16xf32>
        %neg3A_947 = arith.subf %neg3A_946, %mul3A_945 : vector<16xf32>
        %exp3A = math.exp %neg3A_947 : vector<16xf32>
        %add3A_948 = arith.addf %broadcast_in_dim3A_922, %exp3A : vector<16xf32>
        %mul3A_949 = arith.mulf %exp3A, %gather3A_941 : vector<16xf32>
        %add3A_950 = arith.addf %broadcast_in_dim3A_924, %mul3A_949 : vector<16xf32>
        %add3A_951 = arith.constant 1 : i32
        %add3A_952 = vector.broadcast %add3A_951 : i32 to vector<16xi32>
        %add3A_953 = arith.addi %and3A_917, %add3A_952 : vector<16xi32>
        %gather3A_954 = arith.constant 0 : i32
        %gather3A_955 = arith.constant 0 : i32
        %gather3A_956 = arith.constant 0 : i32
        %gather3A_957 = tpu.memref_slice %arg7[%gather3A_954, %gather3A_955, %gather3A_956] : memref<2x2048x16xf32, #tpu.memory_space<vmem>> -> memref<1x2048x16xf32, #tpu.memory_space<vmem>>
        %gather3A_958 = tpu.memref_squeeze %gather3A_957 : memref<1x2048x16xf32, #tpu.memory_space<vmem>> -> memref<2048x16xf32, #tpu.memory_space<vmem>>
        %gather3A_959 = tpu.vector_load_idx %gather3A_958[%add3A_921, %add3A_953] : memref<2048x16xf32, #tpu.memory_space<vmem>>[vector<16xi32>, vector<16xi32>], vector<16xf32>,
        %add3A_960 = arith.constant 8 : i32
        %add3A_961 = vector.broadcast %add3A_960 : i32 to vector<16xi32>
        %add3A_962 = arith.addi %add3A_953, %add3A_961 : vector<16xi32>
        %gather3A_963 = arith.constant 0 : i32
        %gather3A_964 = arith.constant 0 : i32
        %gather3A_965 = arith.constant 0 : i32
        %gather3A_966 = tpu.memref_slice %arg7[%gather3A_963, %gather3A_964, %gather3A_965] : memref<2x2048x16xf32, #tpu.memory_space<vmem>> -> memref<1x2048x16xf32, #tpu.memory_space<vmem>>
        %gather3A_967 = tpu.memref_squeeze %gather3A_966 : memref<1x2048x16xf32, #tpu.memory_space<vmem>> -> memref<2048x16xf32, #tpu.memory_space<vmem>>
        %gather3A_968 = tpu.vector_load_idx %gather3A_967[%add3A_921, %add3A_962] : memref<2048x16xf32, #tpu.memory_space<vmem>>[vector<16xi32>, vector<16xi32>], vector<16xf32>,
        %sub3A_969 = arith.subf %get3A_912, %gather3A_959 : vector<16xf32>
        %div3A_970 = arith.constant 1.00000102E-6 : f32
        %div3A_971 = vector.broadcast %div3A_970 : f32 to vector<16xf32>
        %div3A_972 = arith.divf %sub3A_969, %div3A_971 : vector<16xf32>
        %mul3A_973 = arith.mulf %div3A_972, %div3A_972 : vector<16xf32>
        %neg3A_974 = arith.constant 0.000000e+00 : f32
        %neg3A_975 = vector.broadcast %neg3A_974 : f32 to vector<16xf32>
        %neg3A_976 = arith.subf %neg3A_975, %mul3A_973 : vector<16xf32>
        %exp3A_977 = math.exp %neg3A_976 : vector<16xf32>
        %add3A_978 = arith.addf %add3A_948, %exp3A_977 : vector<16xf32>
        %mul3A_979 = arith.mulf %exp3A_977, %gather3A_968 : vector<16xf32>
        %add3A_980 = arith.addf %add3A_950, %mul3A_979 : vector<16xf32>
        %add3A_981 = arith.constant 2 : i32
        %add3A_982 = vector.broadcast %add3A_981 : i32 to vector<16xi32>
        %add3A_983 = arith.addi %and3A_917, %add3A_982 : vector<16xi32>
        %gather3A_984 = arith.constant 0 : i32
        %gather3A_985 = arith.constant 0 : i32
        %gather3A_986 = arith.constant 0 : i32
        %gather3A_987 = tpu.memref_slice %arg7[%gather3A_984, %gather3A_985, %gather3A_986] : memref<2x2048x16xf32, #tpu.memory_space<vmem>> -> memref<1x2048x16xf32, #tpu.memory_space<vmem>>
        %gather3A_988 = tpu.memref_squeeze %gather3A_987 : memref<1x2048x16xf32, #tpu.memory_space<vmem>> -> memref<2048x16xf32, #tpu.memory_space<vmem>>
        %gather3A_989 = tpu.vector_load_idx %gather3A_988[%add3A_921, %add3A_983] : memref<2048x16xf32, #tpu.memory_space<vmem>>[vector<16xi32>, vector<16xi32>], vector<16xf32>,
        %add3A_990 = arith.constant 8 : i32
        %add3A_991 = vector.broadcast %add3A_990 : i32 to vector<16xi32>
        %add3A_992 = arith.addi %add3A_983, %add3A_991 : vector<16xi32>
        %gather3A_993 = arith.constant 0 : i32
        %gather3A_994 = arith.constant 0 : i32
        %gather3A_995 = arith.constant 0 : i32
        %gather3A_996 = tpu.memref_slice %arg7[%gather3A_993, %gather3A_994, %gather3A_995] : memref<2x2048x16xf32, #tpu.memory_space<vmem>> -> memref<1x2048x16xf32, #tpu.memory_space<vmem>>
        %gather3A_997 = tpu.memref_squeeze %gather3A_996 : memref<1x2048x16xf32, #tpu.memory_space<vmem>> -> memref<2048x16xf32, #tpu.memory_space<vmem>>
        %gather3A_998 = tpu.vector_load_idx %gather3A_997[%add3A_921, %add3A_992] : memref<2048x16xf32, #tpu.memory_space<vmem>>[vector<16xi32>, vector<16xi32>], vector<16xf32>,
        %sub3A_999 = arith.subf %get3A_912, %gather3A_989 : vector<16xf32>
        %div3A_1000 = arith.constant 1.00000102E-6 : f32
        %div3A_1001 = vector.broadcast %div3A_1000 : f32 to vector<16xf32>
        %div3A_1002 = arith.divf %sub3A_999, %div3A_1001 : vector<16xf32>
        %mul3A_1003 = arith.mulf %div3A_1002, %div3A_1002 : vector<16xf32>
        %neg3A_1004 = arith.constant 0.000000e+00 : f32
        %neg3A_1005 = vector.broadcast %neg3A_1004 : f32 to vector<16xf32>
        %neg3A_1006 = arith.subf %neg3A_1005, %mul3A_1003 : vector<16xf32>
        %exp3A_1007 = math.exp %neg3A_1006 : vector<16xf32>
        %add3A_1008 = arith.addf %add3A_978, %exp3A_1007 : vector<16xf32>
        %mul3A_1009 = arith.mulf %exp3A_1007, %gather3A_998 : vector<16xf32>
        %add3A_1010 = arith.addf %add3A_980, %mul3A_1009 : vector<16xf32>
        %add3A_1011 = arith.constant 3 : i32
        %add3A_1012 = vector.broadcast %add3A_1011 : i32 to vector<16xi32>
        %add3A_1013 = arith.addi %and3A_917, %add3A_1012 : vector<16xi32>
        %gather3A_1014 = arith.constant 0 : i32
        %gather3A_1015 = arith.constant 0 : i32
        %gather3A_1016 = arith.constant 0 : i32
        %gather3A_1017 = tpu.memref_slice %arg7[%gather3A_1014, %gather3A_1015, %gather3A_1016] : memref<2x2048x16xf32, #tpu.memory_space<vmem>> -> memref<1x2048x16xf32, #tpu.memory_space<vmem>>
        %gather3A_1018 = tpu.memref_squeeze %gather3A_1017 : memref<1x2048x16xf32, #tpu.memory_space<vmem>> -> memref<2048x16xf32, #tpu.memory_space<vmem>>
        %gather3A_1019 = tpu.vector_load_idx %gather3A_1018[%add3A_921, %add3A_1013] : memref<2048x16xf32, #tpu.memory_space<vmem>>[vector<16xi32>, vector<16xi32>], vector<16xf32>,
        %add3A_1020 = arith.constant 8 : i32
        %add3A_1021 = vector.broadcast %add3A_1020 : i32 to vector<16xi32>
        %add3A_1022 = arith.addi %add3A_1013, %add3A_1021 : vector<16xi32>
        %gather3A_1023 = arith.constant 0 : i32
        %gather3A_1024 = arith.constant 0 : i32
        %gather3A_1025 = arith.constant 0 : i32
        %gather3A_1026 = tpu.memref_slice %arg7[%gather3A_1023, %gather3A_1024, %gather3A_1025] : memref<2x2048x16xf32, #tpu.memory_space<vmem>> -> memref<1x2048x16xf32, #tpu.memory_space<vmem>>
        %gather3A_1027 = tpu.memref_squeeze %gather3A_1026 : memref<1x2048x16xf32, #tpu.memory_space<vmem>> -> memref<2048x16xf32, #tpu.memory_space<vmem>>
        %gather3A_1028 = tpu.vector_load_idx %gather3A_1027[%add3A_921, %add3A_1022] : memref<2048x16xf32, #tpu.memory_space<vmem>>[vector<16xi32>, vector<16xi32>], vector<16xf32>,
        %sub3A_1029 = arith.subf %get3A_912, %gather3A_1019 : vector<16xf32>
        %div3A_1030 = arith.constant 1.00000102E-6 : f32
        %div3A_1031 = vector.broadcast %div3A_1030 : f32 to vector<16xf32>
        %div3A_1032 = arith.divf %sub3A_1029, %div3A_1031 : vector<16xf32>
        %mul3A_1033 = arith.mulf %div3A_1032, %div3A_1032 : vector<16xf32>
        %neg3A_1034 = arith.constant 0.000000e+00 : f32
        %neg3A_1035 = vector.broadcast %neg3A_1034 : f32 to vector<16xf32>
        %neg3A_1036 = arith.subf %neg3A_1035, %mul3A_1033 : vector<16xf32>
        %exp3A_1037 = math.exp %neg3A_1036 : vector<16xf32>
        %add3A_1038 = arith.addf %add3A_1008, %exp3A_1037 : vector<16xf32>
        %mul3A_1039 = arith.mulf %exp3A_1037, %gather3A_1028 : vector<16xf32>
        %add3A_1040 = arith.addf %add3A_1010, %mul3A_1039 : vector<16xf32>
        %add3A_1041 = arith.constant 4 : i32
        %add3A_1042 = vector.broadcast %add3A_1041 : i32 to vector<16xi32>
        %add3A_1043 = arith.addi %and3A_917, %add3A_1042 : vector<16xi32>
        %gather3A_1044 = arith.constant 0 : i32
        %gather3A_1045 = arith.constant 0 : i32
        %gather3A_1046 = arith.constant 0 : i32
        %gather3A_1047 = tpu.memref_slice %arg7[%gather3A_1044, %gather3A_1045, %gather3A_1046] : memref<2x2048x16xf32, #tpu.memory_space<vmem>> -> memref<1x2048x16xf32, #tpu.memory_space<vmem>>
        %gather3A_1048 = tpu.memref_squeeze %gather3A_1047 : memref<1x2048x16xf32, #tpu.memory_space<vmem>> -> memref<2048x16xf32, #tpu.memory_space<vmem>>
        %gather3A_1049 = tpu.vector_load_idx %gather3A_1048[%add3A_921, %add3A_1043] : memref<2048x16xf32, #tpu.memory_space<vmem>>[vector<16xi32>, vector<16xi32>], vector<16xf32>,
        %add3A_1050 = arith.constant 8 : i32
        %add3A_1051 = vector.broadcast %add3A_1050 : i32 to vector<16xi32>
        %add3A_1052 = arith.addi %add3A_1043, %add3A_1051 : vector<16xi32>
        %gather3A_1053 = arith.constant 0 : i32
        %gather3A_1054 = arith.constant 0 : i32
        %gather3A_1055 = arith.constant 0 : i32
        %gather3A_1056 = tpu.memref_slice %arg7[%gather3A_1053, %gather3A_1054, %gather3A_1055] : memref<2x2048x16xf32, #tpu.memory_space<vmem>> -> memref<1x2048x16xf32, #tpu.memory_space<vmem>>
        %gather3A_1057 = tpu.memref_squeeze %gather3A_1056 : memref<1x2048x16xf32, #tpu.memory_space<vmem>> -> memref<2048x16xf32, #tpu.memory_space<vmem>>
        %gather3A_1058 = tpu.vector_load_idx %gather3A_1057[%add3A_921, %add3A_1052] : memref<2048x16xf32, #tpu.memory_space<vmem>>[vector<16xi32>, vector<16xi32>], vector<16xf32>,
        %sub3A_1059 = arith.subf %get3A_912, %gather3A_1049 : vector<16xf32>
        %div3A_1060 = arith.constant 1.00000102E-6 : f32
        %div3A_1061 = vector.broadcast %div3A_1060 : f32 to vector<16xf32>
        %div3A_1062 = arith.divf %sub3A_1059, %div3A_1061 : vector<16xf32>
        %mul3A_1063 = arith.mulf %div3A_1062, %div3A_1062 : vector<16xf32>
        %neg3A_1064 = arith.constant 0.000000e+00 : f32
        %neg3A_1065 = vector.broadcast %neg3A_1064 : f32 to vector<16xf32>
        %neg3A_1066 = arith.subf %neg3A_1065, %mul3A_1063 : vector<16xf32>
        %exp3A_1067 = math.exp %neg3A_1066 : vector<16xf32>
        %add3A_1068 = arith.addf %add3A_1038, %exp3A_1067 : vector<16xf32>
        %mul3A_1069 = arith.mulf %exp3A_1067, %gather3A_1058 : vector<16xf32>
        %add3A_1070 = arith.addf %add3A_1040, %mul3A_1069 : vector<16xf32>
        %add3A_1071 = arith.constant 5 : i32
        %add3A_1072 = vector.broadcast %add3A_1071 : i32 to vector<16xi32>
        %add3A_1073 = arith.addi %and3A_917, %add3A_1072 : vector<16xi32>
        %gather3A_1074 = arith.constant 0 : i32
        %gather3A_1075 = arith.constant 0 : i32
        %gather3A_1076 = arith.constant 0 : i32
        %gather3A_1077 = tpu.memref_slice %arg7[%gather3A_1074, %gather3A_1075, %gather3A_1076] : memref<2x2048x16xf32, #tpu.memory_space<vmem>> -> memref<1x2048x16xf32, #tpu.memory_space<vmem>>
        %gather3A_1078 = tpu.memref_squeeze %gather3A_1077 : memref<1x2048x16xf32, #tpu.memory_space<vmem>> -> memref<2048x16xf32, #tpu.memory_space<vmem>>
        %gather3A_1079 = tpu.vector_load_idx %gather3A_1078[%add3A_921, %add3A_1073] : memref<2048x16xf32, #tpu.memory_space<vmem>>[vector<16xi32>, vector<16xi32>], vector<16xf32>,
        %add3A_1080 = arith.constant 8 : i32
        %add3A_1081 = vector.broadcast %add3A_1080 : i32 to vector<16xi32>
        %add3A_1082 = arith.addi %add3A_1073, %add3A_1081 : vector<16xi32>
        %gather3A_1083 = arith.constant 0 : i32
        %gather3A_1084 = arith.constant 0 : i32
        %gather3A_1085 = arith.constant 0 : i32
        %gather3A_1086 = tpu.memref_slice %arg7[%gather3A_1083, %gather3A_1084, %gather3A_1085] : memref<2x2048x16xf32, #tpu.memory_space<vmem>> -> memref<1x2048x16xf32, #tpu.memory_space<vmem>>
        %gather3A_1087 = tpu.memref_squeeze %gather3A_1086 : memref<1x2048x16xf32, #tpu.memory_space<vmem>> -> memref<2048x16xf32, #tpu.memory_space<vmem>>
        %gather3A_1088 = tpu.vector_load_idx %gather3A_1087[%add3A_921, %add3A_1082] : memref<2048x16xf32, #tpu.memory_space<vmem>>[vector<16xi32>, vector<16xi32>], vector<16xf32>,
        %sub3A_1089 = arith.subf %get3A_912, %gather3A_1079 : vector<16xf32>
        %div3A_1090 = arith.constant 1.00000102E-6 : f32
        %div3A_1091 = vector.broadcast %div3A_1090 : f32 to vector<16xf32>
        %div3A_1092 = arith.divf %sub3A_1089, %div3A_1091 : vector<16xf32>
        %mul3A_1093 = arith.mulf %div3A_1092, %div3A_1092 : vector<16xf32>
        %neg3A_1094 = arith.constant 0.000000e+00 : f32
        %neg3A_1095 = vector.broadcast %neg3A_1094 : f32 to vector<16xf32>
        %neg3A_1096 = arith.subf %neg3A_1095, %mul3A_1093 : vector<16xf32>
        %exp3A_1097 = math.exp %neg3A_1096 : vector<16xf32>
        %add3A_1098 = arith.addf %add3A_1068, %exp3A_1097 : vector<16xf32>
        %mul3A_1099 = arith.mulf %exp3A_1097, %gather3A_1088 : vector<16xf32>
        %add3A_1100 = arith.addf %add3A_1070, %mul3A_1099 : vector<16xf32>
        %add3A_1101 = arith.constant 6 : i32
        %add3A_1102 = vector.broadcast %add3A_1101 : i32 to vector<16xi32>
        %add3A_1103 = arith.addi %and3A_917, %add3A_1102 : vector<16xi32>
        %gather3A_1104 = arith.constant 0 : i32
        %gather3A_1105 = arith.constant 0 : i32
        %gather3A_1106 = arith.constant 0 : i32
        %gather3A_1107 = tpu.memref_slice %arg7[%gather3A_1104, %gather3A_1105, %gather3A_1106] : memref<2x2048x16xf32, #tpu.memory_space<vmem>> -> memref<1x2048x16xf32, #tpu.memory_space<vmem>>
        %gather3A_1108 = tpu.memref_squeeze %gather3A_1107 : memref<1x2048x16xf32, #tpu.memory_space<vmem>> -> memref<2048x16xf32, #tpu.memory_space<vmem>>
        %gather3A_1109 = tpu.vector_load_idx %gather3A_1108[%add3A_921, %add3A_1103] : memref<2048x16xf32, #tpu.memory_space<vmem>>[vector<16xi32>, vector<16xi32>], vector<16xf32>,
        %add3A_1110 = arith.constant 8 : i32
        %add3A_1111 = vector.broadcast %add3A_1110 : i32 to vector<16xi32>
        %add3A_1112 = arith.addi %add3A_1103, %add3A_1111 : vector<16xi32>
        %gather3A_1113 = arith.constant 0 : i32
        %gather3A_1114 = arith.constant 0 : i32
        %gather3A_1115 = arith.constant 0 : i32
        %gather3A_1116 = tpu.memref_slice %arg7[%gather3A_1113, %gather3A_1114, %gather3A_1115] : memref<2x2048x16xf32, #tpu.memory_space<vmem>> -> memref<1x2048x16xf32, #tpu.memory_space<vmem>>
        %gather3A_1117 = tpu.memref_squeeze %gather3A_1116 : memref<1x2048x16xf32, #tpu.memory_space<vmem>> -> memref<2048x16xf32, #tpu.memory_space<vmem>>
        %gather3A_1118 = tpu.vector_load_idx %gather3A_1117[%add3A_921, %add3A_1112] : memref<2048x16xf32, #tpu.memory_space<vmem>>[vector<16xi32>, vector<16xi32>], vector<16xf32>,
        %sub3A_1119 = arith.subf %get3A_912, %gather3A_1109 : vector<16xf32>
        %div3A_1120 = arith.constant 1.00000102E-6 : f32
        %div3A_1121 = vector.broadcast %div3A_1120 : f32 to vector<16xf32>
        %div3A_1122 = arith.divf %sub3A_1119, %div3A_1121 : vector<16xf32>
        %mul3A_1123 = arith.mulf %div3A_1122, %div3A_1122 : vector<16xf32>
        %neg3A_1124 = arith.constant 0.000000e+00 : f32
        %neg3A_1125 = vector.broadcast %neg3A_1124 : f32 to vector<16xf32>
        %neg3A_1126 = arith.subf %neg3A_1125, %mul3A_1123 : vector<16xf32>
        %exp3A_1127 = math.exp %neg3A_1126 : vector<16xf32>
        %add3A_1128 = arith.addf %add3A_1098, %exp3A_1127 : vector<16xf32>
        %mul3A_1129 = arith.mulf %exp3A_1127, %gather3A_1118 : vector<16xf32>
        %add3A_1130 = arith.addf %add3A_1100, %mul3A_1129 : vector<16xf32>
        %mul3A_1131 = arith.constant 0.564189613 : f32
        %mul3A_1132 = vector.broadcast %mul3A_1131 : f32 to vector<16xf32>
        %mul3A_1133 = arith.mulf %add3A_1130, %mul3A_1132 : vector<16xf32>
        %div3A_1134 = arith.divf %mul3A_1133, %add3A_1128 : vector<16xf32>
        %swap3A = arith.constant 0 : i32
        %swap3A_1135 = arith.index_cast %swap3A : i32 to index
        %swap3A_1136 = arith.index_cast %multiple_of3A : i32 to index
        %swap3A_1137 = tpu.vector_load %arg8[%swap3A_1135, %swap3A_1136] {strides = array<i32>} : memref<2x2048xf32, #tpu.memory_space<vmem>>, vector<16xf32>,
        tpu.vector_store %arg8[%swap3A_1135, %swap3A_1136], %div3A_1134 {strides = array<i32>} : memref<2x2048xf32, #tpu.memory_space<vmem>>, vector<16xf32>,
      }
      %scan3A_663 = arith.constant 128 : i32
      %mul3A_664 = arith.constant 2048 : i32
      %mul3A_665 = arith.muli %mul3A_255, %mul3A_664 : i32
      %add3A_666 = arith.addi %mul3A_2, %mul3A_665 : i32
      %dma_start3A_667 = arith.constant 0 : i32
      %dma_start3A_668 = arith.constant 0 : i32
      %dma_start3A_669 = tpu.memref_slice %arg8[%dma_start3A_667, %dma_start3A_668] : memref<2x2048xf32, #tpu.memory_space<vmem>> -> memref<1x2048xf32, #tpu.memory_space<vmem>>
      %dma_start3A_670 = tpu.memref_squeeze %dma_start3A_669 : memref<1x2048xf32, #tpu.memory_space<vmem>> -> memref<2048xf32, #tpu.memory_space<vmem>>
      %dma_start3A_671 = tpu.memref_slice %arg4[%add3A_666] : memref<4194304xf32, #tpu.memory_space<hbm>> -> memref<2048xf32, #tpu.memory_space<hbm>>
      %dma_start3A_672 = tpu.memref_slice %arg4[%add3A_666] : memref<4194304xf32, #tpu.memory_space<hbm>> -> memref<2048xf32, #tpu.memory_space<hbm>>
      %dma_start3A_673 = arith.constant 0 : i32
      %dma_start3A_674 = tpu.memref_slice %arg8[%dma_start3A_667, %dma_start3A_673] : memref<2x2048xf32, #tpu.memory_space<vmem>> -> memref<1x2048xf32, #tpu.memory_space<vmem>>
      %dma_start3A_675 = tpu.memref_squeeze %dma_start3A_674 : memref<1x2048xf32, #tpu.memory_space<vmem>> -> memref<2048xf32, #tpu.memory_space<vmem>>
      tpu.enqueue_dma source(%dma_start3A_675 : memref<2048xf32, #tpu.memory_space<vmem>>) target(%dma_start3A_672 : memref<2048xf32, #tpu.memory_space<hbm>>) target_semaphore(%arg11 : memref<!tpu.dma_semaphore, #tpu.memory_space<semaphore_mem>>)
      %not3A = arith.constant true
      %not3A_676 = arith.xori %eq3A_256, %not3A : i1
      %convert_element_type3A_677 = arith.extui %not3A_676 : i1 to i32
      %cond3A_678 = arith.constant 0 : i32
      %cond3A_679 = arith.cmpi ne, %convert_element_type3A_677, %cond3A_678 : i32
      scf.if %cond3A_679 {
        %add3A_907 = arith.constant 2 : i32
        %add3A_908 = arith.addi %mul3A_255, %add3A_907 : i32
        %mul3A_909 = arith.constant 2048 : i32
        %mul3A_910 = arith.muli %add3A_908, %mul3A_909 : i32
        %add3A_911 = arith.addi %mul3A_2, %mul3A_910 : i32
        %dma_start3A_912 = arith.constant 0 : i32
        %dma_start3A_913 = arith.constant 0 : i32
        %dma_start3A_914 = tpu.memref_slice %arg5[%dma_start3A_912, %dma_start3A_913] : memref<2x2048xf32, #tpu.memory_space<vmem>> -> memref<1x2048xf32, #tpu.memory_space<vmem>>
        %dma_start3A_915 = tpu.memref_squeeze %dma_start3A_914 : memref<1x2048xf32, #tpu.memory_space<vmem>> -> memref<2048xf32, #tpu.memory_space<vmem>>
        %dma_start3A_916 = tpu.memref_slice %arg2[%add3A_911] : memref<4194304xf32, #tpu.memory_space<hbm>> -> memref<2048xf32, #tpu.memory_space<hbm>>
        %dma_start3A_917 = arith.constant 0 : i32
        %dma_start3A_918 = tpu.memref_slice %arg5[%dma_start3A_912, %dma_start3A_917] : memref<2x2048xf32, #tpu.memory_space<vmem>> -> memref<1x2048xf32, #tpu.memory_space<vmem>>
        %dma_start3A_919 = tpu.memref_squeeze %dma_start3A_918 : memref<1x2048xf32, #tpu.memory_space<vmem>> -> memref<2048xf32, #tpu.memory_space<vmem>>
        %dma_start3A_920 = tpu.memref_slice %arg2[%add3A_911] : memref<4194304xf32, #tpu.memory_space<hbm>> -> memref<2048xf32, #tpu.memory_space<hbm>>
        tpu.enqueue_dma source(%dma_start3A_920 : memref<2048xf32, #tpu.memory_space<hbm>>) target(%dma_start3A_919 : memref<2048xf32, #tpu.memory_space<vmem>>) target_semaphore(%arg9 : memref<!tpu.dma_semaphore, #tpu.memory_space<semaphore_mem>>)
      } else {
      }
      %not3A_680 = arith.constant true
      %not3A_681 = arith.xori %eq3A_256, %not3A_680 : i1
      %convert_element_type3A_682 = arith.extui %not3A_681 : i1 to i32
      %cond3A_683 = arith.constant 0 : i32
      %cond3A_684 = arith.cmpi ne, %convert_element_type3A_682, %cond3A_683 : i32
      scf.if %cond3A_684 {
        %dma_wait3A_907 = arith.constant 0 : i32
        %dma_wait3A_908 = arith.constant 0 : i32
        %dma_wait3A_909 = tpu.memref_slice %arg5[%dma_wait3A_907, %dma_wait3A_908] : memref<2x2048xf32, #tpu.memory_space<vmem>> -> memref<1x2048xf32, #tpu.memory_space<vmem>>
        %dma_wait3A_910 = tpu.memref_squeeze %dma_wait3A_909 : memref<1x2048xf32, #tpu.memory_space<vmem>> -> memref<2048xf32, #tpu.memory_space<vmem>>
        %dma_wait3A_911 = tpu.memref_slice %arg2[%mul3A_2] : memref<4194304xf32, #tpu.memory_space<hbm>> -> memref<2048xf32, #tpu.memory_space<hbm>>
        %dma_wait3A_912 = arith.constant 0 : i32
        %dma_wait3A_913 = tpu.memref_slice %arg5[%dma_wait3A_907, %dma_wait3A_912] : memref<2x2048xf32, #tpu.memory_space<vmem>> -> memref<1x2048xf32, #tpu.memory_space<vmem>>
        %dma_wait3A_914 = tpu.memref_squeeze %dma_wait3A_913 : memref<1x2048xf32, #tpu.memory_space<vmem>> -> memref<2048xf32, #tpu.memory_space<vmem>>
        %dma_wait3A_915 = tpu.memref_slice %arg2[%mul3A_2] : memref<4194304xf32, #tpu.memory_space<hbm>> -> memref<2048xf32, #tpu.memory_space<hbm>>
        tpu.wait_dma2 semaphore(%arg9 : memref<!tpu.dma_semaphore, #tpu.memory_space<semaphore_mem>>) src(%dma_wait3A_915 : memref<2048xf32, #tpu.memory_space<hbm>>) dst(%dma_wait3A_914 : memref<2048xf32, #tpu.memory_space<vmem>>)
        %scan3A_916 = arith.constant 0 : i32
        %scan3A_917 = arith.constant 0 : i32
        %scan3A_918 = arith.constant 128 : i32
        %scan3A_919 = arith.addi %scan3A_917, %scan3A_918 : i32
        %scan3A_920 = arith.constant 1 : i32
        scf.for %scan3A_1114 = %scan3A_917 to %scan3A_919 step %scan3A_920  : i32 {
          %mul3A_1115 = arith.constant 16 : i32
          %mul3A_1116 = arith.muli %scan3A_1114, %mul3A_1115 : i32
          %multiple_of3A = tpu.assume_multiple %mul3A_1116, 16 : i32
          %get3A = arith.constant 0 : i32
          %get3A_1117 = arith.index_cast %get3A : i32 to index
          %get3A_1118 = arith.index_cast %multiple_of3A : i32 to index
          %get3A_1119 = tpu.vector_load %arg5[%get3A_1117, %get3A_1118] {strides = array<i32>} : memref<2x2048xf32, #tpu.memory_space<vmem>>, vector<16xf32>,
          %div3A = arith.constant 1.00000102E-6 : f32
          %div3A_1120 = vector.broadcast %div3A : f32 to vector<16xf32>
          %div3A_1121 = arith.divf %get3A_1119, %div3A_1120 : vector<16xf32>
          %convert_element_type3A_1122 = arith.fptosi %div3A_1121 : vector<16xf32> to vector<16xi32>
          %shift_right_arithmetic3A = arith.constant 1 : i32
          %shift_right_arithmetic3A_1123 = vector.broadcast %shift_right_arithmetic3A : i32 to vector<16xi32>
          %shift_right_arithmetic3A_1124 = arith.shrsi %convert_element_type3A_1122, %shift_right_arithmetic3A_1123 : vector<16xi32>
          %swap3A = arith.constant 0 : i32
          %swap3A_1125 = arith.index_cast %swap3A : i32 to index
          %swap3A_1126 = arith.index_cast %multiple_of3A : i32 to index
          %swap3A_1127 = tpu.vector_load %arg6[%swap3A_1125, %swap3A_1126] {strides = array<i32>} : memref<2x2048xi32, #tpu.memory_space<vmem>>, vector<16xi32>,
          tpu.vector_store %arg6[%swap3A_1125, %swap3A_1126], %shift_right_arithmetic3A_1124 {strides = array<i32>} : memref<2x2048xi32, #tpu.memory_space<vmem>>, vector<16xi32>,
        }
        %scan3A_921 = arith.constant 128 : i32
        %dma_start3A_922 = arith.constant 0 : i32
        %dma_start3A_923 = arith.constant 0 : i32
        %dma_start3A_924 = arith.constant 0 : i32
        %dma_start3A_925 = arith.constant 0 : i32
        %dma_start3A_926 = tpu.memref_slice %arg7[%dma_start3A_923, %dma_start3A_924, %dma_start3A_925] : memref<2x2048x16xf32, #tpu.memory_space<vmem>> -> memref<1x128x16xf32, #tpu.memory_space<vmem>>
        %dma_start3A_927 = tpu.memref_squeeze %dma_start3A_926 : memref<1x128x16xf32, #tpu.memory_space<vmem>> -> memref<128x16xf32, #tpu.memory_space<vmem>>
        %dma_start3A_928 = arith.constant 0 : i32
        %dma_start3A_929 = tpu.memref_slice %arg6[%dma_start3A_922, %dma_start3A_928] : memref<2x2048xi32, #tpu.memory_space<vmem>> -> memref<1x128xi32, #tpu.memory_space<vmem>>
        %dma_start3A_930 = tpu.memref_squeeze %dma_start3A_929 : memref<1x128xi32, #tpu.memory_space<vmem>> -> memref<128xi32, #tpu.memory_space<vmem>>
        %dma_start3A_931 = arith.constant 0 : i32
        %dma_start3A_932 = arith.constant 0 : i32
        %dma_start3A_933 = tpu.memref_slice %arg3[%dma_start3A_931, %dma_start3A_932] : memref<500224x16xf32, #tpu.memory_space<hbm>> -> memref<500224x16xf32, #tpu.memory_space<hbm>>
        tpu.enqueue_indirect_dma source(%dma_start3A_933 : memref<500224x16xf32, #tpu.memory_space<hbm>>) target(%dma_start3A_927 : memref<128x16xf32, #tpu.memory_space<vmem>>) offsets(%dma_start3A_930 : memref<128xi32, #tpu.memory_space<vmem>>) semaphore(%arg10 : memref<!tpu.dma_semaphore, #tpu.memory_space<semaphore_mem>>)
        %dma_start3A_934 = arith.constant 0 : i32
        %dma_start3A_935 = arith.constant 0 : i32
        %dma_start3A_936 = arith.constant 128 : i32
        %dma_start3A_937 = arith.constant 0 : i32
        %dma_start3A_938 = tpu.memref_slice %arg7[%dma_start3A_935, %dma_start3A_936, %dma_start3A_937] : memref<2x2048x16xf32, #tpu.memory_space<vmem>> -> memref<1x128x16xf32, #tpu.memory_space<vmem>>
        %dma_start3A_939 = tpu.memref_squeeze %dma_start3A_938 : memref<1x128x16xf32, #tpu.memory_space<vmem>> -> memref<128x16xf32, #tpu.memory_space<vmem>>
        %dma_start3A_940 = arith.constant 128 : i32
        %dma_start3A_941 = tpu.memref_slice %arg6[%dma_start3A_934, %dma_start3A_940] : memref<2x2048xi32, #tpu.memory_space<vmem>> -> memref<1x128xi32, #tpu.memory_space<vmem>>
        %dma_start3A_942 = tpu.memref_squeeze %dma_start3A_941 : memref<1x128xi32, #tpu.memory_space<vmem>> -> memref<128xi32, #tpu.memory_space<vmem>>
        %dma_start3A_943 = arith.constant 0 : i32
        %dma_start3A_944 = arith.constant 0 : i32
        %dma_start3A_945 = tpu.memref_slice %arg3[%dma_start3A_943, %dma_start3A_944] : memref<500224x16xf32, #tpu.memory_space<hbm>> -> memref<500224x16xf32, #tpu.memory_space<hbm>>
        tpu.enqueue_indirect_dma source(%dma_start3A_945 : memref<500224x16xf32, #tpu.memory_space<hbm>>) target(%dma_start3A_939 : memref<128x16xf32, #tpu.memory_space<vmem>>) offsets(%dma_start3A_942 : memref<128xi32, #tpu.memory_space<vmem>>) semaphore(%arg10 : memref<!tpu.dma_semaphore, #tpu.memory_space<semaphore_mem>>)
        %dma_start3A_946 = arith.constant 0 : i32
        %dma_start3A_947 = arith.constant 0 : i32
        %dma_start3A_948 = arith.constant 256 : i32
        %dma_start3A_949 = arith.constant 0 : i32
        %dma_start3A_950 = tpu.memref_slice %arg7[%dma_start3A_947, %dma_start3A_948, %dma_start3A_949] : memref<2x2048x16xf32, #tpu.memory_space<vmem>> -> memref<1x128x16xf32, #tpu.memory_space<vmem>>
        %dma_start3A_951 = tpu.memref_squeeze %dma_start3A_950 : memref<1x128x16xf32, #tpu.memory_space<vmem>> -> memref<128x16xf32, #tpu.memory_space<vmem>>
        %dma_start3A_952 = arith.constant 256 : i32
        %dma_start3A_953 = tpu.memref_slice %arg6[%dma_start3A_946, %dma_start3A_952] : memref<2x2048xi32, #tpu.memory_space<vmem>> -> memref<1x128xi32, #tpu.memory_space<vmem>>
        %dma_start3A_954 = tpu.memref_squeeze %dma_start3A_953 : memref<1x128xi32, #tpu.memory_space<vmem>> -> memref<128xi32, #tpu.memory_space<vmem>>
        %dma_start3A_955 = arith.constant 0 : i32
        %dma_start3A_956 = arith.constant 0 : i32
        %dma_start3A_957 = tpu.memref_slice %arg3[%dma_start3A_955, %dma_start3A_956] : memref<500224x16xf32, #tpu.memory_space<hbm>> -> memref<500224x16xf32, #tpu.memory_space<hbm>>
        tpu.enqueue_indirect_dma source(%dma_start3A_957 : memref<500224x16xf32, #tpu.memory_space<hbm>>) target(%dma_start3A_951 : memref<128x16xf32, #tpu.memory_space<vmem>>) offsets(%dma_start3A_954 : memref<128xi32, #tpu.memory_space<vmem>>) semaphore(%arg10 : memref<!tpu.dma_semaphore, #tpu.memory_space<semaphore_mem>>)
        %dma_start3A_958 = arith.constant 0 : i32
        %dma_start3A_959 = arith.constant 0 : i32
        %dma_start3A_960 = arith.constant 384 : i32
        %dma_start3A_961 = arith.constant 0 : i32
        %dma_start3A_962 = tpu.memref_slice %arg7[%dma_start3A_959, %dma_start3A_960, %dma_start3A_961] : memref<2x2048x16xf32, #tpu.memory_space<vmem>> -> memref<1x128x16xf32, #tpu.memory_space<vmem>>
        %dma_start3A_963 = tpu.memref_squeeze %dma_start3A_962 : memref<1x128x16xf32, #tpu.memory_space<vmem>> -> memref<128x16xf32, #tpu.memory_space<vmem>>
        %dma_start3A_964 = arith.constant 384 : i32
        %dma_start3A_965 = tpu.memref_slice %arg6[%dma_start3A_958, %dma_start3A_964] : memref<2x2048xi32, #tpu.memory_space<vmem>> -> memref<1x128xi32, #tpu.memory_space<vmem>>
        %dma_start3A_966 = tpu.memref_squeeze %dma_start3A_965 : memref<1x128xi32, #tpu.memory_space<vmem>> -> memref<128xi32, #tpu.memory_space<vmem>>
        %dma_start3A_967 = arith.constant 0 : i32
        %dma_start3A_968 = arith.constant 0 : i32
        %dma_start3A_969 = tpu.memref_slice %arg3[%dma_start3A_967, %dma_start3A_968] : memref<500224x16xf32, #tpu.memory_space<hbm>> -> memref<500224x16xf32, #tpu.memory_space<hbm>>
        tpu.enqueue_indirect_dma source(%dma_start3A_969 : memref<500224x16xf32, #tpu.memory_space<hbm>>) target(%dma_start3A_963 : memref<128x16xf32, #tpu.memory_space<vmem>>) offsets(%dma_start3A_966 : memref<128xi32, #tpu.memory_space<vmem>>) semaphore(%arg10 : memref<!tpu.dma_semaphore, #tpu.memory_space<semaphore_mem>>)
        %dma_start3A_970 = arith.constant 0 : i32
        %dma_start3A_971 = arith.constant 0 : i32
        %dma_start3A_972 = arith.constant 512 : i32
        %dma_start3A_973 = arith.constant 0 : i32
        %dma_start3A_974 = tpu.memref_slice %arg7[%dma_start3A_971, %dma_start3A_972, %dma_start3A_973] : memref<2x2048x16xf32, #tpu.memory_space<vmem>> -> memref<1x128x16xf32, #tpu.memory_space<vmem>>
        %dma_start3A_975 = tpu.memref_squeeze %dma_start3A_974 : memref<1x128x16xf32, #tpu.memory_space<vmem>> -> memref<128x16xf32, #tpu.memory_space<vmem>>
        %dma_start3A_976 = arith.constant 512 : i32
        %dma_start3A_977 = tpu.memref_slice %arg6[%dma_start3A_970, %dma_start3A_976] : memref<2x2048xi32, #tpu.memory_space<vmem>> -> memref<1x128xi32, #tpu.memory_space<vmem>>
        %dma_start3A_978 = tpu.memref_squeeze %dma_start3A_977 : memref<1x128xi32, #tpu.memory_space<vmem>> -> memref<128xi32, #tpu.memory_space<vmem>>
        %dma_start3A_979 = arith.constant 0 : i32
        %dma_start3A_980 = arith.constant 0 : i32
        %dma_start3A_981 = tpu.memref_slice %arg3[%dma_start3A_979, %dma_start3A_980] : memref<500224x16xf32, #tpu.memory_space<hbm>> -> memref<500224x16xf32, #tpu.memory_space<hbm>>
        tpu.enqueue_indirect_dma source(%dma_start3A_981 : memref<500224x16xf32, #tpu.memory_space<hbm>>) target(%dma_start3A_975 : memref<128x16xf32, #tpu.memory_space<vmem>>) offsets(%dma_start3A_978 : memref<128xi32, #tpu.memory_space<vmem>>) semaphore(%arg10 : memref<!tpu.dma_semaphore, #tpu.memory_space<semaphore_mem>>)
        %dma_start3A_982 = arith.constant 0 : i32
        %dma_start3A_983 = arith.constant 0 : i32
        %dma_start3A_984 = arith.constant 640 : i32
        %dma_start3A_985 = arith.constant 0 : i32
        %dma_start3A_986 = tpu.memref_slice %arg7[%dma_start3A_983, %dma_start3A_984, %dma_start3A_985] : memref<2x2048x16xf32, #tpu.memory_space<vmem>> -> memref<1x128x16xf32, #tpu.memory_space<vmem>>
        %dma_start3A_987 = tpu.memref_squeeze %dma_start3A_986 : memref<1x128x16xf32, #tpu.memory_space<vmem>> -> memref<128x16xf32, #tpu.memory_space<vmem>>
        %dma_start3A_988 = arith.constant 640 : i32
        %dma_start3A_989 = tpu.memref_slice %arg6[%dma_start3A_982, %dma_start3A_988] : memref<2x2048xi32, #tpu.memory_space<vmem>> -> memref<1x128xi32, #tpu.memory_space<vmem>>
        %dma_start3A_990 = tpu.memref_squeeze %dma_start3A_989 : memref<1x128xi32, #tpu.memory_space<vmem>> -> memref<128xi32, #tpu.memory_space<vmem>>
        %dma_start3A_991 = arith.constant 0 : i32
        %dma_start3A_992 = arith.constant 0 : i32
        %dma_start3A_993 = tpu.memref_slice %arg3[%dma_start3A_991, %dma_start3A_992] : memref<500224x16xf32, #tpu.memory_space<hbm>> -> memref<500224x16xf32, #tpu.memory_space<hbm>>
        tpu.enqueue_indirect_dma source(%dma_start3A_993 : memref<500224x16xf32, #tpu.memory_space<hbm>>) target(%dma_start3A_987 : memref<128x16xf32, #tpu.memory_space<vmem>>) offsets(%dma_start3A_990 : memref<128xi32, #tpu.memory_space<vmem>>) semaphore(%arg10 : memref<!tpu.dma_semaphore, #tpu.memory_space<semaphore_mem>>)
        %dma_start3A_994 = arith.constant 0 : i32
        %dma_start3A_995 = arith.constant 0 : i32
        %dma_start3A_996 = arith.constant 768 : i32
        %dma_start3A_997 = arith.constant 0 : i32
        %dma_start3A_998 = tpu.memref_slice %arg7[%dma_start3A_995, %dma_start3A_996, %dma_start3A_997] : memref<2x2048x16xf32, #tpu.memory_space<vmem>> -> memref<1x128x16xf32, #tpu.memory_space<vmem>>
        %dma_start3A_999 = tpu.memref_squeeze %dma_start3A_998 : memref<1x128x16xf32, #tpu.memory_space<vmem>> -> memref<128x16xf32, #tpu.memory_space<vmem>>
        %dma_start3A_1000 = arith.constant 768 : i32
        %dma_start3A_1001 = tpu.memref_slice %arg6[%dma_start3A_994, %dma_start3A_1000] : memref<2x2048xi32, #tpu.memory_space<vmem>> -> memref<1x128xi32, #tpu.memory_space<vmem>>
        %dma_start3A_1002 = tpu.memref_squeeze %dma_start3A_1001 : memref<1x128xi32, #tpu.memory_space<vmem>> -> memref<128xi32, #tpu.memory_space<vmem>>
        %dma_start3A_1003 = arith.constant 0 : i32
        %dma_start3A_1004 = arith.constant 0 : i32
        %dma_start3A_1005 = tpu.memref_slice %arg3[%dma_start3A_1003, %dma_start3A_1004] : memref<500224x16xf32, #tpu.memory_space<hbm>> -> memref<500224x16xf32, #tpu.memory_space<hbm>>
        tpu.enqueue_indirect_dma source(%dma_start3A_1005 : memref<500224x16xf32, #tpu.memory_space<hbm>>) target(%dma_start3A_999 : memref<128x16xf32, #tpu.memory_space<vmem>>) offsets(%dma_start3A_1002 : memref<128xi32, #tpu.memory_space<vmem>>) semaphore(%arg10 : memref<!tpu.dma_semaphore, #tpu.memory_space<semaphore_mem>>)
        %dma_start3A_1006 = arith.constant 0 : i32
        %dma_start3A_1007 = arith.constant 0 : i32
        %dma_start3A_1008 = arith.constant 896 : i32
        %dma_start3A_1009 = arith.constant 0 : i32
        %dma_start3A_1010 = tpu.memref_slice %arg7[%dma_start3A_1007, %dma_start3A_1008, %dma_start3A_1009] : memref<2x2048x16xf32, #tpu.memory_space<vmem>> -> memref<1x128x16xf32, #tpu.memory_space<vmem>>
        %dma_start3A_1011 = tpu.memref_squeeze %dma_start3A_1010 : memref<1x128x16xf32, #tpu.memory_space<vmem>> -> memref<128x16xf32, #tpu.memory_space<vmem>>
        %dma_start3A_1012 = arith.constant 896 : i32
        %dma_start3A_1013 = tpu.memref_slice %arg6[%dma_start3A_1006, %dma_start3A_1012] : memref<2x2048xi32, #tpu.memory_space<vmem>> -> memref<1x128xi32, #tpu.memory_space<vmem>>
        %dma_start3A_1014 = tpu.memref_squeeze %dma_start3A_1013 : memref<1x128xi32, #tpu.memory_space<vmem>> -> memref<128xi32, #tpu.memory_space<vmem>>
        %dma_start3A_1015 = arith.constant 0 : i32
        %dma_start3A_1016 = arith.constant 0 : i32
        %dma_start3A_1017 = tpu.memref_slice %arg3[%dma_start3A_1015, %dma_start3A_1016] : memref<500224x16xf32, #tpu.memory_space<hbm>> -> memref<500224x16xf32, #tpu.memory_space<hbm>>
        tpu.enqueue_indirect_dma source(%dma_start3A_1017 : memref<500224x16xf32, #tpu.memory_space<hbm>>) target(%dma_start3A_1011 : memref<128x16xf32, #tpu.memory_space<vmem>>) offsets(%dma_start3A_1014 : memref<128xi32, #tpu.memory_space<vmem>>) semaphore(%arg10 : memref<!tpu.dma_semaphore, #tpu.memory_space<semaphore_mem>>)
        %dma_start3A_1018 = arith.constant 0 : i32
        %dma_start3A_1019 = arith.constant 0 : i32
        %dma_start3A_1020 = arith.constant 1024 : i32
        %dma_start3A_1021 = arith.constant 0 : i32
        %dma_start3A_1022 = tpu.memref_slice %arg7[%dma_start3A_1019, %dma_start3A_1020, %dma_start3A_1021] : memref<2x2048x16xf32, #tpu.memory_space<vmem>> -> memref<1x128x16xf32, #tpu.memory_space<vmem>>
        %dma_start3A_1023 = tpu.memref_squeeze %dma_start3A_1022 : memref<1x128x16xf32, #tpu.memory_space<vmem>> -> memref<128x16xf32, #tpu.memory_space<vmem>>
        %dma_start3A_1024 = arith.constant 1024 : i32
        %dma_start3A_1025 = tpu.memref_slice %arg6[%dma_start3A_1018, %dma_start3A_1024] : memref<2x2048xi32, #tpu.memory_space<vmem>> -> memref<1x128xi32, #tpu.memory_space<vmem>>
        %dma_start3A_1026 = tpu.memref_squeeze %dma_start3A_1025 : memref<1x128xi32, #tpu.memory_space<vmem>> -> memref<128xi32, #tpu.memory_space<vmem>>
        %dma_start3A_1027 = arith.constant 0 : i32
        %dma_start3A_1028 = arith.constant 0 : i32
        %dma_start3A_1029 = tpu.memref_slice %arg3[%dma_start3A_1027, %dma_start3A_1028] : memref<500224x16xf32, #tpu.memory_space<hbm>> -> memref<500224x16xf32, #tpu.memory_space<hbm>>
        tpu.enqueue_indirect_dma source(%dma_start3A_1029 : memref<500224x16xf32, #tpu.memory_space<hbm>>) target(%dma_start3A_1023 : memref<128x16xf32, #tpu.memory_space<vmem>>) offsets(%dma_start3A_1026 : memref<128xi32, #tpu.memory_space<vmem>>) semaphore(%arg10 : memref<!tpu.dma_semaphore, #tpu.memory_space<semaphore_mem>>)
        %dma_start3A_1030 = arith.constant 0 : i32
        %dma_start3A_1031 = arith.constant 0 : i32
        %dma_start3A_1032 = arith.constant 1152 : i32
        %dma_start3A_1033 = arith.constant 0 : i32
        %dma_start3A_1034 = tpu.memref_slice %arg7[%dma_start3A_1031, %dma_start3A_1032, %dma_start3A_1033] : memref<2x2048x16xf32, #tpu.memory_space<vmem>> -> memref<1x128x16xf32, #tpu.memory_space<vmem>>
        %dma_start3A_1035 = tpu.memref_squeeze %dma_start3A_1034 : memref<1x128x16xf32, #tpu.memory_space<vmem>> -> memref<128x16xf32, #tpu.memory_space<vmem>>
        %dma_start3A_1036 = arith.constant 1152 : i32
        %dma_start3A_1037 = tpu.memref_slice %arg6[%dma_start3A_1030, %dma_start3A_1036] : memref<2x2048xi32, #tpu.memory_space<vmem>> -> memref<1x128xi32, #tpu.memory_space<vmem>>
        %dma_start3A_1038 = tpu.memref_squeeze %dma_start3A_1037 : memref<1x128xi32, #tpu.memory_space<vmem>> -> memref<128xi32, #tpu.memory_space<vmem>>
        %dma_start3A_1039 = arith.constant 0 : i32
        %dma_start3A_1040 = arith.constant 0 : i32
        %dma_start3A_1041 = tpu.memref_slice %arg3[%dma_start3A_1039, %dma_start3A_1040] : memref<500224x16xf32, #tpu.memory_space<hbm>> -> memref<500224x16xf32, #tpu.memory_space<hbm>>
        tpu.enqueue_indirect_dma source(%dma_start3A_1041 : memref<500224x16xf32, #tpu.memory_space<hbm>>) target(%dma_start3A_1035 : memref<128x16xf32, #tpu.memory_space<vmem>>) offsets(%dma_start3A_1038 : memref<128xi32, #tpu.memory_space<vmem>>) semaphore(%arg10 : memref<!tpu.dma_semaphore, #tpu.memory_space<semaphore_mem>>)
        %dma_start3A_1042 = arith.constant 0 : i32
        %dma_start3A_1043 = arith.constant 0 : i32
        %dma_start3A_1044 = arith.constant 1280 : i32
        %dma_start3A_1045 = arith.constant 0 : i32
        %dma_start3A_1046 = tpu.memref_slice %arg7[%dma_start3A_1043, %dma_start3A_1044, %dma_start3A_1045] : memref<2x2048x16xf32, #tpu.memory_space<vmem>> -> memref<1x128x16xf32, #tpu.memory_space<vmem>>
        %dma_start3A_1047 = tpu.memref_squeeze %dma_start3A_1046 : memref<1x128x16xf32, #tpu.memory_space<vmem>> -> memref<128x16xf32, #tpu.memory_space<vmem>>
        %dma_start3A_1048 = arith.constant 1280 : i32
        %dma_start3A_1049 = tpu.memref_slice %arg6[%dma_start3A_1042, %dma_start3A_1048] : memref<2x2048xi32, #tpu.memory_space<vmem>> -> memref<1x128xi32, #tpu.memory_space<vmem>>
        %dma_start3A_1050 = tpu.memref_squeeze %dma_start3A_1049 : memref<1x128xi32, #tpu.memory_space<vmem>> -> memref<128xi32, #tpu.memory_space<vmem>>
        %dma_start3A_1051 = arith.constant 0 : i32
        %dma_start3A_1052 = arith.constant 0 : i32
        %dma_start3A_1053 = tpu.memref_slice %arg3[%dma_start3A_1051, %dma_start3A_1052] : memref<500224x16xf32, #tpu.memory_space<hbm>> -> memref<500224x16xf32, #tpu.memory_space<hbm>>
        tpu.enqueue_indirect_dma source(%dma_start3A_1053 : memref<500224x16xf32, #tpu.memory_space<hbm>>) target(%dma_start3A_1047 : memref<128x16xf32, #tpu.memory_space<vmem>>) offsets(%dma_start3A_1050 : memref<128xi32, #tpu.memory_space<vmem>>) semaphore(%arg10 : memref<!tpu.dma_semaphore, #tpu.memory_space<semaphore_mem>>)
        %dma_start3A_1054 = arith.constant 0 : i32
        %dma_start3A_1055 = arith.constant 0 : i32
        %dma_start3A_1056 = arith.constant 1408 : i32
        %dma_start3A_1057 = arith.constant 0 : i32
        %dma_start3A_1058 = tpu.memref_slice %arg7[%dma_start3A_1055, %dma_start3A_1056, %dma_start3A_1057] : memref<2x2048x16xf32, #tpu.memory_space<vmem>> -> memref<1x128x16xf32, #tpu.memory_space<vmem>>
        %dma_start3A_1059 = tpu.memref_squeeze %dma_start3A_1058 : memref<1x128x16xf32, #tpu.memory_space<vmem>> -> memref<128x16xf32, #tpu.memory_space<vmem>>
        %dma_start3A_1060 = arith.constant 1408 : i32
        %dma_start3A_1061 = tpu.memref_slice %arg6[%dma_start3A_1054, %dma_start3A_1060] : memref<2x2048xi32, #tpu.memory_space<vmem>> -> memref<1x128xi32, #tpu.memory_space<vmem>>
        %dma_start3A_1062 = tpu.memref_squeeze %dma_start3A_1061 : memref<1x128xi32, #tpu.memory_space<vmem>> -> memref<128xi32, #tpu.memory_space<vmem>>
        %dma_start3A_1063 = arith.constant 0 : i32
        %dma_start3A_1064 = arith.constant 0 : i32
        %dma_start3A_1065 = tpu.memref_slice %arg3[%dma_start3A_1063, %dma_start3A_1064] : memref<500224x16xf32, #tpu.memory_space<hbm>> -> memref<500224x16xf32, #tpu.memory_space<hbm>>
        tpu.enqueue_indirect_dma source(%dma_start3A_1065 : memref<500224x16xf32, #tpu.memory_space<hbm>>) target(%dma_start3A_1059 : memref<128x16xf32, #tpu.memory_space<vmem>>) offsets(%dma_start3A_1062 : memref<128xi32, #tpu.memory_space<vmem>>) semaphore(%arg10 : memref<!tpu.dma_semaphore, #tpu.memory_space<semaphore_mem>>)
        %dma_start3A_1066 = arith.constant 0 : i32
        %dma_start3A_1067 = arith.constant 0 : i32
        %dma_start3A_1068 = arith.constant 1536 : i32
        %dma_start3A_1069 = arith.constant 0 : i32
        %dma_start3A_1070 = tpu.memref_slice %arg7[%dma_start3A_1067, %dma_start3A_1068, %dma_start3A_1069] : memref<2x2048x16xf32, #tpu.memory_space<vmem>> -> memref<1x128x16xf32, #tpu.memory_space<vmem>>
        %dma_start3A_1071 = tpu.memref_squeeze %dma_start3A_1070 : memref<1x128x16xf32, #tpu.memory_space<vmem>> -> memref<128x16xf32, #tpu.memory_space<vmem>>
        %dma_start3A_1072 = arith.constant 1536 : i32
        %dma_start3A_1073 = tpu.memref_slice %arg6[%dma_start3A_1066, %dma_start3A_1072] : memref<2x2048xi32, #tpu.memory_space<vmem>> -> memref<1x128xi32, #tpu.memory_space<vmem>>
        %dma_start3A_1074 = tpu.memref_squeeze %dma_start3A_1073 : memref<1x128xi32, #tpu.memory_space<vmem>> -> memref<128xi32, #tpu.memory_space<vmem>>
        %dma_start3A_1075 = arith.constant 0 : i32
        %dma_start3A_1076 = arith.constant 0 : i32
        %dma_start3A_1077 = tpu.memref_slice %arg3[%dma_start3A_1075, %dma_start3A_1076] : memref<500224x16xf32, #tpu.memory_space<hbm>> -> memref<500224x16xf32, #tpu.memory_space<hbm>>
        tpu.enqueue_indirect_dma source(%dma_start3A_1077 : memref<500224x16xf32, #tpu.memory_space<hbm>>) target(%dma_start3A_1071 : memref<128x16xf32, #tpu.memory_space<vmem>>) offsets(%dma_start3A_1074 : memref<128xi32, #tpu.memory_space<vmem>>) semaphore(%arg10 : memref<!tpu.dma_semaphore, #tpu.memory_space<semaphore_mem>>)
        %dma_start3A_1078 = arith.constant 0 : i32
        %dma_start3A_1079 = arith.constant 0 : i32
        %dma_start3A_1080 = arith.constant 1664 : i32
        %dma_start3A_1081 = arith.constant 0 : i32
        %dma_start3A_1082 = tpu.memref_slice %arg7[%dma_start3A_1079, %dma_start3A_1080, %dma_start3A_1081] : memref<2x2048x16xf32, #tpu.memory_space<vmem>> -> memref<1x128x16xf32, #tpu.memory_space<vmem>>
        %dma_start3A_1083 = tpu.memref_squeeze %dma_start3A_1082 : memref<1x128x16xf32, #tpu.memory_space<vmem>> -> memref<128x16xf32, #tpu.memory_space<vmem>>
        %dma_start3A_1084 = arith.constant 1664 : i32
        %dma_start3A_1085 = tpu.memref_slice %arg6[%dma_start3A_1078, %dma_start3A_1084] : memref<2x2048xi32, #tpu.memory_space<vmem>> -> memref<1x128xi32, #tpu.memory_space<vmem>>
        %dma_start3A_1086 = tpu.memref_squeeze %dma_start3A_1085 : memref<1x128xi32, #tpu.memory_space<vmem>> -> memref<128xi32, #tpu.memory_space<vmem>>
        %dma_start3A_1087 = arith.constant 0 : i32
        %dma_start3A_1088 = arith.constant 0 : i32
        %dma_start3A_1089 = tpu.memref_slice %arg3[%dma_start3A_1087, %dma_start3A_1088] : memref<500224x16xf32, #tpu.memory_space<hbm>> -> memref<500224x16xf32, #tpu.memory_space<hbm>>
        tpu.enqueue_indirect_dma source(%dma_start3A_1089 : memref<500224x16xf32, #tpu.memory_space<hbm>>) target(%dma_start3A_1083 : memref<128x16xf32, #tpu.memory_space<vmem>>) offsets(%dma_start3A_1086 : memref<128xi32, #tpu.memory_space<vmem>>) semaphore(%arg10 : memref<!tpu.dma_semaphore, #tpu.memory_space<semaphore_mem>>)
        %dma_start3A_1090 = arith.constant 0 : i32
        %dma_start3A_1091 = arith.constant 0 : i32
        %dma_start3A_1092 = arith.constant 1792 : i32
        %dma_start3A_1093 = arith.constant 0 : i32
        %dma_start3A_1094 = tpu.memref_slice %arg7[%dma_start3A_1091, %dma_start3A_1092, %dma_start3A_1093] : memref<2x2048x16xf32, #tpu.memory_space<vmem>> -> memref<1x128x16xf32, #tpu.memory_space<vmem>>
        %dma_start3A_1095 = tpu.memref_squeeze %dma_start3A_1094 : memref<1x128x16xf32, #tpu.memory_space<vmem>> -> memref<128x16xf32, #tpu.memory_space<vmem>>
        %dma_start3A_1096 = arith.constant 1792 : i32
        %dma_start3A_1097 = tpu.memref_slice %arg6[%dma_start3A_1090, %dma_start3A_1096] : memref<2x2048xi32, #tpu.memory_space<vmem>> -> memref<1x128xi32, #tpu.memory_space<vmem>>
        %dma_start3A_1098 = tpu.memref_squeeze %dma_start3A_1097 : memref<1x128xi32, #tpu.memory_space<vmem>> -> memref<128xi32, #tpu.memory_space<vmem>>
        %dma_start3A_1099 = arith.constant 0 : i32
        %dma_start3A_1100 = arith.constant 0 : i32
        %dma_start3A_1101 = tpu.memref_slice %arg3[%dma_start3A_1099, %dma_start3A_1100] : memref<500224x16xf32, #tpu.memory_space<hbm>> -> memref<500224x16xf32, #tpu.memory_space<hbm>>
        tpu.enqueue_indirect_dma source(%dma_start3A_1101 : memref<500224x16xf32, #tpu.memory_space<hbm>>) target(%dma_start3A_1095 : memref<128x16xf32, #tpu.memory_space<vmem>>) offsets(%dma_start3A_1098 : memref<128xi32, #tpu.memory_space<vmem>>) semaphore(%arg10 : memref<!tpu.dma_semaphore, #tpu.memory_space<semaphore_mem>>)
        %dma_start3A_1102 = arith.constant 0 : i32
        %dma_start3A_1103 = arith.constant 0 : i32
        %dma_start3A_1104 = arith.constant 1920 : i32
        %dma_start3A_1105 = arith.constant 0 : i32
        %dma_start3A_1106 = tpu.memref_slice %arg7[%dma_start3A_1103, %dma_start3A_1104, %dma_start3A_1105] : memref<2x2048x16xf32, #tpu.memory_space<vmem>> -> memref<1x128x16xf32, #tpu.memory_space<vmem>>
        %dma_start3A_1107 = tpu.memref_squeeze %dma_start3A_1106 : memref<1x128x16xf32, #tpu.memory_space<vmem>> -> memref<128x16xf32, #tpu.memory_space<vmem>>
        %dma_start3A_1108 = arith.constant 1920 : i32
        %dma_start3A_1109 = tpu.memref_slice %arg6[%dma_start3A_1102, %dma_start3A_1108] : memref<2x2048xi32, #tpu.memory_space<vmem>> -> memref<1x128xi32, #tpu.memory_space<vmem>>
        %dma_start3A_1110 = tpu.memref_squeeze %dma_start3A_1109 : memref<1x128xi32, #tpu.memory_space<vmem>> -> memref<128xi32, #tpu.memory_space<vmem>>
        %dma_start3A_1111 = arith.constant 0 : i32
        %dma_start3A_1112 = arith.constant 0 : i32
        %dma_start3A_1113 = tpu.memref_slice %arg3[%dma_start3A_1111, %dma_start3A_1112] : memref<500224x16xf32, #tpu.memory_space<hbm>> -> memref<500224x16xf32, #tpu.memory_space<hbm>>
        tpu.enqueue_indirect_dma source(%dma_start3A_1113 : memref<500224x16xf32, #tpu.memory_space<hbm>>) target(%dma_start3A_1107 : memref<128x16xf32, #tpu.memory_space<vmem>>) offsets(%dma_start3A_1110 : memref<128xi32, #tpu.memory_space<vmem>>) semaphore(%arg10 : memref<!tpu.dma_semaphore, #tpu.memory_space<semaphore_mem>>)
      } else {
      }
      %dma_wait3A_685 = arith.constant 1 : i32
      %dma_wait3A_686 = arith.constant 1 : i32
      %dma_wait3A_687 = arith.constant 0 : i32
      %dma_wait3A_688 = arith.constant 0 : i32
      %dma_wait3A_689 = tpu.memref_slice %arg7[%dma_wait3A_686, %dma_wait3A_687, %dma_wait3A_688] : memref<2x2048x16xf32, #tpu.memory_space<vmem>> -> memref<1x128x16xf32, #tpu.memory_space<vmem>>
      %dma_wait3A_690 = tpu.memref_squeeze %dma_wait3A_689 : memref<1x128x16xf32, #tpu.memory_space<vmem>> -> memref<128x16xf32, #tpu.memory_space<vmem>>
      %dma_wait3A_691 = arith.constant 0 : i32
      %dma_wait3A_692 = tpu.memref_slice %arg6[%dma_wait3A_685, %dma_wait3A_691] : memref<2x2048xi32, #tpu.memory_space<vmem>> -> memref<1x128xi32, #tpu.memory_space<vmem>>
      %dma_wait3A_693 = tpu.memref_squeeze %dma_wait3A_692 : memref<1x128xi32, #tpu.memory_space<vmem>> -> memref<128xi32, #tpu.memory_space<vmem>>
      %dma_wait3A_694 = arith.constant 0 : i32
      %dma_wait3A_695 = arith.constant 0 : i32
      %dma_wait3A_696 = tpu.memref_slice %arg3[%dma_wait3A_694, %dma_wait3A_695] : memref<500224x16xf32, #tpu.memory_space<hbm>> -> memref<500224x16xf32, #tpu.memory_space<hbm>>
      tpu.wait_indirect_dma semaphore(%arg10 : memref<!tpu.dma_semaphore, #tpu.memory_space<semaphore_mem>>) src(%dma_wait3A_696 : memref<500224x16xf32, #tpu.memory_space<hbm>>) dst(%dma_wait3A_690 : memref<128x16xf32, #tpu.memory_space<vmem>>)
      %dma_wait3A_697 = arith.constant 1 : i32
      %dma_wait3A_698 = arith.constant 1 : i32
      %dma_wait3A_699 = arith.constant 128 : i32
      %dma_wait3A_700 = arith.constant 0 : i32
      %dma_wait3A_701 = tpu.memref_slice %arg7[%dma_wait3A_698, %dma_wait3A_699, %dma_wait3A_700] : memref<2x2048x16xf32, #tpu.memory_space<vmem>> -> memref<1x128x16xf32, #tpu.memory_space<vmem>>
      %dma_wait3A_702 = tpu.memref_squeeze %dma_wait3A_701 : memref<1x128x16xf32, #tpu.memory_space<vmem>> -> memref<128x16xf32, #tpu.memory_space<vmem>>
      %dma_wait3A_703 = arith.constant 128 : i32
      %dma_wait3A_704 = tpu.memref_slice %arg6[%dma_wait3A_697, %dma_wait3A_703] : memref<2x2048xi32, #tpu.memory_space<vmem>> -> memref<1x128xi32, #tpu.memory_space<vmem>>
      %dma_wait3A_705 = tpu.memref_squeeze %dma_wait3A_704 : memref<1x128xi32, #tpu.memory_space<vmem>> -> memref<128xi32, #tpu.memory_space<vmem>>
      %dma_wait3A_706 = arith.constant 0 : i32
      %dma_wait3A_707 = arith.constant 0 : i32
      %dma_wait3A_708 = tpu.memref_slice %arg3[%dma_wait3A_706, %dma_wait3A_707] : memref<500224x16xf32, #tpu.memory_space<hbm>> -> memref<500224x16xf32, #tpu.memory_space<hbm>>
      tpu.wait_indirect_dma semaphore(%arg10 : memref<!tpu.dma_semaphore, #tpu.memory_space<semaphore_mem>>) src(%dma_wait3A_708 : memref<500224x16xf32, #tpu.memory_space<hbm>>) dst(%dma_wait3A_702 : memref<128x16xf32, #tpu.memory_space<vmem>>)
      %dma_wait3A_709 = arith.constant 1 : i32
      %dma_wait3A_710 = arith.constant 1 : i32
      %dma_wait3A_711 = arith.constant 256 : i32
      %dma_wait3A_712 = arith.constant 0 : i32
      %dma_wait3A_713 = tpu.memref_slice %arg7[%dma_wait3A_710, %dma_wait3A_711, %dma_wait3A_712] : memref<2x2048x16xf32, #tpu.memory_space<vmem>> -> memref<1x128x16xf32, #tpu.memory_space<vmem>>
      %dma_wait3A_714 = tpu.memref_squeeze %dma_wait3A_713 : memref<1x128x16xf32, #tpu.memory_space<vmem>> -> memref<128x16xf32, #tpu.memory_space<vmem>>
      %dma_wait3A_715 = arith.constant 256 : i32
      %dma_wait3A_716 = tpu.memref_slice %arg6[%dma_wait3A_709, %dma_wait3A_715] : memref<2x2048xi32, #tpu.memory_space<vmem>> -> memref<1x128xi32, #tpu.memory_space<vmem>>
      %dma_wait3A_717 = tpu.memref_squeeze %dma_wait3A_716 : memref<1x128xi32, #tpu.memory_space<vmem>> -> memref<128xi32, #tpu.memory_space<vmem>>
      %dma_wait3A_718 = arith.constant 0 : i32
      %dma_wait3A_719 = arith.constant 0 : i32
      %dma_wait3A_720 = tpu.memref_slice %arg3[%dma_wait3A_718, %dma_wait3A_719] : memref<500224x16xf32, #tpu.memory_space<hbm>> -> memref<500224x16xf32, #tpu.memory_space<hbm>>
      tpu.wait_indirect_dma semaphore(%arg10 : memref<!tpu.dma_semaphore, #tpu.memory_space<semaphore_mem>>) src(%dma_wait3A_720 : memref<500224x16xf32, #tpu.memory_space<hbm>>) dst(%dma_wait3A_714 : memref<128x16xf32, #tpu.memory_space<vmem>>)
      %dma_wait3A_721 = arith.constant 1 : i32
      %dma_wait3A_722 = arith.constant 1 : i32
      %dma_wait3A_723 = arith.constant 384 : i32
      %dma_wait3A_724 = arith.constant 0 : i32
      %dma_wait3A_725 = tpu.memref_slice %arg7[%dma_wait3A_722, %dma_wait3A_723, %dma_wait3A_724] : memref<2x2048x16xf32, #tpu.memory_space<vmem>> -> memref<1x128x16xf32, #tpu.memory_space<vmem>>
      %dma_wait3A_726 = tpu.memref_squeeze %dma_wait3A_725 : memref<1x128x16xf32, #tpu.memory_space<vmem>> -> memref<128x16xf32, #tpu.memory_space<vmem>>
      %dma_wait3A_727 = arith.constant 384 : i32
      %dma_wait3A_728 = tpu.memref_slice %arg6[%dma_wait3A_721, %dma_wait3A_727] : memref<2x2048xi32, #tpu.memory_space<vmem>> -> memref<1x128xi32, #tpu.memory_space<vmem>>
      %dma_wait3A_729 = tpu.memref_squeeze %dma_wait3A_728 : memref<1x128xi32, #tpu.memory_space<vmem>> -> memref<128xi32, #tpu.memory_space<vmem>>
      %dma_wait3A_730 = arith.constant 0 : i32
      %dma_wait3A_731 = arith.constant 0 : i32
      %dma_wait3A_732 = tpu.memref_slice %arg3[%dma_wait3A_730, %dma_wait3A_731] : memref<500224x16xf32, #tpu.memory_space<hbm>> -> memref<500224x16xf32, #tpu.memory_space<hbm>>
      tpu.wait_indirect_dma semaphore(%arg10 : memref<!tpu.dma_semaphore, #tpu.memory_space<semaphore_mem>>) src(%dma_wait3A_732 : memref<500224x16xf32, #tpu.memory_space<hbm>>) dst(%dma_wait3A_726 : memref<128x16xf32, #tpu.memory_space<vmem>>)
      %dma_wait3A_733 = arith.constant 1 : i32
      %dma_wait3A_734 = arith.constant 1 : i32
      %dma_wait3A_735 = arith.constant 512 : i32
      %dma_wait3A_736 = arith.constant 0 : i32
      %dma_wait3A_737 = tpu.memref_slice %arg7[%dma_wait3A_734, %dma_wait3A_735, %dma_wait3A_736] : memref<2x2048x16xf32, #tpu.memory_space<vmem>> -> memref<1x128x16xf32, #tpu.memory_space<vmem>>
      %dma_wait3A_738 = tpu.memref_squeeze %dma_wait3A_737 : memref<1x128x16xf32, #tpu.memory_space<vmem>> -> memref<128x16xf32, #tpu.memory_space<vmem>>
      %dma_wait3A_739 = arith.constant 512 : i32
      %dma_wait3A_740 = tpu.memref_slice %arg6[%dma_wait3A_733, %dma_wait3A_739] : memref<2x2048xi32, #tpu.memory_space<vmem>> -> memref<1x128xi32, #tpu.memory_space<vmem>>
      %dma_wait3A_741 = tpu.memref_squeeze %dma_wait3A_740 : memref<1x128xi32, #tpu.memory_space<vmem>> -> memref<128xi32, #tpu.memory_space<vmem>>
      %dma_wait3A_742 = arith.constant 0 : i32
      %dma_wait3A_743 = arith.constant 0 : i32
      %dma_wait3A_744 = tpu.memref_slice %arg3[%dma_wait3A_742, %dma_wait3A_743] : memref<500224x16xf32, #tpu.memory_space<hbm>> -> memref<500224x16xf32, #tpu.memory_space<hbm>>
      tpu.wait_indirect_dma semaphore(%arg10 : memref<!tpu.dma_semaphore, #tpu.memory_space<semaphore_mem>>) src(%dma_wait3A_744 : memref<500224x16xf32, #tpu.memory_space<hbm>>) dst(%dma_wait3A_738 : memref<128x16xf32, #tpu.memory_space<vmem>>)
      %dma_wait3A_745 = arith.constant 1 : i32
      %dma_wait3A_746 = arith.constant 1 : i32
      %dma_wait3A_747 = arith.constant 640 : i32
      %dma_wait3A_748 = arith.constant 0 : i32
      %dma_wait3A_749 = tpu.memref_slice %arg7[%dma_wait3A_746, %dma_wait3A_747, %dma_wait3A_748] : memref<2x2048x16xf32, #tpu.memory_space<vmem>> -> memref<1x128x16xf32, #tpu.memory_space<vmem>>
      %dma_wait3A_750 = tpu.memref_squeeze %dma_wait3A_749 : memref<1x128x16xf32, #tpu.memory_space<vmem>> -> memref<128x16xf32, #tpu.memory_space<vmem>>
      %dma_wait3A_751 = arith.constant 640 : i32
      %dma_wait3A_752 = tpu.memref_slice %arg6[%dma_wait3A_745, %dma_wait3A_751] : memref<2x2048xi32, #tpu.memory_space<vmem>> -> memref<1x128xi32, #tpu.memory_space<vmem>>
      %dma_wait3A_753 = tpu.memref_squeeze %dma_wait3A_752 : memref<1x128xi32, #tpu.memory_space<vmem>> -> memref<128xi32, #tpu.memory_space<vmem>>
      %dma_wait3A_754 = arith.constant 0 : i32
      %dma_wait3A_755 = arith.constant 0 : i32
      %dma_wait3A_756 = tpu.memref_slice %arg3[%dma_wait3A_754, %dma_wait3A_755] : memref<500224x16xf32, #tpu.memory_space<hbm>> -> memref<500224x16xf32, #tpu.memory_space<hbm>>
      tpu.wait_indirect_dma semaphore(%arg10 : memref<!tpu.dma_semaphore, #tpu.memory_space<semaphore_mem>>) src(%dma_wait3A_756 : memref<500224x16xf32, #tpu.memory_space<hbm>>) dst(%dma_wait3A_750 : memref<128x16xf32, #tpu.memory_space<vmem>>)
      %dma_wait3A_757 = arith.constant 1 : i32
      %dma_wait3A_758 = arith.constant 1 : i32
      %dma_wait3A_759 = arith.constant 768 : i32
      %dma_wait3A_760 = arith.constant 0 : i32
      %dma_wait3A_761 = tpu.memref_slice %arg7[%dma_wait3A_758, %dma_wait3A_759, %dma_wait3A_760] : memref<2x2048x16xf32, #tpu.memory_space<vmem>> -> memref<1x128x16xf32, #tpu.memory_space<vmem>>
      %dma_wait3A_762 = tpu.memref_squeeze %dma_wait3A_761 : memref<1x128x16xf32, #tpu.memory_space<vmem>> -> memref<128x16xf32, #tpu.memory_space<vmem>>
      %dma_wait3A_763 = arith.constant 768 : i32
      %dma_wait3A_764 = tpu.memref_slice %arg6[%dma_wait3A_757, %dma_wait3A_763] : memref<2x2048xi32, #tpu.memory_space<vmem>> -> memref<1x128xi32, #tpu.memory_space<vmem>>
      %dma_wait3A_765 = tpu.memref_squeeze %dma_wait3A_764 : memref<1x128xi32, #tpu.memory_space<vmem>> -> memref<128xi32, #tpu.memory_space<vmem>>
      %dma_wait3A_766 = arith.constant 0 : i32
      %dma_wait3A_767 = arith.constant 0 : i32
      %dma_wait3A_768 = tpu.memref_slice %arg3[%dma_wait3A_766, %dma_wait3A_767] : memref<500224x16xf32, #tpu.memory_space<hbm>> -> memref<500224x16xf32, #tpu.memory_space<hbm>>
      tpu.wait_indirect_dma semaphore(%arg10 : memref<!tpu.dma_semaphore, #tpu.memory_space<semaphore_mem>>) src(%dma_wait3A_768 : memref<500224x16xf32, #tpu.memory_space<hbm>>) dst(%dma_wait3A_762 : memref<128x16xf32, #tpu.memory_space<vmem>>)
      %dma_wait3A_769 = arith.constant 1 : i32
      %dma_wait3A_770 = arith.constant 1 : i32
      %dma_wait3A_771 = arith.constant 896 : i32
      %dma_wait3A_772 = arith.constant 0 : i32
      %dma_wait3A_773 = tpu.memref_slice %arg7[%dma_wait3A_770, %dma_wait3A_771, %dma_wait3A_772] : memref<2x2048x16xf32, #tpu.memory_space<vmem>> -> memref<1x128x16xf32, #tpu.memory_space<vmem>>
      %dma_wait3A_774 = tpu.memref_squeeze %dma_wait3A_773 : memref<1x128x16xf32, #tpu.memory_space<vmem>> -> memref<128x16xf32, #tpu.memory_space<vmem>>
      %dma_wait3A_775 = arith.constant 896 : i32
      %dma_wait3A_776 = tpu.memref_slice %arg6[%dma_wait3A_769, %dma_wait3A_775] : memref<2x2048xi32, #tpu.memory_space<vmem>> -> memref<1x128xi32, #tpu.memory_space<vmem>>
      %dma_wait3A_777 = tpu.memref_squeeze %dma_wait3A_776 : memref<1x128xi32, #tpu.memory_space<vmem>> -> memref<128xi32, #tpu.memory_space<vmem>>
      %dma_wait3A_778 = arith.constant 0 : i32
      %dma_wait3A_779 = arith.constant 0 : i32
      %dma_wait3A_780 = tpu.memref_slice %arg3[%dma_wait3A_778, %dma_wait3A_779] : memref<500224x16xf32, #tpu.memory_space<hbm>> -> memref<500224x16xf32, #tpu.memory_space<hbm>>
      tpu.wait_indirect_dma semaphore(%arg10 : memref<!tpu.dma_semaphore, #tpu.memory_space<semaphore_mem>>) src(%dma_wait3A_780 : memref<500224x16xf32, #tpu.memory_space<hbm>>) dst(%dma_wait3A_774 : memref<128x16xf32, #tpu.memory_space<vmem>>)
      %dma_wait3A_781 = arith.constant 1 : i32
      %dma_wait3A_782 = arith.constant 1 : i32
      %dma_wait3A_783 = arith.constant 1024 : i32
      %dma_wait3A_784 = arith.constant 0 : i32
      %dma_wait3A_785 = tpu.memref_slice %arg7[%dma_wait3A_782, %dma_wait3A_783, %dma_wait3A_784] : memref<2x2048x16xf32, #tpu.memory_space<vmem>> -> memref<1x128x16xf32, #tpu.memory_space<vmem>>
      %dma_wait3A_786 = tpu.memref_squeeze %dma_wait3A_785 : memref<1x128x16xf32, #tpu.memory_space<vmem>> -> memref<128x16xf32, #tpu.memory_space<vmem>>
      %dma_wait3A_787 = arith.constant 1024 : i32
      %dma_wait3A_788 = tpu.memref_slice %arg6[%dma_wait3A_781, %dma_wait3A_787] : memref<2x2048xi32, #tpu.memory_space<vmem>> -> memref<1x128xi32, #tpu.memory_space<vmem>>
      %dma_wait3A_789 = tpu.memref_squeeze %dma_wait3A_788 : memref<1x128xi32, #tpu.memory_space<vmem>> -> memref<128xi32, #tpu.memory_space<vmem>>
      %dma_wait3A_790 = arith.constant 0 : i32
      %dma_wait3A_791 = arith.constant 0 : i32
      %dma_wait3A_792 = tpu.memref_slice %arg3[%dma_wait3A_790, %dma_wait3A_791] : memref<500224x16xf32, #tpu.memory_space<hbm>> -> memref<500224x16xf32, #tpu.memory_space<hbm>>
      tpu.wait_indirect_dma semaphore(%arg10 : memref<!tpu.dma_semaphore, #tpu.memory_space<semaphore_mem>>) src(%dma_wait3A_792 : memref<500224x16xf32, #tpu.memory_space<hbm>>) dst(%dma_wait3A_786 : memref<128x16xf32, #tpu.memory_space<vmem>>)
      %dma_wait3A_793 = arith.constant 1 : i32
      %dma_wait3A_794 = arith.constant 1 : i32
      %dma_wait3A_795 = arith.constant 1152 : i32
      %dma_wait3A_796 = arith.constant 0 : i32
      %dma_wait3A_797 = tpu.memref_slice %arg7[%dma_wait3A_794, %dma_wait3A_795, %dma_wait3A_796] : memref<2x2048x16xf32, #tpu.memory_space<vmem>> -> memref<1x128x16xf32, #tpu.memory_space<vmem>>
      %dma_wait3A_798 = tpu.memref_squeeze %dma_wait3A_797 : memref<1x128x16xf32, #tpu.memory_space<vmem>> -> memref<128x16xf32, #tpu.memory_space<vmem>>
      %dma_wait3A_799 = arith.constant 1152 : i32
      %dma_wait3A_800 = tpu.memref_slice %arg6[%dma_wait3A_793, %dma_wait3A_799] : memref<2x2048xi32, #tpu.memory_space<vmem>> -> memref<1x128xi32, #tpu.memory_space<vmem>>
      %dma_wait3A_801 = tpu.memref_squeeze %dma_wait3A_800 : memref<1x128xi32, #tpu.memory_space<vmem>> -> memref<128xi32, #tpu.memory_space<vmem>>
      %dma_wait3A_802 = arith.constant 0 : i32
      %dma_wait3A_803 = arith.constant 0 : i32
      %dma_wait3A_804 = tpu.memref_slice %arg3[%dma_wait3A_802, %dma_wait3A_803] : memref<500224x16xf32, #tpu.memory_space<hbm>> -> memref<500224x16xf32, #tpu.memory_space<hbm>>
      tpu.wait_indirect_dma semaphore(%arg10 : memref<!tpu.dma_semaphore, #tpu.memory_space<semaphore_mem>>) src(%dma_wait3A_804 : memref<500224x16xf32, #tpu.memory_space<hbm>>) dst(%dma_wait3A_798 : memref<128x16xf32, #tpu.memory_space<vmem>>)
      %dma_wait3A_805 = arith.constant 1 : i32
      %dma_wait3A_806 = arith.constant 1 : i32
      %dma_wait3A_807 = arith.constant 1280 : i32
      %dma_wait3A_808 = arith.constant 0 : i32
      %dma_wait3A_809 = tpu.memref_slice %arg7[%dma_wait3A_806, %dma_wait3A_807, %dma_wait3A_808] : memref<2x2048x16xf32, #tpu.memory_space<vmem>> -> memref<1x128x16xf32, #tpu.memory_space<vmem>>
      %dma_wait3A_810 = tpu.memref_squeeze %dma_wait3A_809 : memref<1x128x16xf32, #tpu.memory_space<vmem>> -> memref<128x16xf32, #tpu.memory_space<vmem>>
      %dma_wait3A_811 = arith.constant 1280 : i32
      %dma_wait3A_812 = tpu.memref_slice %arg6[%dma_wait3A_805, %dma_wait3A_811] : memref<2x2048xi32, #tpu.memory_space<vmem>> -> memref<1x128xi32, #tpu.memory_space<vmem>>
      %dma_wait3A_813 = tpu.memref_squeeze %dma_wait3A_812 : memref<1x128xi32, #tpu.memory_space<vmem>> -> memref<128xi32, #tpu.memory_space<vmem>>
      %dma_wait3A_814 = arith.constant 0 : i32
      %dma_wait3A_815 = arith.constant 0 : i32
      %dma_wait3A_816 = tpu.memref_slice %arg3[%dma_wait3A_814, %dma_wait3A_815] : memref<500224x16xf32, #tpu.memory_space<hbm>> -> memref<500224x16xf32, #tpu.memory_space<hbm>>
      tpu.wait_indirect_dma semaphore(%arg10 : memref<!tpu.dma_semaphore, #tpu.memory_space<semaphore_mem>>) src(%dma_wait3A_816 : memref<500224x16xf32, #tpu.memory_space<hbm>>) dst(%dma_wait3A_810 : memref<128x16xf32, #tpu.memory_space<vmem>>)
      %dma_wait3A_817 = arith.constant 1 : i32
      %dma_wait3A_818 = arith.constant 1 : i32
      %dma_wait3A_819 = arith.constant 1408 : i32
      %dma_wait3A_820 = arith.constant 0 : i32
      %dma_wait3A_821 = tpu.memref_slice %arg7[%dma_wait3A_818, %dma_wait3A_819, %dma_wait3A_820] : memref<2x2048x16xf32, #tpu.memory_space<vmem>> -> memref<1x128x16xf32, #tpu.memory_space<vmem>>
      %dma_wait3A_822 = tpu.memref_squeeze %dma_wait3A_821 : memref<1x128x16xf32, #tpu.memory_space<vmem>> -> memref<128x16xf32, #tpu.memory_space<vmem>>
      %dma_wait3A_823 = arith.constant 1408 : i32
      %dma_wait3A_824 = tpu.memref_slice %arg6[%dma_wait3A_817, %dma_wait3A_823] : memref<2x2048xi32, #tpu.memory_space<vmem>> -> memref<1x128xi32, #tpu.memory_space<vmem>>
      %dma_wait3A_825 = tpu.memref_squeeze %dma_wait3A_824 : memref<1x128xi32, #tpu.memory_space<vmem>> -> memref<128xi32, #tpu.memory_space<vmem>>
      %dma_wait3A_826 = arith.constant 0 : i32
      %dma_wait3A_827 = arith.constant 0 : i32
      %dma_wait3A_828 = tpu.memref_slice %arg3[%dma_wait3A_826, %dma_wait3A_827] : memref<500224x16xf32, #tpu.memory_space<hbm>> -> memref<500224x16xf32, #tpu.memory_space<hbm>>
      tpu.wait_indirect_dma semaphore(%arg10 : memref<!tpu.dma_semaphore, #tpu.memory_space<semaphore_mem>>) src(%dma_wait3A_828 : memref<500224x16xf32, #tpu.memory_space<hbm>>) dst(%dma_wait3A_822 : memref<128x16xf32, #tpu.memory_space<vmem>>)
      %dma_wait3A_829 = arith.constant 1 : i32
      %dma_wait3A_830 = arith.constant 1 : i32
      %dma_wait3A_831 = arith.constant 1536 : i32
      %dma_wait3A_832 = arith.constant 0 : i32
      %dma_wait3A_833 = tpu.memref_slice %arg7[%dma_wait3A_830, %dma_wait3A_831, %dma_wait3A_832] : memref<2x2048x16xf32, #tpu.memory_space<vmem>> -> memref<1x128x16xf32, #tpu.memory_space<vmem>>
      %dma_wait3A_834 = tpu.memref_squeeze %dma_wait3A_833 : memref<1x128x16xf32, #tpu.memory_space<vmem>> -> memref<128x16xf32, #tpu.memory_space<vmem>>
      %dma_wait3A_835 = arith.constant 1536 : i32
      %dma_wait3A_836 = tpu.memref_slice %arg6[%dma_wait3A_829, %dma_wait3A_835] : memref<2x2048xi32, #tpu.memory_space<vmem>> -> memref<1x128xi32, #tpu.memory_space<vmem>>
      %dma_wait3A_837 = tpu.memref_squeeze %dma_wait3A_836 : memref<1x128xi32, #tpu.memory_space<vmem>> -> memref<128xi32, #tpu.memory_space<vmem>>
      %dma_wait3A_838 = arith.constant 0 : i32
      %dma_wait3A_839 = arith.constant 0 : i32
      %dma_wait3A_840 = tpu.memref_slice %arg3[%dma_wait3A_838, %dma_wait3A_839] : memref<500224x16xf32, #tpu.memory_space<hbm>> -> memref<500224x16xf32, #tpu.memory_space<hbm>>
      tpu.wait_indirect_dma semaphore(%arg10 : memref<!tpu.dma_semaphore, #tpu.memory_space<semaphore_mem>>) src(%dma_wait3A_840 : memref<500224x16xf32, #tpu.memory_space<hbm>>) dst(%dma_wait3A_834 : memref<128x16xf32, #tpu.memory_space<vmem>>)
      %dma_wait3A_841 = arith.constant 1 : i32
      %dma_wait3A_842 = arith.constant 1 : i32
      %dma_wait3A_843 = arith.constant 1664 : i32
      %dma_wait3A_844 = arith.constant 0 : i32
      %dma_wait3A_845 = tpu.memref_slice %arg7[%dma_wait3A_842, %dma_wait3A_843, %dma_wait3A_844] : memref<2x2048x16xf32, #tpu.memory_space<vmem>> -> memref<1x128x16xf32, #tpu.memory_space<vmem>>
      %dma_wait3A_846 = tpu.memref_squeeze %dma_wait3A_845 : memref<1x128x16xf32, #tpu.memory_space<vmem>> -> memref<128x16xf32, #tpu.memory_space<vmem>>
      %dma_wait3A_847 = arith.constant 1664 : i32
      %dma_wait3A_848 = tpu.memref_slice %arg6[%dma_wait3A_841, %dma_wait3A_847] : memref<2x2048xi32, #tpu.memory_space<vmem>> -> memref<1x128xi32, #tpu.memory_space<vmem>>
      %dma_wait3A_849 = tpu.memref_squeeze %dma_wait3A_848 : memref<1x128xi32, #tpu.memory_space<vmem>> -> memref<128xi32, #tpu.memory_space<vmem>>
      %dma_wait3A_850 = arith.constant 0 : i32
      %dma_wait3A_851 = arith.constant 0 : i32
      %dma_wait3A_852 = tpu.memref_slice %arg3[%dma_wait3A_850, %dma_wait3A_851] : memref<500224x16xf32, #tpu.memory_space<hbm>> -> memref<500224x16xf32, #tpu.memory_space<hbm>>
      tpu.wait_indirect_dma semaphore(%arg10 : memref<!tpu.dma_semaphore, #tpu.memory_space<semaphore_mem>>) src(%dma_wait3A_852 : memref<500224x16xf32, #tpu.memory_space<hbm>>) dst(%dma_wait3A_846 : memref<128x16xf32, #tpu.memory_space<vmem>>)
      %dma_wait3A_853 = arith.constant 1 : i32
      %dma_wait3A_854 = arith.constant 1 : i32
      %dma_wait3A_855 = arith.constant 1792 : i32
      %dma_wait3A_856 = arith.constant 0 : i32
      %dma_wait3A_857 = tpu.memref_slice %arg7[%dma_wait3A_854, %dma_wait3A_855, %dma_wait3A_856] : memref<2x2048x16xf32, #tpu.memory_space<vmem>> -> memref<1x128x16xf32, #tpu.memory_space<vmem>>
      %dma_wait3A_858 = tpu.memref_squeeze %dma_wait3A_857 : memref<1x128x16xf32, #tpu.memory_space<vmem>> -> memref<128x16xf32, #tpu.memory_space<vmem>>
      %dma_wait3A_859 = arith.constant 1792 : i32
      %dma_wait3A_860 = tpu.memref_slice %arg6[%dma_wait3A_853, %dma_wait3A_859] : memref<2x2048xi32, #tpu.memory_space<vmem>> -> memref<1x128xi32, #tpu.memory_space<vmem>>
      %dma_wait3A_861 = tpu.memref_squeeze %dma_wait3A_860 : memref<1x128xi32, #tpu.memory_space<vmem>> -> memref<128xi32, #tpu.memory_space<vmem>>
      %dma_wait3A_862 = arith.constant 0 : i32
      %dma_wait3A_863 = arith.constant 0 : i32
      %dma_wait3A_864 = tpu.memref_slice %arg3[%dma_wait3A_862, %dma_wait3A_863] : memref<500224x16xf32, #tpu.memory_space<hbm>> -> memref<500224x16xf32, #tpu.memory_space<hbm>>
      tpu.wait_indirect_dma semaphore(%arg10 : memref<!tpu.dma_semaphore, #tpu.memory_space<semaphore_mem>>) src(%dma_wait3A_864 : memref<500224x16xf32, #tpu.memory_space<hbm>>) dst(%dma_wait3A_858 : memref<128x16xf32, #tpu.memory_space<vmem>>)
      %dma_wait3A_865 = arith.constant 1 : i32
      %dma_wait3A_866 = arith.constant 1 : i32
      %dma_wait3A_867 = arith.constant 1920 : i32
      %dma_wait3A_868 = arith.constant 0 : i32
      %dma_wait3A_869 = tpu.memref_slice %arg7[%dma_wait3A_866, %dma_wait3A_867, %dma_wait3A_868] : memref<2x2048x16xf32, #tpu.memory_space<vmem>> -> memref<1x128x16xf32, #tpu.memory_space<vmem>>
      %dma_wait3A_870 = tpu.memref_squeeze %dma_wait3A_869 : memref<1x128x16xf32, #tpu.memory_space<vmem>> -> memref<128x16xf32, #tpu.memory_space<vmem>>
      %dma_wait3A_871 = arith.constant 1920 : i32
      %dma_wait3A_872 = tpu.memref_slice %arg6[%dma_wait3A_865, %dma_wait3A_871] : memref<2x2048xi32, #tpu.memory_space<vmem>> -> memref<1x128xi32, #tpu.memory_space<vmem>>
      %dma_wait3A_873 = tpu.memref_squeeze %dma_wait3A_872 : memref<1x128xi32, #tpu.memory_space<vmem>> -> memref<128xi32, #tpu.memory_space<vmem>>
      %dma_wait3A_874 = arith.constant 0 : i32
      %dma_wait3A_875 = arith.constant 0 : i32
      %dma_wait3A_876 = tpu.memref_slice %arg3[%dma_wait3A_874, %dma_wait3A_875] : memref<500224x16xf32, #tpu.memory_space<hbm>> -> memref<500224x16xf32, #tpu.memory_space<hbm>>
      tpu.wait_indirect_dma semaphore(%arg10 : memref<!tpu.dma_semaphore, #tpu.memory_space<semaphore_mem>>) src(%dma_wait3A_876 : memref<500224x16xf32, #tpu.memory_space<hbm>>) dst(%dma_wait3A_870 : memref<128x16xf32, #tpu.memory_space<vmem>>)
      %gt3A_877 = arith.constant 0 : i32
      %gt3A_878 = arith.cmpi sgt, %scan3A_253, %gt3A_877 : i32
      %convert_element_type3A_879 = arith.extui %gt3A_878 : i1 to i32
      %cond3A_880 = arith.constant 0 : i32
      %cond3A_881 = arith.cmpi ne, %convert_element_type3A_879, %cond3A_880 : i32
      scf.if %cond3A_881 {
        %dma_wait3A_907 = arith.constant 1 : i32
        %dma_wait3A_908 = arith.constant 0 : i32
        %dma_wait3A_909 = tpu.memref_slice %arg8[%dma_wait3A_907, %dma_wait3A_908] : memref<2x2048xf32, #tpu.memory_space<vmem>> -> memref<1x2048xf32, #tpu.memory_space<vmem>>
        %dma_wait3A_910 = tpu.memref_squeeze %dma_wait3A_909 : memref<1x2048xf32, #tpu.memory_space<vmem>> -> memref<2048xf32, #tpu.memory_space<vmem>>
        %dma_wait3A_911 = tpu.memref_slice %arg4[%mul3A_2] : memref<4194304xf32, #tpu.memory_space<hbm>> -> memref<2048xf32, #tpu.memory_space<hbm>>
        %dma_wait3A_912 = tpu.memref_slice %arg4[%mul3A_2] : memref<4194304xf32, #tpu.memory_space<hbm>> -> memref<2048xf32, #tpu.memory_space<hbm>>
        %dma_wait3A_913 = arith.constant 0 : i32
        %dma_wait3A_914 = tpu.memref_slice %arg8[%dma_wait3A_907, %dma_wait3A_913] : memref<2x2048xf32, #tpu.memory_space<vmem>> -> memref<1x2048xf32, #tpu.memory_space<vmem>>
        %dma_wait3A_915 = tpu.memref_squeeze %dma_wait3A_914 : memref<1x2048xf32, #tpu.memory_space<vmem>> -> memref<2048xf32, #tpu.memory_space<vmem>>
        tpu.wait_dma2 semaphore(%arg11 : memref<!tpu.dma_semaphore, #tpu.memory_space<semaphore_mem>>) src(%dma_wait3A_915 : memref<2048xf32, #tpu.memory_space<vmem>>) dst(%dma_wait3A_912 : memref<2048xf32, #tpu.memory_space<hbm>>)
      } else {
      }
      %scan3A_882 = arith.constant 0 : i32
      %scan3A_883 = arith.constant 0 : i32
      %scan3A_884 = arith.constant 128 : i32
      %scan3A_885 = arith.addi %scan3A_883, %scan3A_884 : i32
      %scan3A_886 = arith.constant 1 : i32
      scf.for %scan3A_907 = %scan3A_883 to %scan3A_885 step %scan3A_886  : i32 {
        %mul3A_908 = arith.constant 16 : i32
        %mul3A_909 = arith.muli %scan3A_907, %mul3A_908 : i32
        %multiple_of3A = tpu.assume_multiple %mul3A_909, 16 : i32
        %get3A = arith.constant 1 : i32
        %get3A_910 = arith.index_cast %get3A : i32 to index
        %get3A_911 = arith.index_cast %multiple_of3A : i32 to index
        %get3A_912 = tpu.vector_load %arg5[%get3A_910, %get3A_911] {strides = array<i32>} : memref<2x2048xf32, #tpu.memory_space<vmem>>, vector<16xf32>,
        %div3A = arith.constant 1.00000102E-6 : f32
        %div3A_913 = vector.broadcast %div3A : f32 to vector<16xf32>
        %div3A_914 = arith.divf %get3A_912, %div3A_913 : vector<16xf32>
        %convert_element_type3A_915 = arith.fptosi %div3A_914 : vector<16xf32> to vector<16xi32>
        %and3A = arith.constant 1 : i32
        %and3A_916 = vector.broadcast %and3A : i32 to vector<16xi32>
        %and3A_917 = arith.andi %convert_element_type3A_915, %and3A_916 : vector<16xi32>
        %mul3A_918 = arith.constant 16 : i32
        %mul3A_919 = arith.muli %scan3A_907, %mul3A_918 : i32
        %add3A_920 = vector.broadcast %mul3A_919 : i32 to vector<16xi32>
        %add3A_921 = arith.addi %add3A_920, %iota3A : vector<16xi32>
        %broadcast_in_dim3A = arith.constant 0.000000e+00 : f32
        %broadcast_in_dim3A_922 = vector.broadcast %broadcast_in_dim3A : f32 to vector<16xf32>
        %broadcast_in_dim3A_923 = arith.constant 0.000000e+00 : f32
        %broadcast_in_dim3A_924 = vector.broadcast %broadcast_in_dim3A_923 : f32 to vector<16xf32>
        %add3A_925 = arith.constant 0 : i32
        %add3A_926 = vector.broadcast %add3A_925 : i32 to vector<16xi32>
        %add3A_927 = arith.addi %and3A_917, %add3A_926 : vector<16xi32>
        %gather3A = arith.constant 1 : i32
        %gather3A_928 = arith.constant 0 : i32
        %gather3A_929 = arith.constant 0 : i32
        %gather3A_930 = tpu.memref_slice %arg7[%gather3A, %gather3A_928, %gather3A_929] : memref<2x2048x16xf32, #tpu.memory_space<vmem>> -> memref<1x2048x16xf32, #tpu.memory_space<vmem>>
        %gather3A_931 = tpu.memref_squeeze %gather3A_930 : memref<1x2048x16xf32, #tpu.memory_space<vmem>> -> memref<2048x16xf32, #tpu.memory_space<vmem>>
        %gather3A_932 = tpu.vector_load_idx %gather3A_931[%add3A_921, %add3A_927] : memref<2048x16xf32, #tpu.memory_space<vmem>>[vector<16xi32>, vector<16xi32>], vector<16xf32>,
        %add3A_933 = arith.constant 8 : i32
        %add3A_934 = vector.broadcast %add3A_933 : i32 to vector<16xi32>
        %add3A_935 = arith.addi %add3A_927, %add3A_934 : vector<16xi32>
        %gather3A_936 = arith.constant 1 : i32
        %gather3A_937 = arith.constant 0 : i32
        %gather3A_938 = arith.constant 0 : i32
        %gather3A_939 = tpu.memref_slice %arg7[%gather3A_936, %gather3A_937, %gather3A_938] : memref<2x2048x16xf32, #tpu.memory_space<vmem>> -> memref<1x2048x16xf32, #tpu.memory_space<vmem>>
        %gather3A_940 = tpu.memref_squeeze %gather3A_939 : memref<1x2048x16xf32, #tpu.memory_space<vmem>> -> memref<2048x16xf32, #tpu.memory_space<vmem>>
        %gather3A_941 = tpu.vector_load_idx %gather3A_940[%add3A_921, %add3A_935] : memref<2048x16xf32, #tpu.memory_space<vmem>>[vector<16xi32>, vector<16xi32>], vector<16xf32>,
        %sub3A = arith.subf %get3A_912, %gather3A_932 : vector<16xf32>
        %div3A_942 = arith.constant 1.00000102E-6 : f32
        %div3A_943 = vector.broadcast %div3A_942 : f32 to vector<16xf32>
        %div3A_944 = arith.divf %sub3A, %div3A_943 : vector<16xf32>
        %mul3A_945 = arith.mulf %div3A_944, %div3A_944 : vector<16xf32>
        %neg3A = arith.constant 0.000000e+00 : f32
        %neg3A_946 = vector.broadcast %neg3A : f32 to vector<16xf32>
        %neg3A_947 = arith.subf %neg3A_946, %mul3A_945 : vector<16xf32>
        %exp3A = math.exp %neg3A_947 : vector<16xf32>
        %add3A_948 = arith.addf %broadcast_in_dim3A_922, %exp3A : vector<16xf32>
        %mul3A_949 = arith.mulf %exp3A, %gather3A_941 : vector<16xf32>
        %add3A_950 = arith.addf %broadcast_in_dim3A_924, %mul3A_949 : vector<16xf32>
        %add3A_951 = arith.constant 1 : i32
        %add3A_952 = vector.broadcast %add3A_951 : i32 to vector<16xi32>
        %add3A_953 = arith.addi %and3A_917, %add3A_952 : vector<16xi32>
        %gather3A_954 = arith.constant 1 : i32
        %gather3A_955 = arith.constant 0 : i32
        %gather3A_956 = arith.constant 0 : i32
        %gather3A_957 = tpu.memref_slice %arg7[%gather3A_954, %gather3A_955, %gather3A_956] : memref<2x2048x16xf32, #tpu.memory_space<vmem>> -> memref<1x2048x16xf32, #tpu.memory_space<vmem>>
        %gather3A_958 = tpu.memref_squeeze %gather3A_957 : memref<1x2048x16xf32, #tpu.memory_space<vmem>> -> memref<2048x16xf32, #tpu.memory_space<vmem>>
        %gather3A_959 = tpu.vector_load_idx %gather3A_958[%add3A_921, %add3A_953] : memref<2048x16xf32, #tpu.memory_space<vmem>>[vector<16xi32>, vector<16xi32>], vector<16xf32>,
        %add3A_960 = arith.constant 8 : i32
        %add3A_961 = vector.broadcast %add3A_960 : i32 to vector<16xi32>
        %add3A_962 = arith.addi %add3A_953, %add3A_961 : vector<16xi32>
        %gather3A_963 = arith.constant 1 : i32
        %gather3A_964 = arith.constant 0 : i32
        %gather3A_965 = arith.constant 0 : i32
        %gather3A_966 = tpu.memref_slice %arg7[%gather3A_963, %gather3A_964, %gather3A_965] : memref<2x2048x16xf32, #tpu.memory_space<vmem>> -> memref<1x2048x16xf32, #tpu.memory_space<vmem>>
        %gather3A_967 = tpu.memref_squeeze %gather3A_966 : memref<1x2048x16xf32, #tpu.memory_space<vmem>> -> memref<2048x16xf32, #tpu.memory_space<vmem>>
        %gather3A_968 = tpu.vector_load_idx %gather3A_967[%add3A_921, %add3A_962] : memref<2048x16xf32, #tpu.memory_space<vmem>>[vector<16xi32>, vector<16xi32>], vector<16xf32>,
        %sub3A_969 = arith.subf %get3A_912, %gather3A_959 : vector<16xf32>
        %div3A_970 = arith.constant 1.00000102E-6 : f32
        %div3A_971 = vector.broadcast %div3A_970 : f32 to vector<16xf32>
        %div3A_972 = arith.divf %sub3A_969, %div3A_971 : vector<16xf32>
        %mul3A_973 = arith.mulf %div3A_972, %div3A_972 : vector<16xf32>
        %neg3A_974 = arith.constant 0.000000e+00 : f32
        %neg3A_975 = vector.broadcast %neg3A_974 : f32 to vector<16xf32>
        %neg3A_976 = arith.subf %neg3A_975, %mul3A_973 : vector<16xf32>
        %exp3A_977 = math.exp %neg3A_976 : vector<16xf32>
        %add3A_978 = arith.addf %add3A_948, %exp3A_977 : vector<16xf32>
        %mul3A_979 = arith.mulf %exp3A_977, %gather3A_968 : vector<16xf32>
        %add3A_980 = arith.addf %add3A_950, %mul3A_979 : vector<16xf32>
        %add3A_981 = arith.constant 2 : i32
        %add3A_982 = vector.broadcast %add3A_981 : i32 to vector<16xi32>
        %add3A_983 = arith.addi %and3A_917, %add3A_982 : vector<16xi32>
        %gather3A_984 = arith.constant 1 : i32
        %gather3A_985 = arith.constant 0 : i32
        %gather3A_986 = arith.constant 0 : i32
        %gather3A_987 = tpu.memref_slice %arg7[%gather3A_984, %gather3A_985, %gather3A_986] : memref<2x2048x16xf32, #tpu.memory_space<vmem>> -> memref<1x2048x16xf32, #tpu.memory_space<vmem>>
        %gather3A_988 = tpu.memref_squeeze %gather3A_987 : memref<1x2048x16xf32, #tpu.memory_space<vmem>> -> memref<2048x16xf32, #tpu.memory_space<vmem>>
        %gather3A_989 = tpu.vector_load_idx %gather3A_988[%add3A_921, %add3A_983] : memref<2048x16xf32, #tpu.memory_space<vmem>>[vector<16xi32>, vector<16xi32>], vector<16xf32>,
        %add3A_990 = arith.constant 8 : i32
        %add3A_991 = vector.broadcast %add3A_990 : i32 to vector<16xi32>
        %add3A_992 = arith.addi %add3A_983, %add3A_991 : vector<16xi32>
        %gather3A_993 = arith.constant 1 : i32
        %gather3A_994 = arith.constant 0 : i32
        %gather3A_995 = arith.constant 0 : i32
        %gather3A_996 = tpu.memref_slice %arg7[%gather3A_993, %gather3A_994, %gather3A_995] : memref<2x2048x16xf32, #tpu.memory_space<vmem>> -> memref<1x2048x16xf32, #tpu.memory_space<vmem>>
        %gather3A_997 = tpu.memref_squeeze %gather3A_996 : memref<1x2048x16xf32, #tpu.memory_space<vmem>> -> memref<2048x16xf32, #tpu.memory_space<vmem>>
        %gather3A_998 = tpu.vector_load_idx %gather3A_997[%add3A_921, %add3A_992] : memref<2048x16xf32, #tpu.memory_space<vmem>>[vector<16xi32>, vector<16xi32>], vector<16xf32>,
        %sub3A_999 = arith.subf %get3A_912, %gather3A_989 : vector<16xf32>
        %div3A_1000 = arith.constant 1.00000102E-6 : f32
        %div3A_1001 = vector.broadcast %div3A_1000 : f32 to vector<16xf32>
        %div3A_1002 = arith.divf %sub3A_999, %div3A_1001 : vector<16xf32>
        %mul3A_1003 = arith.mulf %div3A_1002, %div3A_1002 : vector<16xf32>
        %neg3A_1004 = arith.constant 0.000000e+00 : f32
        %neg3A_1005 = vector.broadcast %neg3A_1004 : f32 to vector<16xf32>
        %neg3A_1006 = arith.subf %neg3A_1005, %mul3A_1003 : vector<16xf32>
        %exp3A_1007 = math.exp %neg3A_1006 : vector<16xf32>
        %add3A_1008 = arith.addf %add3A_978, %exp3A_1007 : vector<16xf32>
        %mul3A_1009 = arith.mulf %exp3A_1007, %gather3A_998 : vector<16xf32>
        %add3A_1010 = arith.addf %add3A_980, %mul3A_1009 : vector<16xf32>
        %add3A_1011 = arith.constant 3 : i32
        %add3A_1012 = vector.broadcast %add3A_1011 : i32 to vector<16xi32>
        %add3A_1013 = arith.addi %and3A_917, %add3A_1012 : vector<16xi32>
        %gather3A_1014 = arith.constant 1 : i32
        %gather3A_1015 = arith.constant 0 : i32
        %gather3A_1016 = arith.constant 0 : i32
        %gather3A_1017 = tpu.memref_slice %arg7[%gather3A_1014, %gather3A_1015, %gather3A_1016] : memref<2x2048x16xf32, #tpu.memory_space<vmem>> -> memref<1x2048x16xf32, #tpu.memory_space<vmem>>
        %gather3A_1018 = tpu.memref_squeeze %gather3A_1017 : memref<1x2048x16xf32, #tpu.memory_space<vmem>> -> memref<2048x16xf32, #tpu.memory_space<vmem>>
        %gather3A_1019 = tpu.vector_load_idx %gather3A_1018[%add3A_921, %add3A_1013] : memref<2048x16xf32, #tpu.memory_space<vmem>>[vector<16xi32>, vector<16xi32>], vector<16xf32>,
        %add3A_1020 = arith.constant 8 : i32
        %add3A_1021 = vector.broadcast %add3A_1020 : i32 to vector<16xi32>
        %add3A_1022 = arith.addi %add3A_1013, %add3A_1021 : vector<16xi32>
        %gather3A_1023 = arith.constant 1 : i32
        %gather3A_1024 = arith.constant 0 : i32
        %gather3A_1025 = arith.constant 0 : i32
        %gather3A_1026 = tpu.memref_slice %arg7[%gather3A_1023, %gather3A_1024, %gather3A_1025] : memref<2x2048x16xf32, #tpu.memory_space<vmem>> -> memref<1x2048x16xf32, #tpu.memory_space<vmem>>
        %gather3A_1027 = tpu.memref_squeeze %gather3A_1026 : memref<1x2048x16xf32, #tpu.memory_space<vmem>> -> memref<2048x16xf32, #tpu.memory_space<vmem>>
        %gather3A_1028 = tpu.vector_load_idx %gather3A_1027[%add3A_921, %add3A_1022] : memref<2048x16xf32, #tpu.memory_space<vmem>>[vector<16xi32>, vector<16xi32>], vector<16xf32>,
        %sub3A_1029 = arith.subf %get3A_912, %gather3A_1019 : vector<16xf32>
        %div3A_1030 = arith.constant 1.00000102E-6 : f32
        %div3A_1031 = vector.broadcast %div3A_1030 : f32 to vector<16xf32>
        %div3A_1032 = arith.divf %sub3A_1029, %div3A_1031 : vector<16xf32>
        %mul3A_1033 = arith.mulf %div3A_1032, %div3A_1032 : vector<16xf32>
        %neg3A_1034 = arith.constant 0.000000e+00 : f32
        %neg3A_1035 = vector.broadcast %neg3A_1034 : f32 to vector<16xf32>
        %neg3A_1036 = arith.subf %neg3A_1035, %mul3A_1033 : vector<16xf32>
        %exp3A_1037 = math.exp %neg3A_1036 : vector<16xf32>
        %add3A_1038 = arith.addf %add3A_1008, %exp3A_1037 : vector<16xf32>
        %mul3A_1039 = arith.mulf %exp3A_1037, %gather3A_1028 : vector<16xf32>
        %add3A_1040 = arith.addf %add3A_1010, %mul3A_1039 : vector<16xf32>
        %add3A_1041 = arith.constant 4 : i32
        %add3A_1042 = vector.broadcast %add3A_1041 : i32 to vector<16xi32>
        %add3A_1043 = arith.addi %and3A_917, %add3A_1042 : vector<16xi32>
        %gather3A_1044 = arith.constant 1 : i32
        %gather3A_1045 = arith.constant 0 : i32
        %gather3A_1046 = arith.constant 0 : i32
        %gather3A_1047 = tpu.memref_slice %arg7[%gather3A_1044, %gather3A_1045, %gather3A_1046] : memref<2x2048x16xf32, #tpu.memory_space<vmem>> -> memref<1x2048x16xf32, #tpu.memory_space<vmem>>
        %gather3A_1048 = tpu.memref_squeeze %gather3A_1047 : memref<1x2048x16xf32, #tpu.memory_space<vmem>> -> memref<2048x16xf32, #tpu.memory_space<vmem>>
        %gather3A_1049 = tpu.vector_load_idx %gather3A_1048[%add3A_921, %add3A_1043] : memref<2048x16xf32, #tpu.memory_space<vmem>>[vector<16xi32>, vector<16xi32>], vector<16xf32>,
        %add3A_1050 = arith.constant 8 : i32
        %add3A_1051 = vector.broadcast %add3A_1050 : i32 to vector<16xi32>
        %add3A_1052 = arith.addi %add3A_1043, %add3A_1051 : vector<16xi32>
        %gather3A_1053 = arith.constant 1 : i32
        %gather3A_1054 = arith.constant 0 : i32
        %gather3A_1055 = arith.constant 0 : i32
        %gather3A_1056 = tpu.memref_slice %arg7[%gather3A_1053, %gather3A_1054, %gather3A_1055] : memref<2x2048x16xf32, #tpu.memory_space<vmem>> -> memref<1x2048x16xf32, #tpu.memory_space<vmem>>
        %gather3A_1057 = tpu.memref_squeeze %gather3A_1056 : memref<1x2048x16xf32, #tpu.memory_space<vmem>> -> memref<2048x16xf32, #tpu.memory_space<vmem>>
        %gather3A_1058 = tpu.vector_load_idx %gather3A_1057[%add3A_921, %add3A_1052] : memref<2048x16xf32, #tpu.memory_space<vmem>>[vector<16xi32>, vector<16xi32>], vector<16xf32>,
        %sub3A_1059 = arith.subf %get3A_912, %gather3A_1049 : vector<16xf32>
        %div3A_1060 = arith.constant 1.00000102E-6 : f32
        %div3A_1061 = vector.broadcast %div3A_1060 : f32 to vector<16xf32>
        %div3A_1062 = arith.divf %sub3A_1059, %div3A_1061 : vector<16xf32>
        %mul3A_1063 = arith.mulf %div3A_1062, %div3A_1062 : vector<16xf32>
        %neg3A_1064 = arith.constant 0.000000e+00 : f32
        %neg3A_1065 = vector.broadcast %neg3A_1064 : f32 to vector<16xf32>
        %neg3A_1066 = arith.subf %neg3A_1065, %mul3A_1063 : vector<16xf32>
        %exp3A_1067 = math.exp %neg3A_1066 : vector<16xf32>
        %add3A_1068 = arith.addf %add3A_1038, %exp3A_1067 : vector<16xf32>
        %mul3A_1069 = arith.mulf %exp3A_1067, %gather3A_1058 : vector<16xf32>
        %add3A_1070 = arith.addf %add3A_1040, %mul3A_1069 : vector<16xf32>
        %add3A_1071 = arith.constant 5 : i32
        %add3A_1072 = vector.broadcast %add3A_1071 : i32 to vector<16xi32>
        %add3A_1073 = arith.addi %and3A_917, %add3A_1072 : vector<16xi32>
        %gather3A_1074 = arith.constant 1 : i32
        %gather3A_1075 = arith.constant 0 : i32
        %gather3A_1076 = arith.constant 0 : i32
        %gather3A_1077 = tpu.memref_slice %arg7[%gather3A_1074, %gather3A_1075, %gather3A_1076] : memref<2x2048x16xf32, #tpu.memory_space<vmem>> -> memref<1x2048x16xf32, #tpu.memory_space<vmem>>
        %gather3A_1078 = tpu.memref_squeeze %gather3A_1077 : memref<1x2048x16xf32, #tpu.memory_space<vmem>> -> memref<2048x16xf32, #tpu.memory_space<vmem>>
        %gather3A_1079 = tpu.vector_load_idx %gather3A_1078[%add3A_921, %add3A_1073] : memref<2048x16xf32, #tpu.memory_space<vmem>>[vector<16xi32>, vector<16xi32>], vector<16xf32>,
        %add3A_1080 = arith.constant 8 : i32
        %add3A_1081 = vector.broadcast %add3A_1080 : i32 to vector<16xi32>
        %add3A_1082 = arith.addi %add3A_1073, %add3A_1081 : vector<16xi32>
        %gather3A_1083 = arith.constant 1 : i32
        %gather3A_1084 = arith.constant 0 : i32
        %gather3A_1085 = arith.constant 0 : i32
        %gather3A_1086 = tpu.memref_slice %arg7[%gather3A_1083, %gather3A_1084, %gather3A_1085] : memref<2x2048x16xf32, #tpu.memory_space<vmem>> -> memref<1x2048x16xf32, #tpu.memory_space<vmem>>
        %gather3A_1087 = tpu.memref_squeeze %gather3A_1086 : memref<1x2048x16xf32, #tpu.memory_space<vmem>> -> memref<2048x16xf32, #tpu.memory_space<vmem>>
        %gather3A_1088 = tpu.vector_load_idx %gather3A_1087[%add3A_921, %add3A_1082] : memref<2048x16xf32, #tpu.memory_space<vmem>>[vector<16xi32>, vector<16xi32>], vector<16xf32>,
        %sub3A_1089 = arith.subf %get3A_912, %gather3A_1079 : vector<16xf32>
        %div3A_1090 = arith.constant 1.00000102E-6 : f32
        %div3A_1091 = vector.broadcast %div3A_1090 : f32 to vector<16xf32>
        %div3A_1092 = arith.divf %sub3A_1089, %div3A_1091 : vector<16xf32>
        %mul3A_1093 = arith.mulf %div3A_1092, %div3A_1092 : vector<16xf32>
        %neg3A_1094 = arith.constant 0.000000e+00 : f32
        %neg3A_1095 = vector.broadcast %neg3A_1094 : f32 to vector<16xf32>
        %neg3A_1096 = arith.subf %neg3A_1095, %mul3A_1093 : vector<16xf32>
        %exp3A_1097 = math.exp %neg3A_1096 : vector<16xf32>
        %add3A_1098 = arith.addf %add3A_1068, %exp3A_1097 : vector<16xf32>
        %mul3A_1099 = arith.mulf %exp3A_1097, %gather3A_1088 : vector<16xf32>
        %add3A_1100 = arith.addf %add3A_1070, %mul3A_1099 : vector<16xf32>
        %add3A_1101 = arith.constant 6 : i32
        %add3A_1102 = vector.broadcast %add3A_1101 : i32 to vector<16xi32>
        %add3A_1103 = arith.addi %and3A_917, %add3A_1102 : vector<16xi32>
        %gather3A_1104 = arith.constant 1 : i32
        %gather3A_1105 = arith.constant 0 : i32
        %gather3A_1106 = arith.constant 0 : i32
        %gather3A_1107 = tpu.memref_slice %arg7[%gather3A_1104, %gather3A_1105, %gather3A_1106] : memref<2x2048x16xf32, #tpu.memory_space<vmem>> -> memref<1x2048x16xf32, #tpu.memory_space<vmem>>
        %gather3A_1108 = tpu.memref_squeeze %gather3A_1107 : memref<1x2048x16xf32, #tpu.memory_space<vmem>> -> memref<2048x16xf32, #tpu.memory_space<vmem>>
        %gather3A_1109 = tpu.vector_load_idx %gather3A_1108[%add3A_921, %add3A_1103] : memref<2048x16xf32, #tpu.memory_space<vmem>>[vector<16xi32>, vector<16xi32>], vector<16xf32>,
        %add3A_1110 = arith.constant 8 : i32
        %add3A_1111 = vector.broadcast %add3A_1110 : i32 to vector<16xi32>
        %add3A_1112 = arith.addi %add3A_1103, %add3A_1111 : vector<16xi32>
        %gather3A_1113 = arith.constant 1 : i32
        %gather3A_1114 = arith.constant 0 : i32
        %gather3A_1115 = arith.constant 0 : i32
        %gather3A_1116 = tpu.memref_slice %arg7[%gather3A_1113, %gather3A_1114, %gather3A_1115] : memref<2x2048x16xf32, #tpu.memory_space<vmem>> -> memref<1x2048x16xf32, #tpu.memory_space<vmem>>
        %gather3A_1117 = tpu.memref_squeeze %gather3A_1116 : memref<1x2048x16xf32, #tpu.memory_space<vmem>> -> memref<2048x16xf32, #tpu.memory_space<vmem>>
        %gather3A_1118 = tpu.vector_load_idx %gather3A_1117[%add3A_921, %add3A_1112] : memref<2048x16xf32, #tpu.memory_space<vmem>>[vector<16xi32>, vector<16xi32>], vector<16xf32>,
        %sub3A_1119 = arith.subf %get3A_912, %gather3A_1109 : vector<16xf32>
        %div3A_1120 = arith.constant 1.00000102E-6 : f32
        %div3A_1121 = vector.broadcast %div3A_1120 : f32 to vector<16xf32>
        %div3A_1122 = arith.divf %sub3A_1119, %div3A_1121 : vector<16xf32>
        %mul3A_1123 = arith.mulf %div3A_1122, %div3A_1122 : vector<16xf32>
        %neg3A_1124 = arith.constant 0.000000e+00 : f32
        %neg3A_1125 = vector.broadcast %neg3A_1124 : f32 to vector<16xf32>
        %neg3A_1126 = arith.subf %neg3A_1125, %mul3A_1123 : vector<16xf32>
        %exp3A_1127 = math.exp %neg3A_1126 : vector<16xf32>
        %add3A_1128 = arith.addf %add3A_1098, %exp3A_1127 : vector<16xf32>
        %mul3A_1129 = arith.mulf %exp3A_1127, %gather3A_1118 : vector<16xf32>
        %add3A_1130 = arith.addf %add3A_1100, %mul3A_1129 : vector<16xf32>
        %mul3A_1131 = arith.constant 0.564189613 : f32
        %mul3A_1132 = vector.broadcast %mul3A_1131 : f32 to vector<16xf32>
        %mul3A_1133 = arith.mulf %add3A_1130, %mul3A_1132 : vector<16xf32>
        %div3A_1134 = arith.divf %mul3A_1133, %add3A_1128 : vector<16xf32>
        %swap3A = arith.constant 1 : i32
        %swap3A_1135 = arith.index_cast %swap3A : i32 to index
        %swap3A_1136 = arith.index_cast %multiple_of3A : i32 to index
        %swap3A_1137 = tpu.vector_load %arg8[%swap3A_1135, %swap3A_1136] {strides = array<i32>} : memref<2x2048xf32, #tpu.memory_space<vmem>>, vector<16xf32>,
        tpu.vector_store %arg8[%swap3A_1135, %swap3A_1136], %div3A_1134 {strides = array<i32>} : memref<2x2048xf32, #tpu.memory_space<vmem>>, vector<16xf32>,
      }
      %scan3A_887 = arith.constant 128 : i32
      %add3A_888 = arith.constant 1 : i32
      %add3A_889 = arith.addi %mul3A_255, %add3A_888 : i32
      %mul3A_890 = arith.constant 2048 : i32
      %mul3A_891 = arith.muli %add3A_889, %mul3A_890 : i32
      %add3A_892 = arith.addi %mul3A_2, %mul3A_891 : i32
      %dma_start3A_893 = arith.constant 1 : i32
      %dma_start3A_894 = arith.constant 0 : i32
      %dma_start3A_895 = tpu.memref_slice %arg8[%dma_start3A_893, %dma_start3A_894] : memref<2x2048xf32, #tpu.memory_space<vmem>> -> memref<1x2048xf32, #tpu.memory_space<vmem>>
      %dma_start3A_896 = tpu.memref_squeeze %dma_start3A_895 : memref<1x2048xf32, #tpu.memory_space<vmem>> -> memref<2048xf32, #tpu.memory_space<vmem>>
      %dma_start3A_897 = tpu.memref_slice %arg4[%add3A_892] : memref<4194304xf32, #tpu.memory_space<hbm>> -> memref<2048xf32, #tpu.memory_space<hbm>>
      %dma_start3A_898 = tpu.memref_slice %arg4[%add3A_892] : memref<4194304xf32, #tpu.memory_space<hbm>> -> memref<2048xf32, #tpu.memory_space<hbm>>
      %dma_start3A_899 = arith.constant 0 : i32
      %dma_start3A_900 = tpu.memref_slice %arg8[%dma_start3A_893, %dma_start3A_899] : memref<2x2048xf32, #tpu.memory_space<vmem>> -> memref<1x2048xf32, #tpu.memory_space<vmem>>
      %dma_start3A_901 = tpu.memref_squeeze %dma_start3A_900 : memref<1x2048xf32, #tpu.memory_space<vmem>> -> memref<2048xf32, #tpu.memory_space<vmem>>
      tpu.enqueue_dma source(%dma_start3A_901 : memref<2048xf32, #tpu.memory_space<vmem>>) target(%dma_start3A_898 : memref<2048xf32, #tpu.memory_space<hbm>>) target_semaphore(%arg11 : memref<!tpu.dma_semaphore, #tpu.memory_space<semaphore_mem>>)
      %not3A_902 = arith.constant true
      %not3A_903 = arith.xori %eq3A_256, %not3A_902 : i1
      %convert_element_type3A_904 = arith.extui %not3A_903 : i1 to i32
      %cond3A_905 = arith.constant 0 : i32
      %cond3A_906 = arith.cmpi ne, %convert_element_type3A_904, %cond3A_905 : i32
      scf.if %cond3A_906 {
        %add3A_907 = arith.constant 3 : i32
        %add3A_908 = arith.addi %mul3A_255, %add3A_907 : i32
        %mul3A_909 = arith.constant 2048 : i32
        %mul3A_910 = arith.muli %add3A_908, %mul3A_909 : i32
        %add3A_911 = arith.addi %mul3A_2, %mul3A_910 : i32
        %dma_start3A_912 = arith.constant 1 : i32
        %dma_start3A_913 = arith.constant 0 : i32
        %dma_start3A_914 = tpu.memref_slice %arg5[%dma_start3A_912, %dma_start3A_913] : memref<2x2048xf32, #tpu.memory_space<vmem>> -> memref<1x2048xf32, #tpu.memory_space<vmem>>
        %dma_start3A_915 = tpu.memref_squeeze %dma_start3A_914 : memref<1x2048xf32, #tpu.memory_space<vmem>> -> memref<2048xf32, #tpu.memory_space<vmem>>
        %dma_start3A_916 = tpu.memref_slice %arg2[%add3A_911] : memref<4194304xf32, #tpu.memory_space<hbm>> -> memref<2048xf32, #tpu.memory_space<hbm>>
        %dma_start3A_917 = arith.constant 0 : i32
        %dma_start3A_918 = tpu.memref_slice %arg5[%dma_start3A_912, %dma_start3A_917] : memref<2x2048xf32, #tpu.memory_space<vmem>> -> memref<1x2048xf32, #tpu.memory_space<vmem>>
        %dma_start3A_919 = tpu.memref_squeeze %dma_start3A_918 : memref<1x2048xf32, #tpu.memory_space<vmem>> -> memref<2048xf32, #tpu.memory_space<vmem>>
        %dma_start3A_920 = tpu.memref_slice %arg2[%add3A_911] : memref<4194304xf32, #tpu.memory_space<hbm>> -> memref<2048xf32, #tpu.memory_space<hbm>>
        tpu.enqueue_dma source(%dma_start3A_920 : memref<2048xf32, #tpu.memory_space<hbm>>) target(%dma_start3A_919 : memref<2048xf32, #tpu.memory_space<vmem>>) target_semaphore(%arg9 : memref<!tpu.dma_semaphore, #tpu.memory_space<semaphore_mem>>)
      } else {
      }
    }
    %scan3A_234 = arith.constant 32 : i32
    %dma_wait3A_235 = arith.constant 0 : i32
    %dma_wait3A_236 = arith.constant 0 : i32
    %dma_wait3A_237 = tpu.memref_slice %arg8[%dma_wait3A_235, %dma_wait3A_236] : memref<2x2048xf32, #tpu.memory_space<vmem>> -> memref<1x2048xf32, #tpu.memory_space<vmem>>
    %dma_wait3A_238 = tpu.memref_squeeze %dma_wait3A_237 : memref<1x2048xf32, #tpu.memory_space<vmem>> -> memref<2048xf32, #tpu.memory_space<vmem>>
    %dma_wait3A_239 = tpu.memref_slice %arg4[%mul3A_2] : memref<4194304xf32, #tpu.memory_space<hbm>> -> memref<2048xf32, #tpu.memory_space<hbm>>
    %dma_wait3A_240 = tpu.memref_slice %arg4[%mul3A_2] : memref<4194304xf32, #tpu.memory_space<hbm>> -> memref<2048xf32, #tpu.memory_space<hbm>>
    %dma_wait3A_241 = arith.constant 0 : i32
    %dma_wait3A_242 = tpu.memref_slice %arg8[%dma_wait3A_235, %dma_wait3A_241] : memref<2x2048xf32, #tpu.memory_space<vmem>> -> memref<1x2048xf32, #tpu.memory_space<vmem>>
    %dma_wait3A_243 = tpu.memref_squeeze %dma_wait3A_242 : memref<1x2048xf32, #tpu.memory_space<vmem>> -> memref<2048xf32, #tpu.memory_space<vmem>>
    tpu.wait_dma2 semaphore(%arg11 : memref<!tpu.dma_semaphore, #tpu.memory_space<semaphore_mem>>) src(%dma_wait3A_243 : memref<2048xf32, #tpu.memory_space<vmem>>) dst(%dma_wait3A_240 : memref<2048xf32, #tpu.memory_space<hbm>>)
    %dma_wait3A_244 = arith.constant 1 : i32
    %dma_wait3A_245 = arith.constant 0 : i32
    %dma_wait3A_246 = tpu.memref_slice %arg8[%dma_wait3A_244, %dma_wait3A_245] : memref<2x2048xf32, #tpu.memory_space<vmem>> -> memref<1x2048xf32, #tpu.memory_space<vmem>>
    %dma_wait3A_247 = tpu.memref_squeeze %dma_wait3A_246 : memref<1x2048xf32, #tpu.memory_space<vmem>> -> memref<2048xf32, #tpu.memory_space<vmem>>
    %dma_wait3A_248 = tpu.memref_slice %arg4[%mul3A_2] : memref<4194304xf32, #tpu.memory_space<hbm>> -> memref<2048xf32, #tpu.memory_space<hbm>>
    %dma_wait3A_249 = tpu.memref_slice %arg4[%mul3A_2] : memref<4194304xf32, #tpu.memory_space<hbm>> -> memref<2048xf32, #tpu.memory_space<hbm>>
    %dma_wait3A_250 = arith.constant 0 : i32
    %dma_wait3A_251 = tpu.memref_slice %arg8[%dma_wait3A_244, %dma_wait3A_250] : memref<2x2048xf32, #tpu.memory_space<vmem>> -> memref<1x2048xf32, #tpu.memory_space<vmem>>
    %dma_wait3A_252 = tpu.memref_squeeze %dma_wait3A_251 : memref<1x2048xf32, #tpu.memory_space<vmem>> -> memref<2048xf32, #tpu.memory_space<vmem>>
    tpu.wait_dma2 semaphore(%arg11 : memref<!tpu.dma_semaphore, #tpu.memory_space<semaphore_mem>>) src(%dma_wait3A_252 : memref<2048xf32, #tpu.memory_space<vmem>>) dst(%dma_wait3A_249 : memref<2048xf32, #tpu.memory_space<hbm>>)
    return
  }
}

#map = affine_map<(d0, d1) -> (0)>
module attributes {stable_mosaic.version = 14 : i64} {
  func.func @_prep_body(%arg0: i32, %arg1: i32, %arg2: memref<1000464xf32, #tpu.memory_space<hbm>>, %arg3: memref<1000464xf32, #tpu.memory_space<hbm>>, %arg4: memref<8003584xf32, #tpu.memory_space<hbm>>, %arg5: memref<7832xf32, #tpu.memory_space<vmem>>, %arg6: memref<7832xf32, #tpu.memory_space<vmem>>, %arg7: memref<62528xf32, #tpu.memory_space<vmem>>) attributes {dimension_semantics = [#tpu.dimension_semantics<core_parallel>, #tpu.dimension_semantics<subcore_parallel>], iteration_bounds = array<i64: 2, 16>, scalar_prefetch = 0 : i64, scratch_operands = 3 : i64, tpu.core_type = #tpu.core_type<sc_vector_subcore>, window_params = [{transform_indices = #map}, {transform_indices = #map}, {transform_indices = #map}]} {
    %mul3A = arith.constant 2 : i32
    %mul3A_0 = arith.muli %arg1, %mul3A : i32
    %add3A = arith.addi %mul3A_0, %arg0 : i32
    %mul3A_1 = arith.constant 15632 : i32
    %mul3A_2 = arith.muli %add3A, %mul3A_1 : i32
    %iota3A = tpu.iota {dimensions = array<i32: 0>} : vector<16xi32>
    %lt3A = arith.constant 8 : i32
    %lt3A_3 = vector.broadcast %lt3A : i32 to vector<16xi32>
    %lt3A_4 = arith.cmpi slt, %iota3A, %lt3A_3 : vector<16xi32>
    %ge3A = arith.constant 8 : i32
    %ge3A_5 = vector.broadcast %ge3A : i32 to vector<16xi32>
    %ge3A_6 = arith.cmpi sge, %iota3A, %ge3A_5 : vector<16xi32>
    %sub3A = arith.constant 8 : i32
    %sub3A_7 = vector.broadcast %sub3A : i32 to vector<16xi32>
    %sub3A_8 = arith.subi %iota3A, %sub3A_7 : vector<16xi32>
    %jit3A = arith.constant 0 : i32
    %broadcast_in_dim3A = vector.broadcast %jit3A : i32 to vector<16xi32>
    %select_n3A = arith.select %ge3A_6, %sub3A_8, %broadcast_in_dim3A : vector<16xi1>, vector<16xi32>
    %scan3A = arith.constant 0 : i32
    %scan3A_9 = arith.constant 0 : i32
    %scan3A_10 = arith.constant 4 : i32
    %scan3A_11 = arith.addi %scan3A_9, %scan3A_10 : i32
    %scan3A_12 = arith.constant 1 : i32
    scf.for %scan3A_14 = %scan3A_9 to %scan3A_11 step %scan3A_12  : i32 {
      %mul3A_15 = arith.constant 3908 : i32
      %mul3A_16 = arith.muli %scan3A_14, %mul3A_15 : i32
      %add3A_17 = arith.addi %mul3A_2, %mul3A_16 : i32
      %mul3A_18 = arith.constant 2 : i32
      %mul3A_19 = arith.muli %mul3A_18, %add3A_17 : i32
      "tpu.region"() ({
        %run_scoped3A = tpu.sem_alloc : memref<!tpu.dma_semaphore, #tpu.memory_space<semaphore_mem>>
        %dma_start3A = tpu.memref_slice %arg2[%mul3A_19] : memref<1000464xf32, #tpu.memory_space<hbm>> -> memref<7832xf32, #tpu.memory_space<hbm>>
        %dma_start3A_28 = tpu.memref_slice %arg2[%mul3A_19] : memref<1000464xf32, #tpu.memory_space<hbm>> -> memref<7832xf32, #tpu.memory_space<hbm>>
        tpu.enqueue_dma source(%dma_start3A_28 : memref<7832xf32, #tpu.memory_space<hbm>>) target(%arg5 : memref<7832xf32, #tpu.memory_space<vmem>>) target_semaphore(%run_scoped3A : memref<!tpu.dma_semaphore, #tpu.memory_space<semaphore_mem>>)
        %dma_wait3A = tpu.memref_slice %arg2[%mul3A_19] : memref<1000464xf32, #tpu.memory_space<hbm>> -> memref<7832xf32, #tpu.memory_space<hbm>>
        %dma_wait3A_29 = tpu.memref_slice %arg2[%mul3A_19] : memref<1000464xf32, #tpu.memory_space<hbm>> -> memref<7832xf32, #tpu.memory_space<hbm>>
        tpu.wait_dma2 semaphore(%run_scoped3A : memref<!tpu.dma_semaphore, #tpu.memory_space<semaphore_mem>>) src(%dma_wait3A_29 : memref<7832xf32, #tpu.memory_space<hbm>>) dst(%arg5 : memref<7832xf32, #tpu.memory_space<vmem>>)
        tpu.yield
      }) : () -> ()
      "tpu.region"() ({
        %run_scoped3A = tpu.sem_alloc : memref<!tpu.dma_semaphore, #tpu.memory_space<semaphore_mem>>
        %dma_start3A = tpu.memref_slice %arg3[%mul3A_19] : memref<1000464xf32, #tpu.memory_space<hbm>> -> memref<7832xf32, #tpu.memory_space<hbm>>
        %dma_start3A_28 = tpu.memref_slice %arg3[%mul3A_19] : memref<1000464xf32, #tpu.memory_space<hbm>> -> memref<7832xf32, #tpu.memory_space<hbm>>
        tpu.enqueue_dma source(%dma_start3A_28 : memref<7832xf32, #tpu.memory_space<hbm>>) target(%arg6 : memref<7832xf32, #tpu.memory_space<vmem>>) target_semaphore(%run_scoped3A : memref<!tpu.dma_semaphore, #tpu.memory_space<semaphore_mem>>)
        %dma_wait3A = tpu.memref_slice %arg3[%mul3A_19] : memref<1000464xf32, #tpu.memory_space<hbm>> -> memref<7832xf32, #tpu.memory_space<hbm>>
        %dma_wait3A_29 = tpu.memref_slice %arg3[%mul3A_19] : memref<1000464xf32, #tpu.memory_space<hbm>> -> memref<7832xf32, #tpu.memory_space<hbm>>
        tpu.wait_dma2 semaphore(%run_scoped3A : memref<!tpu.dma_semaphore, #tpu.memory_space<semaphore_mem>>) src(%dma_wait3A_29 : memref<7832xf32, #tpu.memory_space<hbm>>) dst(%arg6 : memref<7832xf32, #tpu.memory_space<vmem>>)
        tpu.yield
      }) : () -> ()
      %scan3A_20 = arith.constant 0 : i32
      %scan3A_21 = arith.constant 0 : i32
      %scan3A_22 = arith.constant 3908 : i32
      %scan3A_23 = arith.addi %scan3A_21, %scan3A_22 : i32
      %scan3A_24 = arith.constant 1 : i32
      scf.for %scan3A_28 = %scan3A_21 to %scan3A_23 step %scan3A_24  : i32 {
        %mul3A_29 = arith.constant 2 : i32
        %mul3A_30 = arith.muli %mul3A_29, %scan3A_28 : i32
        %get3A = arith.index_cast %mul3A_30 : i32 to index
        %get3A_31 = tpu.vector_load %arg5[%get3A] {strides = array<i32>} : memref<7832xf32, #tpu.memory_space<vmem>>, vector<16xf32>,
        %mul3A_32 = arith.constant 2 : i32
        %mul3A_33 = arith.muli %mul3A_32, %scan3A_28 : i32
        %get3A_34 = arith.index_cast %mul3A_33 : i32 to index
        %get3A_35 = tpu.vector_load %arg6[%get3A_34] {strides = array<i32>} : memref<7832xf32, #tpu.memory_space<vmem>>, vector<16xf32>,
        %broadcast_in_dim3A_36 = vector.shape_cast %select_n3A : vector<16xi32> to vector<16x1xi32>
        %gather3A = vector.shape_cast %broadcast_in_dim3A_36 : vector<16x1xi32> to vector<16xi32>
        %gather3A_37 = tpu.dynamic_gather %get3A_35[%gather3A] in [0] : vector<16xf32>, vector<16xi32> -> vector<16xf32>
        %select_n3A_38 = arith.select %lt3A_4, %get3A_31, %gather3A_37 : vector<16xi1>, vector<16xf32>
        %mul3A_39 = arith.constant 16 : i32
        %mul3A_40 = arith.muli %scan3A_28, %mul3A_39 : i32
        %multiple_of3A = tpu.assume_multiple %mul3A_40, 16 : i32
        %swap3A = arith.index_cast %multiple_of3A : i32 to index
        %swap3A_41 = tpu.vector_load %arg7[%swap3A] {strides = array<i32>} : memref<62528xf32, #tpu.memory_space<vmem>>, vector<16xf32>,
        tpu.vector_store %arg7[%swap3A], %select_n3A_38 {strides = array<i32>} : memref<62528xf32, #tpu.memory_space<vmem>>, vector<16xf32>,
      }
      %scan3A_25 = arith.constant 3908 : i32
      %mul3A_26 = arith.constant 16 : i32
      %mul3A_27 = arith.muli %add3A_17, %mul3A_26 : i32
      "tpu.region"() ({
        %run_scoped3A = tpu.sem_alloc : memref<!tpu.dma_semaphore, #tpu.memory_space<semaphore_mem>>
        %dma_start3A = tpu.memref_slice %arg4[%mul3A_27] : memref<8003584xf32, #tpu.memory_space<hbm>> -> memref<62528xf32, #tpu.memory_space<hbm>>
        %dma_start3A_28 = tpu.memref_slice %arg4[%mul3A_27] : memref<8003584xf32, #tpu.memory_space<hbm>> -> memref<62528xf32, #tpu.memory_space<hbm>>
        tpu.enqueue_dma source(%arg7 : memref<62528xf32, #tpu.memory_space<vmem>>) target(%dma_start3A_28 : memref<62528xf32, #tpu.memory_space<hbm>>) target_semaphore(%run_scoped3A : memref<!tpu.dma_semaphore, #tpu.memory_space<semaphore_mem>>)
        %dma_wait3A = tpu.memref_slice %arg4[%mul3A_27] : memref<8003584xf32, #tpu.memory_space<hbm>> -> memref<62528xf32, #tpu.memory_space<hbm>>
        %dma_wait3A_29 = tpu.memref_slice %arg4[%mul3A_27] : memref<8003584xf32, #tpu.memory_space<hbm>> -> memref<62528xf32, #tpu.memory_space<hbm>>
        tpu.wait_dma2 semaphore(%run_scoped3A : memref<!tpu.dma_semaphore, #tpu.memory_space<semaphore_mem>>) src(%arg7 : memref<62528xf32, #tpu.memory_space<vmem>>) dst(%dma_wait3A_29 : memref<62528xf32, #tpu.memory_space<hbm>>)
        tpu.yield
      }) : () -> ()
    }
    %scan3A_13 = arith.constant 4 : i32
    return
  }
}

</mosaic_0001>

<sc_bundles>
// kernel: kernel.4.cloned.1.call-start
scs
__scs_entry_jumppad:
0x0: {  	(pc) =	sbr.rel $0x88, $3  }
0x1: {  	(tag) =	ssettag $0x0;
	lr =	simm.s32 $0x1  }
0x2: {  	[smem:$0x3F9F] =	sst lr;
	_ =	strace $0xD0000000  }
0x3: {  	_ = 	snop  }
0x4: {  	_ = 	snop  }
0x5: {  	_ = 	snop  }
0x6: {  	_ = 	snop  }
0x7: {  	_ = 	snop  }
__scs_overlays_trampoline_lowered:
0x8: {  	[smem:$0x3FAE] =	sst s0  }
0x9: {  	[smem:$0x3FAF] =	sst s1  }
0xa: {  	[smem:$0x3FB0] =	sst s2  }
0xb: {  	[smem:$0x3FB1] =	sst s3  }
0xc: {  	[smem:$0x3FB2] =	sst s4  }
0xd: {  	[smem:$0x3FB3] =	sst s5  }
0xe: {  	[smem:$0x3FB4] =	sst s6  }
0xf: {  	[smem:$0x3FB5] =	sst s7  }
0x10: {  	[smem:$0x3FB6] =	sst s8  }
0x11: {  	[smem:$0x3FB7] =	sst s9;
	s0 =	simm.s32 @!p0 $0x0  }
0x12: {  	s1 =	sld [smem:$0x3F9D];
	s0 =	simm.s32 @p0 $0x1  }
0x13: {  	[smem:$0x3FB8] =	sst s0;
	s0 =	simm.s32 @!p1 $0x0  }
0x14: {  	s2 =	sld [smem:$0x3F9C];
	s0 =	simm.s32 @p1 $0x1  }
0x15: {  	[smem:$0x3FB9] =	sst s0;
	s0 =	simm.s32 @!p2 $0x0  }
0x16: {  	s3 =	sld [smem:$0x3FDB];
	s0 =	simm.s32 @p2 $0x1  }
0x17: {  	s4 =	simm.s32 $0x1BF5;
	[smem:$0x3FBB] =	sst s0  }
0x18: {  	s0 =	sld [smem:$0x3F9E];
	_ =	swait.ge [sflag:s4], $0x0  }
0x19: {  	s7 =	sld [smem:$0x3F9F]  }
0x1a: {  	s8 =	sadd.s32 $0xFFFFE003, lr  }
0x1b: {  	s9 =	sadd.s32 $0xFFFFFEF7, lr;
	s5 =	simm.s32 $0xFFFFFFFF;
	p2 =	slt.u32 s8, $0xFFFFF086  }
0x1c: {  	p1 =	slt.u32 s9, $0xF7A;
	s5 =	simm.s32 @!p2 $0x0  }
0x1d: {  	s5 =	simm.s32 @p1 $0x1;
	p0 =	seq.s32 s7, s2  }
0x1e: {  	s7 =	smul.u32 @!p0 $0xF7A, s2;
	p2 =	seq.s32 @!p0 s5, $0x0  }
0x1f: {  	s9 =	smul.u32 $0xF7A, s1;
	s8 =	simm.s32 @!p0 $0x1BF5;
	p2 =	por !p2, p0  }
0x20: {  	[sflag:s8] =	ssyncset.s32 @!p0 $0xFFFFF086;
	s6 =	sadd.s32 @!p0 s3, s7;
	s7 =	simm.s32 @!p0 $0x108  }
0x21: {  	s3 =	sadd.s32 s3, s9;
	s6 =	sadd.s32 @!p0 $0x88, s6;
	s7 =	simm.s32 @p2 $0x1082  }
0x22: {  	[simem:s7], [sflag:s8] =	dma.local @!p0 [hbm:s6], $0xF7A  }
0x23: {  	s9 =	sor.u32 $0xD0000000, s2;
	s6 =	simm.s32 $0x108;
	_ =	swait.ge @!p0 [sflag:s8], $0x0  }
0x24: {  	s3 =	sadd.s32 $0x88, s3;
	s6 =	simm.s32 @!p1 $0x1082;
	[sflag:s4] =	ssyncset.s32 $0xFFFFF086  }
0x25: {  	[simem:s6], [sflag:s4] =	dma.local [hbm:s3], $0xF7A  }
0x26: {  	[smem:$0x3F9F] =	sst s1;
	(tag) =	ssettag s2;
	_ =	strace s9  }
0x27: {  	s1 =	sld [smem:$0x3FAF]  }
0x28: {  	s2 =	sld [smem:$0x3FB0]  }
0x29: {  	s4 =	sld [smem:$0x3FB2]  }
0x2a: {  	p0 =	seq.s32 s5, $0x0;
	s5 =	sld [smem:$0x3FB3]  }
0x2b: {  	s6 =	sld [smem:$0x3FB4]  }
0x2c: {  	s7 =	sld [smem:$0x3FB5]  }
0x2d: {  	s3 =	simm.s32 $0x108;
	s8 =	sld [smem:$0x3FB6]  }
0x2e: {  	s3 =	simm.s32 @!p0 $0x1082;
	s9 =	sld [smem:$0x3FB7]  }
0x2f: {  	lr =	sadd.s32 s0, s3;
	s0 =	sld [smem:$0x3FAE]  }
0x30: {  	s3 =	sld [smem:$0x3FB1]  }
0x31: {  	[smem:$0x3FBA] =	sst s10  }
0x32: {  	s10 =	sld [smem:$0x3FB8];
	_ =	sdelay $0x3  }
0x33: {  	p0 =	seq.s32 s10, $0x1;
	s10 =	sld [smem:$0x3FBA];
	_ =	sdelay $0x3  }
0x34: {  	[smem:$0x3FBA] =	sst s10  }
0x35: {  	s10 =	sld [smem:$0x3FB9];
	_ =	sdelay $0x3  }
0x36: {  	p1 =	seq.s32 s10, $0x1;
	s10 =	sld [smem:$0x3FBA];
	_ =	sdelay $0x3  }
0x37: {  	[smem:$0x3FBA] =	sst s10  }
0x38: {  	s10 =	sld [smem:$0x3FBB]  }
0x39: {  	_ = 	snop;
	(pc) =	sbr.ind lr, $3  }
0x3a: {  	_ = 	snop  }
0x3b: {  	_ = 	snop  }
0x3c: {  	p2 =	seq.s32 s10, $0x1;
	s10 =	sld [smem:$0x3FBA]  }
0x3d: {  	_ =	shalt  }
0x3e: {  	_ =	shalt  }
0x3f: {  	_ =	shalt  }
0x40: {  	_ =	shalt  }
0x41: {  	_ =	shalt  }
0x42: {  	_ =	shalt  }
0x43: {  	_ =	shalt  }
0x44: {  	_ =	shalt  }
0x45: {  	_ =	shalt  }
0x46: {  	_ =	shalt  }
0x47: {  	_ =	shalt  }
0x48: {  	_ =	shalt  }
0x49: {  	_ =	shalt  }
0x4a: {  	_ =	shalt  }
0x4b: {  	_ =	shalt  }
0x4c: {  	_ =	shalt  }
0x4d: {  	_ =	shalt  }
0x4e: {  	_ =	shalt  }
0x4f: {  	_ =	shalt  }
0x50: {  	_ =	shalt  }
0x51: {  	_ =	shalt  }
0x52: {  	_ =	shalt  }
0x53: {  	_ =	shalt  }
0x54: {  	_ =	shalt  }
0x55: {  	_ =	shalt  }
0x56: {  	_ =	shalt  }
0x57: {  	_ =	shalt  }
0x58: {  	_ =	shalt  }
0x59: {  	_ =	shalt  }
0x5a: {  	_ =	shalt  }
0x5b: {  	_ =	shalt  }
0x5c: {  	_ =	shalt  }
0x5d: {  	_ =	shalt  }
0x5e: {  	_ =	shalt  }
0x5f: {  	_ =	shalt  }
0x60: {  	_ =	shalt  }
0x61: {  	_ =	shalt  }
0x62: {  	_ =	shalt  }
0x63: {  	_ =	shalt  }
0x64: {  	_ =	shalt  }
0x65: {  	_ =	shalt  }
0x66: {  	_ =	shalt  }
0x67: {  	_ =	shalt  }
0x68: {  	_ =	shalt  }
0x69: {  	_ =	shalt  }
0x6a: {  	_ =	shalt  }
0x6b: {  	_ =	shalt  }
0x6c: {  	_ =	shalt  }
0x6d: {  	_ =	shalt  }
0x6e: {  	_ =	shalt  }
0x6f: {  	_ =	shalt  }
0x70: {  	_ =	shalt  }
0x71: {  	_ =	shalt  }
0x72: {  	_ =	shalt  }
0x73: {  	_ =	shalt  }
0x74: {  	_ =	shalt  }
0x75: {  	_ =	shalt  }
0x76: {  	_ =	shalt  }
0x77: {  	_ =	shalt  }
0x78: {  	_ =	shalt  }
0x79: {  	_ =	shalt  }
0x7a: {  	_ =	shalt  }
0x7b: {  	_ =	shalt  }
0x7c: {  	_ =	shalt  }
0x7d: {  	_ =	shalt  }
0x7e: {  	_ =	shalt  }
0x7f: {  	_ =	shalt  }
0x80: {  	_ =	shalt  }
0x81: {  	_ =	shalt  }
0x82: {  	_ =	shalt  }
0x83: {  	_ =	shalt  }
0x84: {  	_ =	shalt  }
0x85: {  	_ =	shalt  }
0x86: {  	_ =	shalt  }
0x87: {  	_ =	shalt  }
.Lfunc_end0:
.L_simem_size_0:
called_computation_lowered:
.L_overlay_start_0:
0x88: {  	s2 =	sld [smem:$0x3FD9]  }
0x89: {  	s3 =	sld [smem:$0x3FFE];
	_ =	sdelay $0x1  }
0x8a: {  	s1 =	srdreg.scid  }
0x8b: {  	s0 =	sand.u32 $0x1, s1  }
0x8c: {  	s17 =	sshll.u32 s0, $0xA;
	s2 =	sadd.s32 s3, s2  }
0x8d: {  	s2 =	sadd.s32 s2, s17  }
0x8e: {  	[smem:$0x3FC6] =	sst s2  }
0x8f: {  	_ = 	snop  }
0x90: {  	s2 =	sld [smem:$0x3FD0];
	(tm) =	ssettm $0x1  }
0x91: {  	s18 =	sld [smem:$0x3FFB];
	_ =	sdelay $0x3  }
0x92: {  	_ =	strace s18  }
0x93: {  	s3 =	sld [smem:$0x3FFC];
	_ =	sdelay $0x3  }
0x94: {  	_ =	strace s3  }
0x95: {  	s3 =	sld [smem:$0x3FFD];
	_ =	sdelay $0x3  }
0x96: {  	_ =	strace s3  }
0x97: {  	_ =	strace $0x8FFFFFFF  }
0x98: {  	s19 =	sld [smem:$0x3FDB];
	_ =	sdelay $0x1  }
0x99: {  	s4 =	simm.s32 $_scs_section_size  }
0x9a: {  	s5 =	simm.s32 $_size__tile_overlayer_lowered;
	s6 =	simm.s32 $_tile_overlayer_lowered  }
0x9b: {  	s22 =	simm.s32 $0x1BFF;
	s21 =	sshll.u32 s6, $0x1;
	s3 =	sadd.s32 s4, s19  }
0x9c: {  	s7 =	simm.s32 $0x0;
	s20 =	sshll.u32 s5, $0x1;
	s5 =	sadd.s32 s21, s3  }
0x9d: {  	[timem:s7], [sflag:s22] =	dma.local [hbm:s5], s20  }
0x9e: {  	_ =	swait.ge [sflag:s22], s20  }
0x9f: {  	s4 =	ssub.s32 $0x0, s20;
	[sflag:s22] =	ssyncset.done $0x0  }
0xa0: {  	[sflag:s22] =	ssyncadd.s32 s4;
	_ =	sdelay $0x1  }
0xa1: {  	s23 =	simm.s32 $0x1B8B  }
0xa2: {  	_ =	swait.ge [sflag:s23], $0x1  }
0xa3: {  	[sflag:s23] =	ssyncset.done $0x0  }
0xa4: {  	s25 =	simm.s32 $0x1B8E;
	s24 =	sld [smem:$0x3FFE];
	[sflag:s23] =	ssyncadd.s32 $0xFFFFFFFF  }
0xa5: {  	s26 =	simm.s32 $execute0_lowered;
	[smem:$0x3FD2] =	sst s25  }
0xa6: {  	s5 =	sshll.u32 s26, $0x1;
	_ =	strace $0x80000046;
	[dreg:$0x1] =	wrdreg $0xFFFFFFFF  }
0xa7: {  	s28 =	simm.s32 $_size_execute0_lowered;
	s3 =	sadd.s32 s3, s5;
	[dreg:$0x0] =	wrdreg $0x0  }
0xa8: {  	s5 =	sshll.u32 s28, $0x1;
	[dreg:$0x2] =	wrdreg s3  }
0xa9: {  	[dreg:$0x3] =	wrdreg s5  }
0xaa: {  	[dreg:$0x4] =	wrdreg $0xC0  }
0xab: {  	_ =	task [dreg:s7], $0x5FFFF  }
0xac: {  	[dreg:$0x1] =	wrdreg $0xFFFFFFFF  }
0xad: {  	[dreg:$0x0] =	wrdreg $0x60  }
0xae: {  	[dreg:$0x2] =	wrdreg s2  }
0xaf: {  	[dreg:$0x3] =	wrdreg s24  }
0xb0: {  	[dreg:$0x4] =	wrdreg $0x9  }
0xb1: {  	_ =	task.clear_ibuf [dreg:s7], $0x5FFFF;
	_ =	strace $0x90000046  }
0xb2: {  	s29 =	simm.s32 $0x9;
	_ =	strace $0x80000048  }
0xb3: {  	_ =	swait.ge [sflag:s29], $0x1  }
0xb4: {  	[sflag:s29] =	ssyncadd.s32 $0xFFFFFFFF  }
0xb5: {  	_ =	strace $0x90000048  }
0xb6: {  	_ =	sfence  }
0xb7: {  	s30 =	sld [smem:$0x0];
	_ =	sdelay $0x2  }
0xb8: {  	s31 =	sshll.u32 s1, $0xD;
	s1 =	sshrl.u32 s1, $0x2  }
0xb9: {  	s3 =	sand.u32 $0x4000, s31;
	s1 =	sadd.s32 s1, s30  }
0xba: {  	s0 =	sor.u32 s3, s0;
	s1 =	sshll.u32 s1, $0x11  }
0xbb: {  	s0 =	sor.u32 s1, s0  }
0xbc: {  	s0 =	sadd.s32 $0x8F2B, s0  }
0xbd: {  	[sflag:s0] =	ssyncadd.remote.s32 $0x1  }
0xbe: {  	_ =	sfence.sel $0xFFFF  }
0xbf: {  	[dreg:$0x0] =	wrdreg $0xFFFFFFFF;
	(pc) =	sbr.abs _section_cstart, $3  }
0xc0: {  	[dreg:$0x1] =	wrdreg $0xFFFFFFFF  }
0xc1: {  	_ =	task.clear_ibuf [dreg:s7], $0x2FFFF;
	_ =	strace $0x9FFFFFFF  }
0xc2: {  	(tm) =	ssettm $0x7FFFFFFF  }
0xc3: {  	_ =	shalt  }
tec
execute0_lowered:
.L_overlay_start_1:
0x0: {  	(tag) =	ssettag $0x1  }
0x1: {  	s1 =	rddreg [dreg:$0x0];
	v0 =	vimm.s32 $0xE40000  }
0x2: {  	s5 =	rddreg [dreg:$0x1];
	v0 =	vunpack.c.l.s2.s4 v0  }
0x3: {  	s0 =	rddreg [dreg:$0x2];
	s2 =	simm.s32 $0x0  }
0x4: {  	s3 =	srdreg.scid;
	s10 =	simm.s32 $0x3D30;
	s11 =	simm.s32 $0x0;
	v0 =	vunpack.c.l.s4.s8 v0  }
0x5: {  	[smem:$0x7FF] =	sst s2;
	s6 =	sand.u32 $0x1, s3;
	s3 =	stileid.u32  }
0x6: {  	v1 =	vimm.s32 $0x7060504;
	s4 =	sadd.s32 $0xA00, s5;
	s5 =	sadd.s32 $0x1F400, s5;
	s7 =	ssub.s32 $0x2, s6;
	v0 =	vunpack.c.0.s8.s32 v0  }
0x7: {  	v1 =	vunpack.c.0.s8.s32 v1;
	_ =	strace $0x80000047;
	s9 =	sshll.u32 s3, $0x1;
	s8 =	sshrl.u32 s7, $0x1  }
0x8: {  	vm0 =	vcmask $0x3F30;
	s6 =	sor.u32 s6, s9;
	s9 =	simm.s32 $0x1E98;
	s7 =	ssub.s32 s7, s8;
	v0 =	vand.u32 $0x3, v0  }
0x9: {  	s6 =	smul.u32 $0x3D10, s6;
	s8 =	simm.s32 $0x1;
	s7 =	smax.u32 s7, $0x1;
	v0 =	vsel vm0, v1, v0;
	vm0 =	vmmov $0xff  }
.LBB2_1:
0xa: {  	s12 =	simm.s32 $0x0  }
.LBB2_2:
0xb: {  	s13 =	smul.u32 $0xF44, s12;
	_ =	sdelay $0x1  }
0xc: {  	s13 =	sadd.s32 s6, s13  }
0xd: {  	s14 =	sshrl.u32 s13, $0x2  }
0xe: {  	s16 =	simm.s32 $0x0;
	s15 =	sadd.s32 s1, s14  }
0xf: {  	[tilespmem:s16], [sflag:$0x1] =	stream.linear.gather [hbm4b:s15+s16], $0x1E98, $0x38;
	[tilespmem:$0x13170] =	vst v63  }
0x10: {  	_ =	swait.ge [sflag:s8], $0x1E98  }
0x11: {  	[sflag:s8] =	ssyncset.done $0x0  }
0x12: {  	s14 =	sadd.s32 s4, s14;
	[sflag:s8] =	ssyncadd.s32 $0xFFFFE168  }
0x13: {  	[tilespmem:s9], [sflag:$0x1] =	stream.linear.gather [hbm4b:s14+s16], $0x1E98, $0x38;
	[tilespmem:$0x13170] =	vst v63  }
0x14: {  	_ =	swait.ge [sflag:s8], $0x1E98  }
0x15: {  	[sflag:s8] =	ssyncset.done $0x0  }
0x16: {  	s31 =	simm.s32 $0x0;
	[sflag:s8] =	ssyncadd.s32 $0xFFFFE168  }
0x17: {  	v1 =	vld [tilespmem:s31+$0x1E98];
	_ =	sdelay $0x1  }
0x18: {  	v2 =	vld [tilespmem:s31+$0x0];
	_ =	sdelay $0x2  }
0x19: {  	v1 =	vperm.xlane v1, v0;
	_ =	sdelay $0x1  }
0x1a: {  	s14 =	simm.s32 $0x3D30;
	v1 =	vsel vm0, v2, v1  }
0x1b: {  	s15 =	simm.s32 $0x10;
	s16 =	simm.s32 $0x2;
	[tilespmem:s14+$0x0] =	vst v1  }
.LBB2_3:
0x1c: {  	p0 =	sne.s32 s15, $0x7A18;
	v1 =	vld [tilespmem:s16+$0x1E98];
	_ =	sdelay $0x1  }
0x1d: {  	v2 =	vld [tilespmem:s16+$0x0];
	_ =	sdelay $0x1  }
.Ltmp0:
0x1e: {  	(pc) =	sbr.rel @p0 .LBB2_3-.Ltmp0, $3  }
0x1f: {  	v1 =	vperm.xlane v1, v0;
	_ =	sdelay $0x1  }
0x20: {  	s14 =	sadd.s32 $0x10, s14;
	v1 =	vsel vm0, v2, v1  }
0x21: {  	s16 =	sshra.s32 s15, $0x2;
	s15 =	sadd.s32 $0x8, s15;
	[tilespmem:s14+$0x0] =	vst v1  }
0x22: {  	v1 =	vld [tilespmem:s16+$0x1E98];
	_ =	sdelay $0x1  }
0x23: {  	v2 =	vld [tilespmem:s16+$0x0];
	_ =	sdelay $0x2  }
0x24: {  	v1 =	vperm.xlane v1, v0  }
0x25: {  	s12 =	sadd.s32 $0x1, s12  }
0x26: {  	s14 =	sadd.s32 $0x10, s14;
	s13 =	sshll.u32 s13, $0x1;
	p0 =	sne.s32 s12, $0x4;
	v1 =	vsel vm0, v2, v1  }
.Ltmp1:
0x27: {  	s13 =	sadd.s32 s5, s13;
	[tilespmem:s14+$0x0] =	vst v1;
	(pc) =	sbr.rel @p0 .LBB2_2-.Ltmp1, $4  }
0x28: {  	[hbm4b:s13+s2] =	stream.linear.scatter [tilespmem:s10], [sflag:$0x1], $0xF440, $0x38;
	[tilespmem:$0x13170] =	vst v63  }
0x29: {  	_ =	swait.ge [sflag:s8], $0xF440  }
0x2a: {  	[sflag:s8] =	ssyncset.done $0x0  }
0x2b: {  	[sflag:s8] =	ssyncadd.s32 $0xFFFF0BC0  }
0x2c: {  	s11 =	sadd.s32 $0x1, s11  }
0x2d: {  	p0 =	sne.s32 s11, s7  }
.Ltmp2:
0x2e: {  	_ = 	snop;
	(pc) =	sbr.rel @p0 .LBB2_1-.Ltmp2, $1  }
0x2f: {  	_ =	sdelay $0x3  }
0x30: {  	_ =	sfence.sel $0x180000  }
0x31: {  	[bflag:$0x0] =	sbarrier.arrive $0xFFFF  }
0x32: {  	p0 =	sne.s32 s3, $0x0;
	_ =	strace $0x90000047  }
0x33: {  	s0 =	sadd.s32 @!p0 $0x100000, s0;
	[bflag:$0x2] =	sbarrier.arrive $0xFFFF  }
0x34: {  	[sflag:s0] =	ssyncadd.tile.s32 @!p0 $0x1;
	_ =	shalt  }
.Lfunc_end2:
_tile_overlayer_lowered:
.L_overlay_start_2:
0x35: {  	(tag) =	ssettag $0x2  }
0x36: {  	s0 =	rddreg [dreg:$0x0];
	s2 =	stileid.u32  }
0x37: {  	s1 =	rddreg [dreg:$0x1];
	p0 =	sne.s32 s2, $0x0  }
0x38: {  	s3 =	rddreg [dreg:$0x2];
	[bflag:$0x3] =	sbarrier.arrive $0xFFFF;
	s2 =	simm.s32 @!p0 $0x1C01  }
0x39: {  	[timem:s3], [sflag:s2] =	dma.local @!p0 [hbm:s0], s1  }
0x3a: {  	s0 =	simm.s32 @!p0 $0x1  }
0x3b: {  	_ =	swait.ge @!p0 [sflag:s0], s1  }
0x3c: {  	s1 =	ssub.s32 @!p0 $0x0, s1;
	[sflag:s0] =	ssyncset.done @!p0 $0x0  }
0x3d: {  	[sflag:s0] =	ssyncadd.s32 @!p0 s1  }
0x3e: {  	[bflag:$0x3] =	sbarrier.arrive $0xFFFF  }
0x3f: {  	_ =	shalt  }

// kernel: kernel.7.cloned.1.call-start
scs
__scs_entry_jumppad:
0x0: {  	(pc) =	sbr.rel $0x88, $3  }
0x1: {  	(tag) =	ssettag $0x0;
	lr =	simm.s32 $0x1  }
0x2: {  	[smem:$0x3F9F] =	sst lr;
	_ =	strace $0xD0000000  }
0x3: {  	_ = 	snop  }
0x4: {  	_ = 	snop  }
0x5: {  	_ = 	snop  }
0x6: {  	_ = 	snop  }
0x7: {  	_ = 	snop  }
__scs_overlays_trampoline_lowered:
0x8: {  	[smem:$0x3FAE] =	sst s0  }
0x9: {  	[smem:$0x3FAF] =	sst s1  }
0xa: {  	[smem:$0x3FB0] =	sst s2  }
0xb: {  	[smem:$0x3FB1] =	sst s3  }
0xc: {  	[smem:$0x3FB2] =	sst s4  }
0xd: {  	[smem:$0x3FB3] =	sst s5  }
0xe: {  	[smem:$0x3FB4] =	sst s6  }
0xf: {  	[smem:$0x3FB5] =	sst s7  }
0x10: {  	[smem:$0x3FB6] =	sst s8  }
0x11: {  	[smem:$0x3FB7] =	sst s9;
	s0 =	simm.s32 @!p0 $0x0  }
0x12: {  	s1 =	sld [smem:$0x3F9D];
	s0 =	simm.s32 @p0 $0x1  }
0x13: {  	[smem:$0x3FB8] =	sst s0;
	s0 =	simm.s32 @!p1 $0x0  }
0x14: {  	s2 =	sld [smem:$0x3F9C];
	s0 =	simm.s32 @p1 $0x1  }
0x15: {  	[smem:$0x3FB9] =	sst s0;
	s0 =	simm.s32 @!p2 $0x0  }
0x16: {  	s3 =	sld [smem:$0x3FDB];
	s0 =	simm.s32 @p2 $0x1  }
0x17: {  	s4 =	simm.s32 $0x1BF5;
	[smem:$0x3FBB] =	sst s0  }
0x18: {  	s0 =	sld [smem:$0x3F9E];
	_ =	swait.ge [sflag:s4], $0x0  }
0x19: {  	s7 =	sld [smem:$0x3F9F]  }
0x1a: {  	s8 =	sadd.s32 $0xFFFFE003, lr  }
0x1b: {  	s9 =	sadd.s32 $0xFFFFFEF7, lr;
	s5 =	simm.s32 $0xFFFFFFFF;
	p2 =	slt.u32 s8, $0xFFFFF086  }
0x1c: {  	p1 =	slt.u32 s9, $0xF7A;
	s5 =	simm.s32 @!p2 $0x0  }
0x1d: {  	s5 =	simm.s32 @p1 $0x1;
	p0 =	seq.s32 s7, s2  }
0x1e: {  	s7 =	smul.u32 @!p0 $0xF7A, s2;
	p2 =	seq.s32 @!p0 s5, $0x0  }
0x1f: {  	s9 =	smul.u32 $0xF7A, s1;
	s8 =	simm.s32 @!p0 $0x1BF5;
	p2 =	por !p2, p0  }
0x20: {  	[sflag:s8] =	ssyncset.s32 @!p0 $0xFFFFF086;
	s6 =	sadd.s32 @!p0 s3, s7;
	s7 =	simm.s32 @!p0 $0x108  }
0x21: {  	s3 =	sadd.s32 s3, s9;
	s6 =	sadd.s32 @!p0 $0x88, s6;
	s7 =	simm.s32 @p2 $0x1082  }
0x22: {  	[simem:s7], [sflag:s8] =	dma.local @!p0 [hbm:s6], $0xF7A  }
0x23: {  	s9 =	sor.u32 $0xD0000000, s2;
	s6 =	simm.s32 $0x108;
	_ =	swait.ge @!p0 [sflag:s8], $0x0  }
0x24: {  	s3 =	sadd.s32 $0x88, s3;
	s6 =	simm.s32 @!p1 $0x1082;
	[sflag:s4] =	ssyncset.s32 $0xFFFFF086  }
0x25: {  	[simem:s6], [sflag:s4] =	dma.local [hbm:s3], $0xF7A  }
0x26: {  	[smem:$0x3F9F] =	sst s1;
	(tag) =	ssettag s2;
	_ =	strace s9  }
0x27: {  	s1 =	sld [smem:$0x3FAF]  }
0x28: {  	s2 =	sld [smem:$0x3FB0]  }
0x29: {  	s4 =	sld [smem:$0x3FB2]  }
0x2a: {  	p0 =	seq.s32 s5, $0x0;
	s5 =	sld [smem:$0x3FB3]  }
0x2b: {  	s6 =	sld [smem:$0x3FB4]  }
0x2c: {  	s7 =	sld [smem:$0x3FB5]  }
0x2d: {  	s3 =	simm.s32 $0x108;
	s8 =	sld [smem:$0x3FB6]  }
0x2e: {  	s3 =	simm.s32 @!p0 $0x1082;
	s9 =	sld [smem:$0x3FB7]  }
0x2f: {  	lr =	sadd.s32 s0, s3;
	s0 =	sld [smem:$0x3FAE]  }
0x30: {  	s3 =	sld [smem:$0x3FB1]  }
0x31: {  	[smem:$0x3FBA] =	sst s10  }
0x32: {  	s10 =	sld [smem:$0x3FB8];
	_ =	sdelay $0x3  }
0x33: {  	p0 =	seq.s32 s10, $0x1;
	s10 =	sld [smem:$0x3FBA];
	_ =	sdelay $0x3  }
0x34: {  	[smem:$0x3FBA] =	sst s10  }
0x35: {  	s10 =	sld [smem:$0x3FB9];
	_ =	sdelay $0x3  }
0x36: {  	p1 =	seq.s32 s10, $0x1;
	s10 =	sld [smem:$0x3FBA];
	_ =	sdelay $0x3  }
0x37: {  	[smem:$0x3FBA] =	sst s10  }
0x38: {  	s10 =	sld [smem:$0x3FBB]  }
0x39: {  	_ = 	snop;
	(pc) =	sbr.ind lr, $3  }
0x3a: {  	_ = 	snop  }
0x3b: {  	_ = 	snop  }
0x3c: {  	p2 =	seq.s32 s10, $0x1;
	s10 =	sld [smem:$0x3FBA]  }
0x3d: {  	_ =	shalt  }
0x3e: {  	_ =	shalt  }
0x3f: {  	_ =	shalt  }
0x40: {  	_ =	shalt  }
0x41: {  	_ =	shalt  }
0x42: {  	_ =	shalt  }
0x43: {  	_ =	shalt  }
0x44: {  	_ =	shalt  }
0x45: {  	_ =	shalt  }
0x46: {  	_ =	shalt  }
0x47: {  	_ =	shalt  }
0x48: {  	_ =	shalt  }
0x49: {  	_ =	shalt  }
0x4a: {  	_ =	shalt  }
0x4b: {  	_ =	shalt  }
0x4c: {  	_ =	shalt  }
0x4d: {  	_ =	shalt  }
0x4e: {  	_ =	shalt  }
0x4f: {  	_ =	shalt  }
0x50: {  	_ =	shalt  }
0x51: {  	_ =	shalt  }
0x52: {  	_ =	shalt  }
0x53: {  	_ =	shalt  }
0x54: {  	_ =	shalt  }
0x55: {  	_ =	shalt  }
0x56: {  	_ =	shalt  }
0x57: {  	_ =	shalt  }
0x58: {  	_ =	shalt  }
0x59: {  	_ =	shalt  }
0x5a: {  	_ =	shalt  }
0x5b: {  	_ =	shalt  }
0x5c: {  	_ =	shalt  }
0x5d: {  	_ =	shalt  }
0x5e: {  	_ =	shalt  }
0x5f: {  	_ =	shalt  }
0x60: {  	_ =	shalt  }
0x61: {  	_ =	shalt  }
0x62: {  	_ =	shalt  }
0x63: {  	_ =	shalt  }
0x64: {  	_ =	shalt  }
0x65: {  	_ =	shalt  }
0x66: {  	_ =	shalt  }
0x67: {  	_ =	shalt  }
0x68: {  	_ =	shalt  }
0x69: {  	_ =	shalt  }
0x6a: {  	_ =	shalt  }
0x6b: {  	_ =	shalt  }
0x6c: {  	_ =	shalt  }
0x6d: {  	_ =	shalt  }
0x6e: {  	_ =	shalt  }
0x6f: {  	_ =	shalt  }
0x70: {  	_ =	shalt  }
0x71: {  	_ =	shalt  }
0x72: {  	_ =	shalt  }
0x73: {  	_ =	shalt  }
0x74: {  	_ =	shalt  }
0x75: {  	_ =	shalt  }
0x76: {  	_ =	shalt  }
0x77: {  	_ =	shalt  }
0x78: {  	_ =	shalt  }
0x79: {  	_ =	shalt  }
0x7a: {  	_ =	shalt  }
0x7b: {  	_ =	shalt  }
0x7c: {  	_ =	shalt  }
0x7d: {  	_ =	shalt  }
0x7e: {  	_ =	shalt  }
0x7f: {  	_ =	shalt  }
0x80: {  	_ =	shalt  }
0x81: {  	_ =	shalt  }
0x82: {  	_ =	shalt  }
0x83: {  	_ =	shalt  }
0x84: {  	_ =	shalt  }
0x85: {  	_ =	shalt  }
0x86: {  	_ =	shalt  }
0x87: {  	_ =	shalt  }
.Lfunc_end0:
.L_simem_size_0:
called_computation.1_lowered:
.L_overlay_start_0:
0x88: {  	s2 =	sld [smem:$0x3FD9]  }
0x89: {  	s3 =	sld [smem:$0x3FFE];
	_ =	sdelay $0x1  }
0x8a: {  	s1 =	srdreg.scid  }
0x8b: {  	s0 =	sand.u32 $0x1, s1  }
0x8c: {  	s17 =	sshll.u32 s0, $0xA;
	s2 =	sadd.s32 s3, s2  }
0x8d: {  	s2 =	sadd.s32 s2, s17  }
0x8e: {  	[smem:$0x3FC6] =	sst s2  }
0x8f: {  	_ = 	snop  }
0x90: {  	s2 =	sld [smem:$0x3FC9]  }
0x91: {  	s18 =	sld [smem:$0x3FD0];
	(tm) =	ssettm $0x1  }
0x92: {  	s4 =	sld [smem:$0x3FFB];
	_ =	sdelay $0x3  }
0x93: {  	_ =	strace s4  }
0x94: {  	s4 =	sld [smem:$0x3FFC];
	_ =	sdelay $0x3  }
0x95: {  	_ =	strace s4  }
0x96: {  	s4 =	sld [smem:$0x3FFD];
	_ =	sdelay $0x3  }
0x97: {  	_ =	strace s4  }
0x98: {  	_ =	strace $0x8FFFFFFF  }
0x99: {  	s19 =	sld [smem:$0x3FDB];
	_ =	sdelay $0x1  }
0x9a: {  	s5 =	simm.s32 $_scs_section_size  }
0x9b: {  	s6 =	simm.s32 $_size__tile_overlayer_lowered;
	s7 =	simm.s32 $_tile_overlayer_lowered  }
0x9c: {  	s22 =	simm.s32 $0x1BFF;
	s21 =	sshll.u32 s7, $0x1;
	s4 =	sadd.s32 s5, s19  }
0x9d: {  	s8 =	simm.s32 $0x0;
	s20 =	sshll.u32 s6, $0x1;
	s6 =	sadd.s32 s21, s4  }
0x9e: {  	[timem:s8], [sflag:s22] =	dma.local [hbm:s6], s20  }
0x9f: {  	_ =	swait.ge [sflag:s22], s20  }
0xa0: {  	s5 =	ssub.s32 $0x0, s20;
	[sflag:s22] =	ssyncset.done $0x0  }
0xa1: {  	[sflag:s22] =	ssyncadd.s32 s5;
	_ =	sdelay $0x1  }
0xa2: {  	s23 =	simm.s32 $0x1B8B  }
0xa3: {  	_ =	swait.ge [sflag:s23], $0x1  }
0xa4: {  	[sflag:s23] =	ssyncset.done $0x0  }
0xa5: {  	s25 =	simm.s32 $0x1B8E;
	s24 =	sld [smem:$0x3FFE];
	[sflag:s23] =	ssyncadd.s32 $0xFFFFFFFF  }
0xa6: {  	s26 =	simm.s32 $execute0_lowered;
	[smem:$0x3FD2] =	sst s25  }
0xa7: {  	s6 =	sshll.u32 s26, $0x1;
	_ =	strace $0x80000049;
	[dreg:$0x1] =	wrdreg $0xFFFFFFFF  }
0xa8: {  	s28 =	simm.s32 $_size_execute0_lowered;
	s4 =	sadd.s32 s4, s6;
	[dreg:$0x0] =	wrdreg $0x0  }
0xa9: {  	s6 =	sshll.u32 s28, $0x1;
	[dreg:$0x2] =	wrdreg s4  }
0xaa: {  	[dreg:$0x3] =	wrdreg s6  }
0xab: {  	[dreg:$0x4] =	wrdreg $0xC0  }
0xac: {  	_ =	task [dreg:s8], $0x5FFFF  }
0xad: {  	[dreg:$0x1] =	wrdreg $0xFFFFFFFF  }
0xae: {  	[dreg:$0x0] =	wrdreg $0x60  }
0xaf: {  	[dreg:$0x2] =	wrdreg s2  }
0xb0: {  	[dreg:$0x3] =	wrdreg s24  }
0xb1: {  	[dreg:$0x4] =	wrdreg s18  }
0xb2: {  	[dreg:$0x5] =	wrdreg $0x9  }
0xb3: {  	_ =	task.clear_ibuf [dreg:s8], $0x6FFFF;
	_ =	strace $0x90000049  }
0xb4: {  	s29 =	simm.s32 $0x9;
	_ =	strace $0x8000004B  }
0xb5: {  	_ =	swait.ge [sflag:s29], $0x1  }
0xb6: {  	[sflag:s29] =	ssyncadd.s32 $0xFFFFFFFF  }
0xb7: {  	_ =	strace $0x9000004B  }
0xb8: {  	_ =	sfence  }
0xb9: {  	s30 =	sld [smem:$0x0];
	_ =	sdelay $0x2  }
0xba: {  	s31 =	sshll.u32 s1, $0xD;
	s1 =	sshrl.u32 s1, $0x2  }
0xbb: {  	s3 =	sand.u32 $0x4000, s31;
	s1 =	sadd.s32 s1, s30  }
0xbc: {  	s0 =	sor.u32 s3, s0;
	s1 =	sshll.u32 s1, $0x11  }
0xbd: {  	s0 =	sor.u32 s1, s0  }
0xbe: {  	s0 =	sadd.s32 $0x8F2B, s0  }
0xbf: {  	[sflag:s0] =	ssyncadd.remote.s32 $0x1  }
0xc0: {  	_ =	sfence.sel $0xFFFF  }
0xc1: {  	[dreg:$0x0] =	wrdreg $0xFFFFFFFF;
	(pc) =	sbr.abs _section_cstart, $3  }
0xc2: {  	[dreg:$0x1] =	wrdreg $0xFFFFFFFF  }
0xc3: {  	_ =	task.clear_ibuf [dreg:s8], $0x2FFFF;
	_ =	strace $0x9FFFFFFF  }
0xc4: {  	(tm) =	ssettm $0x7FFFFFFF  }
0xc5: {  	_ =	shalt  }
tec
execute0_lowered:
.L_overlay_start_1:
0x0: {  	(tag) =	ssettag $0x1  }
0x1: {  	s1 =	rddreg [dreg:$0x0];
	s0 =	srdreg.scid  }
0x2: {  	s2 =	rddreg [dreg:$0x1];
	s4 =	stileid.u32  }
0x3: {  	s3 =	rddreg [dreg:$0x2];
	s12 =	simm.s32 $0x1;
	s13 =	simm.s32 $0x80  }
0x4: {  	s15 =	simm.s32 $0x2000;
	s5 =	sshll.u32 s4, $0x12;
	s4 =	simm.s32 $0x0  }
0x5: {  	s28 =	simm.s32 $0xA000;
	s29 =	simm.s32 $0xF800;
	[smem:$0x7FF] =	sst s4  }
0x6: {  	v0 =	vimm.f32 $1.000001020e-06;
	s30 =	simm.s32 $0x1E00;
	s31 =	simm.s32 $0x10000;
	_ =	strace $0x8000004A  }
0x7: {  	s11 =	simm.s32 $0x11000;
	s14 =	simm.s32 $0x11800;
	s16 =	simm.s32 $0x2;
	(erf) = vrcp.f32 v0  }
0x8: {  	s17 =	simm.s32 $0x12000;
	s18 =	simm.s32 $0x12800;
	s0 =	sand.u32 $0x1, s0  }
0x9: {  	s20 =	simm.s32 $0x0;
	s6 =	sshll.u32 s0, $0x11;
	s0 =	ssub.s32 $0x2, s0  }
0xa: {  	s7 =	sadd.s32 $0x1F400, s2;
	s5 =	sor.u32 s6, s5;
	s8 =	sshrl.u32 s0, $0x1  }
0xb: {  	s2 =	simm.s32 $0x1E80;
	s6 =	sshrl.u32 s5, $0x3;
	s0 =	ssub.s32 s0, s8  }
.Ltmp0:
0xc: {  	s26 =	sor.u32 $0x1000, s5;
	s10 =	sor.u32 $0x1800, s5;
	(pc) =	sbr.rel .LBB2_1-.Ltmp0, $4  }
0xd: {  	s8 =	simm.s32 $0x1F00;
	s6 =	sadd.s32 s1, s6;
	[dreg:$0x6] =	wrdreg s26  }
0xe: {  	s0 =	smax.u32 s0, $0x1;
	s26 =	simm.s32 $0x1D80;
	[dreg:$0x4] =	wrdreg s6  }
0xf: {  	v1 =	vlaneseq.u32;
	s25 =	sadd.s32 $0x100, s6;
	[dreg:$0x7] =	wrdreg s0;
	s0 =	simm.s32 $0x10800  }
0x10: {  	v1 =	vmul.u32 $0x10, v1;
	s6 =	simm.s32 $0x1F80;
	[dreg:$0x5] =	wrdreg s25;
	s25 =	simm.s32 $0xF000;
	v0 =	vpop (erf)  }
.LBB2_16:
0x11: {  	s19 =	simm.s32 $0x3  }
0x12: {  	_ =	swait.ge [sflag:s19], $0x800  }
0x13: {  	[sflag:s19] =	ssyncset.done $0x0  }
0x14: {  	[sflag:s19] =	ssyncadd.s32 $0xFFFFF800  }
0x15: {  	_ =	swait.ge [sflag:s19], $0x800  }
0x16: {  	s20 =	rddreg [dreg:$0x8]  }
0x17: {  	s9 =	rddreg [dreg:$0x7];
	s20 =	sadd.s32 $0x1, s20  }
0x18: {  	p0 =	sne.s32 s20, s9  }
.Ltmp1:
0x19: {  	_ = 	snop;
	(pc) =	sbr.rel @!p0 .LBB2_17-.Ltmp1, $3  }
0x1a: {  	_ =	sdelay $0x1  }
0x1b: {  	[sflag:s19] =	ssyncset.done $0x0  }
0x1c: {  	[sflag:s19] =	ssyncadd.s32 $0xFFFFF800  }
.LBB2_1:
0x1d: {  	[dreg:$0x8] =	wrdreg s20  }
0x1e: {  	s9 =	rddreg [dreg:$0x4]  }
0x1f: {  	[tilespmem:s4], [sflag:$0x1] =	stream.linear.gather [hbm4b:s9+s4], $0x800, $0x38;
	[tilespmem:$0x13000] =	vst v63  }
0x20: {  	_ =	swait.ge [sflag:s12], $0x800  }
0x21: {  	[sflag:s12] =	ssyncset.done $0x0  }
0x22: {  	s9 =	simm.s32 $0x0;
	[sflag:s12] =	ssyncadd.s32 $0xFFFFF800  }
0x23: {  	v2 =	vld [tilespmem:s9+$0x0];
	_ =	sdelay $0x4  }
0x24: {  	v2 =	vmul.f32 v2, v0;
	_ =	sdelay $0x1  }
0x25: {  	s19 =	simm.s32 $0x10;
	v2 =	vtrunc.f32 v2  }
0x26: {  	v3 =	vcvt.f32.s32 v2;
	v2 =	vld [tilespmem:s19+$0x0];
	_ =	sdelay $0x3  }
0x27: {  	s20 =	simm.s32 $0x80;
	v3 =	vshra.s32 v3, $0x1  }
.LBB2_2:
0x28: {  	s21 =	sshra.s32 s20, $0x2;
	p0 =	sne.s32 s20, $0x1FC0;
	s20 =	sadd.s32 $0x40, s20;
	v4 =	vmul.f32 v2, v0;
	[tilespmem:s9+$0x1000] =	vst v3  }
.Ltmp2:
0x29: {  	s9 =	smov.u32 s19;
	v2 =	vld [tilespmem:s21+$0x0];
	s19 =	smov.u32 s21;
	(pc) =	sbr.rel @p0 .LBB2_2-.Ltmp2, $3  }
0x2a: {  	v3 =	vtrunc.f32 v4  }
0x2b: {  	v3 =	vcvt.f32.s32 v3;
	_ =	sdelay $0x1  }
0x2c: {  	v3 =	vshra.s32 v3, $0x1  }
0x2d: {  	v2 =	vmul.f32 v2, v0;
	_ =	sdelay $0x1  }
0x2e: {  	v2 =	vtrunc.f32 v2  }
0x2f: {  	v2 =	vcvt.f32.s32 v2;
	_ =	sdelay $0x1  }
0x30: {  	[tilespmem:s9+$0x1000] =	vst v3;
	v2 =	vshra.s32 v2, $0x1  }
0x31: {  	s22 =	simm.s32 $0x1000;
	[tilespmem:s19+$0x1000] =	vst v2  }
0x32: {  	[tilespmem:s15], [sflag:$0x2] =	stream.indirect.gather [hbm4b:s7+s13], $0x10, s22, s13, $0xb8;
	[tilespmem:$0x13000] =	vst v63  }
0x33: {  	s23 =	simm.s32 $0x1080;
	s24 =	simm.s32 $0x2800  }
0x34: {  	[tilespmem:s24], [sflag:$0x2] =	stream.indirect.gather [hbm4b:s7+s13], $0x10, s23, s13, $0xb8;
	[tilespmem:$0x13000] =	vst v63  }
0x35: {  	s20 =	simm.s32 $0x3000;
	s19 =	simm.s32 $0x1100  }
0x36: {  	[tilespmem:s20], [sflag:$0x2] =	stream.indirect.gather [hbm4b:s7+s13], $0x10, s19, s13, $0xb8;
	[tilespmem:$0x13000] =	vst v63  }
0x37: {  	s21 =	simm.s32 $0x1180;
	s22 =	simm.s32 $0x3800  }
0x38: {  	[tilespmem:s22], [sflag:$0x2] =	stream.indirect.gather [hbm4b:s7+s13], $0x10, s21, s13, $0xb8;
	[tilespmem:$0x13000] =	vst v63  }
0x39: {  	s23 =	simm.s32 $0x1200;
	s24 =	simm.s32 $0x4000  }
0x3a: {  	[tilespmem:s24], [sflag:$0x2] =	stream.indirect.gather [hbm4b:s7+s13], $0x10, s23, s13, $0xb8;
	[tilespmem:$0x13000] =	vst v63  }
0x3b: {  	s19 =	simm.s32 $0x1280;
	s20 =	simm.s32 $0x4800  }
0x3c: {  	[tilespmem:s20], [sflag:$0x2] =	stream.indirect.gather [hbm4b:s7+s13], $0x10, s19, s13, $0xb8;
	[tilespmem:$0x13000] =	vst v63  }
0x3d: {  	s21 =	simm.s32 $0x1300;
	s22 =	simm.s32 $0x5000  }
0x3e: {  	[tilespmem:s22], [sflag:$0x2] =	stream.indirect.gather [hbm4b:s7+s13], $0x10, s21, s13, $0xb8;
	[tilespmem:$0x13000] =	vst v63  }
0x3f: {  	s23 =	simm.s32 $0x1380;
	s24 =	simm.s32 $0x5800  }
0x40: {  	[tilespmem:s24], [sflag:$0x2] =	stream.indirect.gather [hbm4b:s7+s13], $0x10, s23, s13, $0xb8;
	[tilespmem:$0x13000] =	vst v63  }
0x41: {  	s19 =	simm.s32 $0x1400;
	s20 =	simm.s32 $0x6000  }
0x42: {  	[tilespmem:s20], [sflag:$0x2] =	stream.indirect.gather [hbm4b:s7+s13], $0x10, s19, s13, $0xb8;
	[tilespmem:$0x13000] =	vst v63  }
0x43: {  	s21 =	simm.s32 $0x1480;
	s22 =	simm.s32 $0x6800  }
0x44: {  	[tilespmem:s22], [sflag:$0x2] =	stream.indirect.gather [hbm4b:s7+s13], $0x10, s21, s13, $0xb8;
	[tilespmem:$0x13000] =	vst v63  }
0x45: {  	s23 =	simm.s32 $0x1500;
	s24 =	simm.s32 $0x7000  }
0x46: {  	[tilespmem:s24], [sflag:$0x2] =	stream.indirect.gather [hbm4b:s7+s13], $0x10, s23, s13, $0xb8;
	[tilespmem:$0x13000] =	vst v63  }
0x47: {  	s19 =	simm.s32 $0x1580;
	s20 =	simm.s32 $0x7800  }
0x48: {  	[tilespmem:s20], [sflag:$0x2] =	stream.indirect.gather [hbm4b:s7+s13], $0x10, s19, s13, $0xb8;
	[tilespmem:$0x13000] =	vst v63  }
0x49: {  	s21 =	simm.s32 $0x1600;
	s22 =	simm.s32 $0x8000  }
0x4a: {  	[tilespmem:s22], [sflag:$0x2] =	stream.indirect.gather [hbm4b:s7+s13], $0x10, s21, s13, $0xb8;
	[tilespmem:$0x13000] =	vst v63  }
0x4b: {  	s23 =	simm.s32 $0x1680;
	s24 =	simm.s32 $0x8800  }
0x4c: {  	[tilespmem:s24], [sflag:$0x2] =	stream.indirect.gather [hbm4b:s7+s13], $0x10, s23, s13, $0xb8;
	[tilespmem:$0x13000] =	vst v63  }
0x4d: {  	s20 =	simm.s32 $0x1700;
	s21 =	simm.s32 $0x9000  }
0x4e: {  	[tilespmem:s21], [sflag:$0x2] =	stream.indirect.gather [hbm4b:s7+s13], $0x10, s20, s13, $0xb8;
	[tilespmem:$0x13000] =	vst v63  }
0x4f: {  	s22 =	simm.s32 $0x1780;
	s23 =	simm.s32 $0x9800  }
0x50: {  	[tilespmem:s23], [sflag:$0x2] =	stream.indirect.gather [hbm4b:s7+s13], $0x10, s22, s13, $0xb8;
	[tilespmem:$0x13000] =	vst v63  }
0x51: {  	s19 =	simm.s32 $0x0;
	s24 =	rddreg [dreg:$0x5];
	s20 =	simm.s32 $0x800  }
0x52: {  	[tilespmem:s20], [sflag:$0x1] =	stream.linear.gather [hbm4b:s24+s19], $0x800, $0x38;
	[tilespmem:$0x13000] =	vst v63  }
.LBB2_4:
0x53: {  	_ =	swait.ge [sflag:s12], $0x800  }
0x54: {  	[sflag:s12] =	ssyncset.done $0x0  }
0x55: {  	s9 =	simm.s32 $0x0;
	[sflag:s12] =	ssyncadd.s32 $0xFFFFF800  }
0x56: {  	v2 =	vld [tilespmem:s9+$0x800];
	_ =	sdelay $0x4  }
0x57: {  	v2 =	vmul.f32 v2, v0;
	_ =	sdelay $0x1  }
0x58: {  	s20 =	simm.s32 $0x10;
	v2 =	vtrunc.f32 v2  }
0x59: {  	v3 =	vcvt.f32.s32 v2;
	v2 =	vld [tilespmem:s20+$0x800];
	_ =	sdelay $0x3  }
0x5a: {  	s21 =	simm.s32 $0x80;
	v3 =	vshra.s32 v3, $0x1  }
.LBB2_5:
0x5b: {  	s22 =	sshra.s32 s21, $0x2;
	p0 =	sne.s32 s21, $0x1FC0;
	s21 =	sadd.s32 $0x40, s21;
	v4 =	vmul.f32 v2, v0;
	[tilespmem:s9+$0x1800] =	vst v3  }
.Ltmp3:
0x5c: {  	s9 =	smov.u32 s20;
	v2 =	vld [tilespmem:s22+$0x800];
	s20 =	smov.u32 s22;
	(pc) =	sbr.rel @p0 .LBB2_5-.Ltmp3, $3  }
0x5d: {  	v3 =	vtrunc.f32 v4  }
0x5e: {  	v3 =	vcvt.f32.s32 v3;
	_ =	sdelay $0x1  }
0x5f: {  	v3 =	vshra.s32 v3, $0x1  }
0x60: {  	v2 =	vmul.f32 v2, v0;
	_ =	sdelay $0x1  }
0x61: {  	v2 =	vtrunc.f32 v2  }
0x62: {  	v2 =	vcvt.f32.s32 v2;
	_ =	sdelay $0x1  }
0x63: {  	[tilespmem:s9+$0x1800] =	vst v3;
	v2 =	vshra.s32 v2, $0x1  }
0x64: {  	[tilespmem:s20+$0x1800] =	vst v2;
	s20 =	simm.s32 $0x1800  }
0x65: {  	[tilespmem:s28], [sflag:$0x2] =	stream.indirect.gather [hbm4b:s7+s13], $0x10, s20, s13, $0xb8;
	[tilespmem:$0x13000] =	vst v63  }
0x66: {  	s21 =	simm.s32 $0x1880;
	s22 =	simm.s32 $0xA800  }
0x67: {  	[tilespmem:s22], [sflag:$0x2] =	stream.indirect.gather [hbm4b:s7+s13], $0x10, s21, s13, $0xb8;
	[tilespmem:$0x13000] =	vst v63  }
0x68: {  	s23 =	simm.s32 $0x1900;
	s24 =	simm.s32 $0xB000  }
0x69: {  	[tilespmem:s24], [sflag:$0x2] =	stream.indirect.gather [hbm4b:s7+s13], $0x10, s23, s13, $0xb8;
	[tilespmem:$0x13000] =	vst v63  }
0x6a: {  	s21 =	simm.s32 $0x1980;
	s22 =	simm.s32 $0xB800  }
0x6b: {  	[tilespmem:s22], [sflag:$0x2] =	stream.indirect.gather [hbm4b:s7+s13], $0x10, s21, s13, $0xb8;
	[tilespmem:$0x13000] =	vst v63  }
0x6c: {  	s23 =	simm.s32 $0x1A00;
	s24 =	simm.s32 $0xC000  }
0x6d: {  	[tilespmem:s24], [sflag:$0x2] =	stream.indirect.gather [hbm4b:s7+s13], $0x10, s23, s13, $0xb8;
	[tilespmem:$0x13000] =	vst v63  }
0x6e: {  	s21 =	simm.s32 $0x1A80;
	s22 =	simm.s32 $0xC800  }
0x6f: {  	[tilespmem:s22], [sflag:$0x2] =	stream.indirect.gather [hbm4b:s7+s13], $0x10, s21, s13, $0xb8;
	[tilespmem:$0x13000] =	vst v63  }
0x70: {  	s23 =	simm.s32 $0x1B00;
	s24 =	simm.s32 $0xD000  }
0x71: {  	[tilespmem:s24], [sflag:$0x2] =	stream.indirect.gather [hbm4b:s7+s13], $0x10, s23, s13, $0xb8;
	[tilespmem:$0x13000] =	vst v63  }
0x72: {  	s21 =	simm.s32 $0x1B80;
	s22 =	simm.s32 $0xD800  }
0x73: {  	[tilespmem:s22], [sflag:$0x2] =	stream.indirect.gather [hbm4b:s7+s13], $0x10, s21, s13, $0xb8;
	[tilespmem:$0x13000] =	vst v63  }
0x74: {  	s23 =	simm.s32 $0x1C00;
	s24 =	simm.s32 $0xE000  }
0x75: {  	[tilespmem:s24], [sflag:$0x2] =	stream.indirect.gather [hbm4b:s7+s13], $0x10, s23, s13, $0xb8;
	[tilespmem:$0x13000] =	vst v63  }
0x76: {  	s21 =	simm.s32 $0x1C80;
	s22 =	simm.s32 $0xE800  }
0x77: {  	[tilespmem:s22], [sflag:$0x2] =	stream.indirect.gather [hbm4b:s7+s13], $0x10, s21, s13, $0xb8;
	[tilespmem:$0x13000] =	vst v63  }
0x78: {  	s23 =	simm.s32 $0x1D00  }
0x79: {  	[tilespmem:s25], [sflag:$0x2] =	stream.indirect.gather [hbm4b:s7+s13], $0x10, s23, s13, $0xb8;
	[tilespmem:$0x13000] =	vst v63  }
0x7a: {  	_ = 	snop  }
0x7b: {  	[tilespmem:s29], [sflag:$0x2] =	stream.indirect.gather [hbm4b:s7+s13], $0x10, s26, s13, $0xb8;
	[tilespmem:$0x13000] =	vst v63  }
0x7c: {  	_ = 	snop  }
0x7d: {  	[tilespmem:s31], [sflag:$0x2] =	stream.indirect.gather [hbm4b:s7+s13], $0x10, s30, s13, $0xb8;
	[tilespmem:$0x13000] =	vst v63  }
0x7e: {  	_ = 	snop  }
0x7f: {  	[tilespmem:s0], [sflag:$0x2] =	stream.indirect.gather [hbm4b:s7+s13], $0x10, s2, s13, $0xb8;
	[tilespmem:$0x13000] =	vst v63  }
0x80: {  	_ = 	snop  }
0x81: {  	[tilespmem:s11], [sflag:$0x2] =	stream.indirect.gather [hbm4b:s7+s13], $0x10, s8, s13, $0xb8;
	[tilespmem:$0x13000] =	vst v63  }
0x82: {  	_ = 	snop  }
0x83: {  	[tilespmem:s14], [sflag:$0x2] =	stream.indirect.gather [hbm4b:s7+s13], $0x10, s6, s13, $0xb8;
	[tilespmem:$0x13000] =	vst v63  }
0x84: {  	_ =	swait.ge [sflag:s16], $0x800  }
0x85: {  	[sflag:s16] =	ssyncset.done $0x0  }
0x86: {  	[sflag:s16] =	ssyncadd.s32 $0xFFFFF800  }
0x87: {  	_ =	swait.ge [sflag:s16], $0x800  }
0x88: {  	[sflag:s16] =	ssyncset.done $0x0  }
0x89: {  	[sflag:s16] =	ssyncadd.s32 $0xFFFFF800  }
0x8a: {  	_ =	swait.ge [sflag:s16], $0x800  }
0x8b: {  	[sflag:s16] =	ssyncset.done $0x0  }
0x8c: {  	[sflag:s16] =	ssyncadd.s32 $0xFFFFF800  }
0x8d: {  	_ =	swait.ge [sflag:s16], $0x800  }
0x8e: {  	[sflag:s16] =	ssyncset.done $0x0  }
0x8f: {  	[sflag:s16] =	ssyncadd.s32 $0xFFFFF800  }
0x90: {  	_ =	swait.ge [sflag:s16], $0x800  }
0x91: {  	[sflag:s16] =	ssyncset.done $0x0  }
0x92: {  	[sflag:s16] =	ssyncadd.s32 $0xFFFFF800  }
0x93: {  	_ =	swait.ge [sflag:s16], $0x800  }
0x94: {  	[sflag:s16] =	ssyncset.done $0x0  }
0x95: {  	[sflag:s16] =	ssyncadd.s32 $0xFFFFF800  }
0x96: {  	_ =	swait.ge [sflag:s16], $0x800  }
0x97: {  	[sflag:s16] =	ssyncset.done $0x0  }
0x98: {  	[sflag:s16] =	ssyncadd.s32 $0xFFFFF800  }
0x99: {  	_ =	swait.ge [sflag:s16], $0x800  }
0x9a: {  	[sflag:s16] =	ssyncset.done $0x0  }
0x9b: {  	[sflag:s16] =	ssyncadd.s32 $0xFFFFF800  }
0x9c: {  	_ =	swait.ge [sflag:s16], $0x800  }
0x9d: {  	[sflag:s16] =	ssyncset.done $0x0  }
0x9e: {  	[sflag:s16] =	ssyncadd.s32 $0xFFFFF800  }
0x9f: {  	_ =	swait.ge [sflag:s16], $0x800  }
0xa0: {  	[sflag:s16] =	ssyncset.done $0x0  }
0xa1: {  	[sflag:s16] =	ssyncadd.s32 $0xFFFFF800  }
0xa2: {  	_ =	swait.ge [sflag:s16], $0x800  }
0xa3: {  	[sflag:s16] =	ssyncset.done $0x0  }
0xa4: {  	[sflag:s16] =	ssyncadd.s32 $0xFFFFF800  }
0xa5: {  	_ =	swait.ge [sflag:s16], $0x800  }
0xa6: {  	[sflag:s16] =	ssyncset.done $0x0  }
0xa7: {  	[sflag:s16] =	ssyncadd.s32 $0xFFFFF800  }
0xa8: {  	_ =	swait.ge [sflag:s16], $0x800  }
0xa9: {  	[sflag:s16] =	ssyncset.done $0x0  }
0xaa: {  	[sflag:s16] =	ssyncadd.s32 $0xFFFFF800  }
0xab: {  	_ =	swait.ge [sflag:s16], $0x800  }
0xac: {  	[sflag:s16] =	ssyncset.done $0x0  }
0xad: {  	[sflag:s16] =	ssyncadd.s32 $0xFFFFF800  }
0xae: {  	_ =	swait.ge [sflag:s16], $0x800  }
0xaf: {  	[sflag:s16] =	ssyncset.done $0x0  }
0xb0: {  	[sflag:s16] =	ssyncadd.s32 $0xFFFFF800  }
0xb1: {  	_ =	swait.ge [sflag:s16], $0x800  }
0xb2: {  	p0 =	seq.s32 s19, $0x0;
	[sflag:s16] =	ssyncset.done $0x0  }
0xb3: {  	s9 =	simm.s32 @!p0 $0x3;
	[sflag:s16] =	ssyncadd.s32 $0xFFFFF800  }
0xb4: {  	_ =	swait.ge @!p0 [sflag:s9], $0x800  }
0xb5: {  	[sflag:s9] =	ssyncset.done @!p0 $0x0  }
0xb6: {  	s24 =	simm.s32 $0x0;
	[sflag:s9] =	ssyncadd.s32 @!p0 $0xFFFFF800  }
0xb7: {  	v2 =	vld [tilespmem:s24+$0x0];
	_ =	sdelay $0x4  }
0xb8: {  	v3 =	vmul.f32 v2, v0;
	_ =	sdelay $0x1  }
0xb9: {  	v3 =	vtrunc.f32 v3  }
0xba: {  	v4 =	vmov s24;
	v3 =	vcvt.f32.s32 v3  }
0xbb: {  	v4 =	vshll.u32 v4, $0x4  }
0xbc: {  	v4 =	vor.u32 v1, v4;
	v3 =	vand.u32 $0x1, v3  }
0xbd: {  	v5 =	vor.u32 v4, v3  }
0xbe: {  	v6 =	vadd.s32 $0x1, v3  }
0xbf: {  	v7 =	vor.u32 v4, v6;
	_ =	sdelay $0x1  }
0xc0: {  	v9 =	vadd.s32 $0x3, v3;
	v8 =	vor.u32 $0x2, v5  }
0xc1: {  	v11 =	vor.u32 v4, v9;
	v10 =	vld.idx.msk [tilespmem:v5+s15+$0x0], $0xffff;
	_ =	sdelay $0x1  }
0xc2: {  	v12 =	vor.u32 $0x4, v5;
	v7 =	vld.idx.msk [tilespmem:v7+s15+$0x0], $0xffff  }
0xc3: {  	v13 =	vadd.s32 $0x5, v3  }
0xc4: {  	v14 =	vor.u32 v4, v13;
	v8 =	vld.idx.msk [tilespmem:v8+s15+$0x0], $0xffff  }
0xc5: {  	v11 =	vld.idx.msk [tilespmem:v11+s15+$0x0], $0xffff;
	v10 =	vsub.f32 v2, v10  }
0xc6: {  	v15 =	vor.u32 $0x6, v5  }
0xc7: {  	v12 =	vld.idx.msk [tilespmem:v12+s15+$0x0], $0xffff;
	v7 =	vsub.f32 v2, v7;
	v10 =	vmul.f32 v10, v0;
	_ =	sdelay $0x1  }
0xc8: {  	v14 =	vld.idx.msk [tilespmem:v14+s15+$0x0], $0xffff;
	v8 =	vsub.f32 v2, v8;
	v7 =	vmul.f32 v7, v0;
	v10 =	vmul.f32 v10, v10  }
0xc9: {  	v11 =	vsub.f32 v2, v11  }
0xca: {  	v15 =	vld.idx.msk [tilespmem:v15+s15+$0x0], $0xffff;
	v8 =	vmul.f32 v8, v0;
	v7 =	vmul.f32 v7, v7;
	v10 =	vsub.f32 $0.0e+00, v10  }
0xcb: {  	v12 =	vsub.f32 v2, v12;
	v11 =	vmul.f32 v11, v0  }
0xcc: {  	v8 =	vmul.f32 v8, v8;
	v7 =	vsub.f32 $0.0e+00, v7;
	v10 =	vmul.f32 $1.442695020e+00, v10  }
0xcd: {  	v14 =	vsub.f32 v2, v14;
	v12 =	vmul.f32 v12, v0;
	v11 =	vmul.f32 v11, v11  }
0xce: {  	v8 =	vsub.f32 $0.0e+00, v8;
	v7 =	vmul.f32 $1.442695020e+00, v7;
	(erf) = vpow2.f32 v10  }
0xcf: {  	v2 =	vsub.f32 v2, v15;
	v47 =	vmul.f32 v14, v0;
	v46 =	vmul.f32 v12, v12  }
0xd0: {  	v11 =	vsub.f32 $0.0e+00, v11;
	v8 =	vmul.f32 $1.442695020e+00, v8;
	(erf) = vpow2.f32 v7  }
0xd1: {  	v4 =	vor.u32 $0x8, v4;
	v2 =	vmul.f32 v2, v0;
	v48 =	vmul.f32 v47, v47  }
0xd2: {  	v11 =	vmul.f32 $1.442695020e+00, v11;
	v10 =	vsub.f32 $0.0e+00, v46;
	(erf) = vpow2.f32 v8  }
0xd3: {  	v3 =	vor.u32 v4, v3;
	v2 =	vmul.f32 v2, v2  }
0xd4: {  	v7 =	vsub.f32 $0.0e+00, v48;
	v49 =	vmul.f32 $1.442695020e+00, v10;
	(erf) = vpow2.f32 v11  }
0xd5: {  	v6 =	vor.u32 v4, v6  }
0xd6: {  	v2 =	vsub.f32 $0.0e+00, v2;
	v7 =	vmul.f32 $1.442695020e+00, v7;
	(erf) = vpow2.f32 v49  }
0xd7: {  	v50 =	vor.u32 $0xA, v5;
	v51 =	vpop (erf)  }
0xd8: {  	v2 =	vmul.f32 $1.442695020e+00, v2;
	(erf) = vpow2.f32 v7;
	v52 =	vadd.f32 $0.0e+00, v51  }
0xd9: {  	v3 =	vld.idx.msk [tilespmem:v3+s15+$0x0], $0xffff;
	v53 =	vpop (erf)  }
0xda: {  	v9 =	vor.u32 v4, v9;
	(erf) = vpow2.f32 v2;
	v11 =	vadd.f32 v53, v52  }
0xdb: {  	v2 =	vld.idx.msk [tilespmem:v6+s15+$0x0], $0xffff;
	v54 =	vpop (erf)  }
0xdc: {  	v55 =	vor.u32 $0xC, v5;
	v11 =	vadd.f32 v54, v11  }
0xdd: {  	v8 =	vld.idx.msk [tilespmem:v50+s15+$0x0], $0xffff;
	v56 =	vpop (erf)  }
0xde: {  	v4 =	vor.u32 v4, v13;
	v3 =	vmul.f32 v51, v3;
	v57 =	vadd.f32 v56, v11  }
0xdf: {  	v5 =	vor.u32 $0xE, v5;
	v9 =	vld.idx.msk [tilespmem:v9+s15+$0x0], $0xffff;
	v58 =	vpop (erf)  }
0xe0: {  	v3 =	vadd.f32 $0.0e+00, v3;
	v2 =	vmul.f32 v53, v2;
	v59 =	vadd.f32 v58, v57  }
0xe1: {  	v60 =	vld.idx.msk [tilespmem:v55+s15+$0x0], $0xffff;
	v61 =	vpop (erf)  }
0xe2: {  	v2 =	vadd.f32 v2, v3;
	v3 =	vmul.f32 v54, v8;
	v62 =	vadd.f32 v61, v59  }
0xe3: {  	v4 =	vld.idx.msk [tilespmem:v4+s15+$0x0], $0xffff;
	v63 =	vpop (erf)  }
0xe4: {  	v2 =	vadd.f32 v3, v2;
	v3 =	vmul.f32 v56, v9;
	v6 =	vadd.f32 v63, v62  }
0xe5: {  	v5 =	vld.idx.msk [tilespmem:v5+s15+$0x0], $0xffff  }
0xe6: {  	v2 =	vadd.f32 v3, v2;
	v3 =	vmul.f32 v58, v60;
	(erf) = vrcp.f32 v6;
	_ =	sdelay $0x1  }
0xe7: {  	v2 =	vadd.f32 v3, v2;
	v3 =	vmul.f32 v61, v4;
	_ =	sdelay $0x1  }
0xe8: {  	v2 =	vadd.f32 v3, v2;
	v3 =	vmul.f32 v63, v5;
	_ =	sdelay $0x1  }
0xe9: {  	v2 =	vadd.f32 v3, v2;
	_ =	sdelay $0x1  }
0xea: {  	v2 =	vmul.f32 $5.641896130e-01, v2  }
0xeb: {  	v3 =	vpop (erf)  }
0xec: {  	v2 =	vmul.f32 v2, v3  }
0xed: {  	s21 =	simm.s32 $0x12000  }
0xee: {  	s22 =	simm.s32 $0x10;
	[tilespmem:s21+$0x0] =	vst v2  }
0xef: {  	s20 =	sshll.u32 s19, $0xC;
	s23 =	simm.s32 $0x20;
	s24 =	simm.s32 $0x10;
	v2 =	vld [tilespmem:s22+$0x0]  }
.LBB2_7:
0xf0: {  	p1 =	sne.s32 s23, $0x7F0;
	_ =	sdelay $0x3  }
0xf1: {  	v3 =	vmul.f32 v2, v0;
	_ =	sdelay $0x1  }
0xf2: {  	v3 =	vtrunc.f32 v3  }
0xf3: {  	v4 =	vmov s22;
	s22 =	smov.u32 s23;
	v3 =	vcvt.f32.s32 v3  }
0xf4: {  	v4 =	vshll.u32 v4, $0x4  }
0xf5: {  	v4 =	vor.u32 v1, v4;
	v3 =	vand.u32 $0x1, v3  }
0xf6: {  	v5 =	vor.u32 v4, v3  }
0xf7: {  	v6 =	vadd.s32 $0x1, v3  }
0xf8: {  	v7 =	vor.u32 v4, v6;
	_ =	sdelay $0x1  }
0xf9: {  	v9 =	vadd.s32 $0x3, v3;
	v8 =	vor.u32 $0x2, v5  }
0xfa: {  	v11 =	vor.u32 v4, v9;
	v10 =	vld.idx.msk [tilespmem:v5+s15+$0x0], $0xffff;
	_ =	sdelay $0x1  }
0xfb: {  	v12 =	vor.u32 $0x4, v5;
	v7 =	vld.idx.msk [tilespmem:v7+s15+$0x0], $0xffff  }
0xfc: {  	v13 =	vadd.s32 $0x5, v3  }
0xfd: {  	v14 =	vor.u32 v4, v13;
	v8 =	vld.idx.msk [tilespmem:v8+s15+$0x0], $0xffff  }
0xfe: {  	v11 =	vld.idx.msk [tilespmem:v11+s15+$0x0], $0xffff  }
0xff: {  	v15 =	vor.u32 $0x6, v5;
	v10 =	vsub.f32 v2, v10  }
0x100: {  	v12 =	vld.idx.msk [tilespmem:v12+s15+$0x0], $0xffff  }
0x101: {  	v10 =	vmul.f32 v10, v0;
	v7 =	vsub.f32 v2, v7  }
0x102: {  	v14 =	vld.idx.msk [tilespmem:v14+s15+$0x0], $0xffff  }
0x103: {  	v10 =	vmul.f32 v10, v10;
	v7 =	vmul.f32 v7, v0;
	v8 =	vsub.f32 v2, v8  }
0x104: {  	v11 =	vsub.f32 v2, v11;
	v15 =	vld.idx.msk [tilespmem:v15+s15+$0x0], $0xffff  }
0x105: {  	v10 =	vsub.f32 $0.0e+00, v10;
	v7 =	vmul.f32 v7, v7;
	v8 =	vmul.f32 v8, v0  }
0x106: {  	v11 =	vmul.f32 v11, v0;
	v12 =	vsub.f32 v2, v12  }
0x107: {  	v10 =	vmul.f32 $1.442695020e+00, v10;
	v7 =	vsub.f32 $0.0e+00, v7;
	v8 =	vmul.f32 v8, v8  }
0x108: {  	v11 =	vmul.f32 v11, v11;
	v12 =	vmul.f32 v12, v0;
	v14 =	vsub.f32 v2, v14  }
0x109: {  	v7 =	vmul.f32 $1.442695020e+00, v7;
	v8 =	vsub.f32 $0.0e+00, v8;
	(erf) = vpow2.f32 v10  }
0x10a: {  	v10 =	vmul.f32 v12, v12;
	v12 =	vmul.f32 v14, v0;
	v2 =	vsub.f32 v2, v15  }
0x10b: {  	v11 =	vsub.f32 $0.0e+00, v11;
	v8 =	vmul.f32 $1.442695020e+00, v8;
	(erf) = vpow2.f32 v7  }
0x10c: {  	v4 =	vor.u32 $0x8, v4;
	v7 =	vmul.f32 v12, v12;
	v2 =	vmul.f32 v2, v0  }
0x10d: {  	v11 =	vmul.f32 $1.442695020e+00, v11;
	v10 =	vsub.f32 $0.0e+00, v10;
	(erf) = vpow2.f32 v8  }
0x10e: {  	v3 =	vor.u32 v4, v3;
	v2 =	vmul.f32 v2, v2  }
0x10f: {  	v8 =	vmul.f32 $1.442695020e+00, v10;
	v7 =	vsub.f32 $0.0e+00, v7;
	(erf) = vpow2.f32 v11  }
0x110: {  	v6 =	vor.u32 v4, v6  }
0x111: {  	v7 =	vmul.f32 $1.442695020e+00, v7;
	v2 =	vsub.f32 $0.0e+00, v2;
	(erf) = vpow2.f32 v8  }
0x112: {  	v8 =	vor.u32 $0xA, v5;
	v10 =	vpop (erf)  }
0x113: {  	v2 =	vmul.f32 $1.442695020e+00, v2;
	v3 =	vld.idx.msk [tilespmem:v3+s15+$0x0], $0xffff;
	v11 =	vadd.f32 $0.0e+00, v10;
	(erf) = vpow2.f32 v7  }
0x114: {  	v7 =	vor.u32 v4, v9;
	v9 =	vpop (erf)  }
0x115: {  	v6 =	vld.idx.msk [tilespmem:v6+s15+$0x0], $0xffff;
	v11 =	vadd.f32 v9, v11;
	(erf) = vpow2.f32 v2  }
0x116: {  	v2 =	vor.u32 $0xC, v5;
	v12 =	vpop (erf)  }
0x117: {  	v8 =	vld.idx.msk [tilespmem:v8+s15+$0x0], $0xffff;
	v14 =	vadd.f32 v12, v11  }
0x118: {  	v4 =	vor.u32 v4, v13;
	v13 =	vpop (erf)  }
0x119: {  	v3 =	vmul.f32 v10, v3;
	v7 =	vld.idx.msk [tilespmem:v7+s15+$0x0], $0xffff;
	v14 =	vadd.f32 v13, v14  }
0x11a: {  	v5 =	vor.u32 $0xE, v5;
	v11 =	vpop (erf)  }
0x11b: {  	v3 =	vadd.f32 $0.0e+00, v3;
	v6 =	vmul.f32 v9, v6;
	v2 =	vld.idx.msk [tilespmem:v2+s15+$0x0], $0xffff;
	v14 =	vadd.f32 v11, v14  }
0x11c: {  	v10 =	vpop (erf)  }
0x11d: {  	v3 =	vadd.f32 v6, v3;
	v6 =	vmul.f32 v12, v8;
	v4 =	vld.idx.msk [tilespmem:v4+s15+$0x0], $0xffff;
	v8 =	vadd.f32 v10, v14  }
0x11e: {  	v9 =	vpop (erf)  }
0x11f: {  	v3 =	vadd.f32 v6, v3;
	v6 =	vmul.f32 v13, v7;
	v5 =	vld.idx.msk [tilespmem:v5+s15+$0x0], $0xffff;
	v7 =	vadd.f32 v9, v8;
	_ =	sdelay $0x1  }
0x120: {  	v3 =	vadd.f32 v6, v3;
	v2 =	vmul.f32 v11, v2;
	(erf) = vrcp.f32 v7;
	_ =	sdelay $0x1  }
0x121: {  	v2 =	vadd.f32 v2, v3;
	v3 =	vmul.f32 v10, v4;
	_ =	sdelay $0x1  }
0x122: {  	v2 =	vadd.f32 v3, v2;
	v3 =	vmul.f32 v9, v5;
	_ =	sdelay $0x1  }
0x123: {  	v2 =	vadd.f32 v3, v2;
	_ =	sdelay $0x1  }
0x124: {  	v2 =	vmul.f32 $5.641896130e-01, v2  }
.Ltmp4:
0x125: {  	v3 =	vpop (erf);
	(pc) =	sbr.rel @p1 .LBB2_7-.Ltmp4, $4  }
0x126: {  	v2 =	vmul.f32 v2, v3  }
0x127: {  	s21 =	sadd.s32 $0x10, s21  }
0x128: {  	s24 =	sadd.s32 $0x10, s24;
	[tilespmem:s21+$0x0] =	vst v2  }
0x129: {  	s23 =	sadd.s32 $0x10, s23;
	v2 =	vld [tilespmem:s24+$0x0]  }
0x12a: {  	_ =	sdelay $0x3  }
0x12b: {  	v3 =	vmul.f32 v2, v0;
	_ =	sdelay $0x1  }
0x12c: {  	v3 =	vtrunc.f32 v3  }
0x12d: {  	v4 =	vmov s22;
	v3 =	vcvt.f32.s32 v3  }
0x12e: {  	v4 =	vshll.u32 v4, $0x4  }
0x12f: {  	v4 =	vor.u32 v1, v4;
	v3 =	vand.u32 $0x1, v3  }
0x130: {  	v5 =	vor.u32 v4, v3  }
0x131: {  	v6 =	vadd.s32 $0x1, v3  }
0x132: {  	v7 =	vor.u32 v4, v6;
	_ =	sdelay $0x1  }
0x133: {  	v9 =	vadd.s32 $0x3, v3;
	v8 =	vor.u32 $0x2, v5  }
0x134: {  	v11 =	vor.u32 v4, v9;
	v10 =	vld.idx.msk [tilespmem:v5+s15+$0x0], $0xffff;
	_ =	sdelay $0x1  }
0x135: {  	v12 =	vor.u32 $0x4, v5;
	v7 =	vld.idx.msk [tilespmem:v7+s15+$0x0], $0xffff  }
0x136: {  	v13 =	vadd.s32 $0x5, v3  }
0x137: {  	v14 =	vor.u32 v4, v13;
	v8 =	vld.idx.msk [tilespmem:v8+s15+$0x0], $0xffff  }
0x138: {  	v11 =	vld.idx.msk [tilespmem:v11+s15+$0x0], $0xffff;
	v10 =	vsub.f32 v2, v10  }
0x139: {  	v15 =	vor.u32 $0x6, v5  }
0x13a: {  	v12 =	vld.idx.msk [tilespmem:v12+s15+$0x0], $0xffff;
	v7 =	vsub.f32 v2, v7;
	v10 =	vmul.f32 v10, v0;
	_ =	sdelay $0x1  }
0x13b: {  	v14 =	vld.idx.msk [tilespmem:v14+s15+$0x0], $0xffff;
	v8 =	vsub.f32 v2, v8;
	v7 =	vmul.f32 v7, v0;
	v10 =	vmul.f32 v10, v10  }
0x13c: {  	v11 =	vsub.f32 v2, v11  }
0x13d: {  	v15 =	vld.idx.msk [tilespmem:v15+s15+$0x0], $0xffff;
	v8 =	vmul.f32 v8, v0;
	v7 =	vmul.f32 v7, v7;
	v10 =	vsub.f32 $0.0e+00, v10  }
0x13e: {  	v12 =	vsub.f32 v2, v12;
	v11 =	vmul.f32 v11, v0  }
0x13f: {  	v8 =	vmul.f32 v8, v8;
	v7 =	vsub.f32 $0.0e+00, v7;
	v10 =	vmul.f32 $1.442695020e+00, v10  }
0x140: {  	v14 =	vsub.f32 v2, v14;
	v12 =	vmul.f32 v12, v0;
	v11 =	vmul.f32 v11, v11  }
0x141: {  	v8 =	vsub.f32 $0.0e+00, v8;
	v7 =	vmul.f32 $1.442695020e+00, v7;
	(erf) = vpow2.f32 v10  }
0x142: {  	v2 =	vsub.f32 v2, v15;
	v47 =	vmul.f32 v14, v0;
	v46 =	vmul.f32 v12, v12  }
0x143: {  	v11 =	vsub.f32 $0.0e+00, v11;
	v8 =	vmul.f32 $1.442695020e+00, v8;
	(erf) = vpow2.f32 v7  }
0x144: {  	v4 =	vor.u32 $0x8, v4;
	v2 =	vmul.f32 v2, v0;
	v48 =	vmul.f32 v47, v47  }
0x145: {  	v11 =	vmul.f32 $1.442695020e+00, v11;
	v10 =	vsub.f32 $0.0e+00, v46;
	(erf) = vpow2.f32 v8  }
0x146: {  	v3 =	vor.u32 v4, v3;
	v2 =	vmul.f32 v2, v2  }
0x147: {  	v7 =	vsub.f32 $0.0e+00, v48;
	v49 =	vmul.f32 $1.442695020e+00, v10;
	(erf) = vpow2.f32 v11  }
0x148: {  	v6 =	vor.u32 v4, v6  }
0x149: {  	v2 =	vsub.f32 $0.0e+00, v2;
	v7 =	vmul.f32 $1.442695020e+00, v7;
	(erf) = vpow2.f32 v49  }
0x14a: {  	v50 =	vor.u32 $0xA, v5;
	v51 =	vpop (erf)  }
0x14b: {  	v2 =	vmul.f32 $1.442695020e+00, v2;
	(erf) = vpow2.f32 v7;
	v52 =	vadd.f32 $0.0e+00, v51  }
0x14c: {  	v3 =	vld.idx.msk [tilespmem:v3+s15+$0x0], $0xffff;
	v53 =	vpop (erf)  }
0x14d: {  	v9 =	vor.u32 v4, v9;
	(erf) = vpow2.f32 v2;
	v11 =	vadd.f32 v53, v52  }
0x14e: {  	v2 =	vld.idx.msk [tilespmem:v6+s15+$0x0], $0xffff;
	v54 =	vpop (erf)  }
0x14f: {  	v55 =	vor.u32 $0xC, v5;
	v11 =	vadd.f32 v54, v11  }
0x150: {  	v8 =	vld.idx.msk [tilespmem:v50+s15+$0x0], $0xffff;
	v56 =	vpop (erf)  }
0x151: {  	v4 =	vor.u32 v4, v13;
	v3 =	vmul.f32 v51, v3;
	v57 =	vadd.f32 v56, v11  }
0x152: {  	v5 =	vor.u32 $0xE, v5;
	v9 =	vld.idx.msk [tilespmem:v9+s15+$0x0], $0xffff;
	v58 =	vpop (erf)  }
0x153: {  	v3 =	vadd.f32 $0.0e+00, v3;
	v2 =	vmul.f32 v53, v2;
	v59 =	vadd.f32 v58, v57  }
0x154: {  	v60 =	vld.idx.msk [tilespmem:v55+s15+$0x0], $0xffff;
	v61 =	vpop (erf)  }
0x155: {  	v2 =	vadd.f32 v2, v3;
	v3 =	vmul.f32 v54, v8;
	v62 =	vadd.f32 v61, v59  }
0x156: {  	v4 =	vld.idx.msk [tilespmem:v4+s15+$0x0], $0xffff;
	v63 =	vpop (erf)  }
0x157: {  	v2 =	vadd.f32 v3, v2;
	v3 =	vmul.f32 v56, v9;
	v6 =	vadd.f32 v63, v62  }
0x158: {  	v5 =	vld.idx.msk [tilespmem:v5+s15+$0x0], $0xffff  }
0x159: {  	v2 =	vadd.f32 v3, v2;
	v3 =	vmul.f32 v58, v60;
	(erf) = vrcp.f32 v6;
	_ =	sdelay $0x1  }
0x15a: {  	v2 =	vadd.f32 v3, v2;
	v3 =	vmul.f32 v61, v4;
	_ =	sdelay $0x1  }
0x15b: {  	v2 =	vadd.f32 v3, v2;
	v3 =	vmul.f32 v63, v5;
	_ =	sdelay $0x1  }
0x15c: {  	v2 =	vadd.f32 v3, v2;
	_ =	sdelay $0x1  }
0x15d: {  	p1 =	seq.s32 s19, $0x1F;
	v2 =	vmul.f32 $5.641896130e-01, v2  }
.Ltmp5:
0x15e: {  	v3 =	vpop (erf);
	(pc) =	sbr.rel @p1 .LBB2_12-.Ltmp5, $4  }
0x15f: {  	s9 =	sor.u32 s5, s20;
	v2 =	vmul.f32 v2, v3  }
0x160: {  	s24 =	sadd.s32 $0x10, s21;
	s21 =	sshrl.u32 s9, $0x3  }
0x161: {  	s9 =	sadd.s32 s3, s21;
	[tilespmem:s24+$0x0] =	vst v2  }
0x162: {  	[hbm4b:s9+s4] =	stream.linear.scatter [tilespmem:s17], [sflag:$0x3], $0x800, $0x38;
	[tilespmem:$0x13000] =	vst v63  }
0x163: {  	s9 =	rddreg [dreg:$0x6]  }
0x164: {  	s9 =	sadd.s32 s20, s9  }
0x165: {  	s9 =	sshrl.u32 s9, $0x3  }
0x166: {  	s22 =	simm.s32 $0x0;
	s9 =	sadd.s32 s1, s9  }
0x167: {  	[tilespmem:s22], [sflag:$0x1] =	stream.linear.gather [hbm4b:s9+s22], $0x800, $0x38;
	[tilespmem:$0x13000] =	vst v63  }
0x168: {  	_ =	swait.ge [sflag:s12], $0x800  }
0x169: {  	[sflag:s12] =	ssyncset.done $0x0  }
0x16a: {  	s9 =	simm.s32 $0x0;
	[sflag:s12] =	ssyncadd.s32 $0xFFFFF800  }
0x16b: {  	v2 =	vld [tilespmem:s9+$0x0];
	_ =	sdelay $0x4  }
0x16c: {  	v2 =	vmul.f32 v2, v0;
	_ =	sdelay $0x1  }
0x16d: {  	s22 =	simm.s32 $0x10;
	v2 =	vtrunc.f32 v2  }
0x16e: {  	v3 =	vcvt.f32.s32 v2;
	v2 =	vld [tilespmem:s22+$0x0];
	_ =	sdelay $0x3  }
0x16f: {  	s23 =	simm.s32 $0x80;
	v3 =	vshra.s32 v3, $0x1  }
.LBB2_10:
0x170: {  	s24 =	sshra.s32 s23, $0x2;
	p2 =	sne.s32 s23, $0x1FC0;
	s23 =	sadd.s32 $0x40, s23;
	v4 =	vmul.f32 v2, v0;
	[tilespmem:s9+$0x1000] =	vst v3  }
.Ltmp6:
0x171: {  	s9 =	smov.u32 s22;
	v2 =	vld [tilespmem:s24+$0x0];
	s22 =	smov.u32 s24;
	(pc) =	sbr.rel @p2 .LBB2_10-.Ltmp6, $3  }
0x172: {  	v3 =	vtrunc.f32 v4  }
0x173: {  	v3 =	vcvt.f32.s32 v3;
	_ =	sdelay $0x1  }
0x174: {  	v3 =	vshra.s32 v3, $0x1  }
0x175: {  	v2 =	vmul.f32 v2, v0;
	_ =	sdelay $0x1  }
0x176: {  	v2 =	vtrunc.f32 v2  }
0x177: {  	v2 =	vcvt.f32.s32 v2;
	_ =	sdelay $0x1  }
0x178: {  	[tilespmem:s9+$0x1000] =	vst v3;
	v2 =	vshra.s32 v2, $0x1  }
0x179: {  	[tilespmem:s22+$0x1000] =	vst v2;
	s22 =	simm.s32 $0x1000  }
0x17a: {  	[tilespmem:s15], [sflag:$0x2] =	stream.indirect.gather [hbm4b:s7+s13], $0x10, s22, s13, $0xb8;
	[tilespmem:$0x13000] =	vst v63  }
0x17b: {  	s23 =	simm.s32 $0x1080;
	s24 =	simm.s32 $0x2800  }
0x17c: {  	[tilespmem:s24], [sflag:$0x2] =	stream.indirect.gather [hbm4b:s7+s13], $0x10, s23, s13, $0xb8;
	[tilespmem:$0x13000] =	vst v63  }
0x17d: {  	s23 =	simm.s32 $0x1100;
	s24 =	simm.s32 $0x3000  }
0x17e: {  	[tilespmem:s24], [sflag:$0x2] =	stream.indirect.gather [hbm4b:s7+s13], $0x10, s23, s13, $0xb8;
	[tilespmem:$0x13000] =	vst v63  }
0x17f: {  	s23 =	simm.s32 $0x1180;
	s24 =	simm.s32 $0x3800  }
0x180: {  	[tilespmem:s24], [sflag:$0x2] =	stream.indirect.gather [hbm4b:s7+s13], $0x10, s23, s13, $0xb8;
	[tilespmem:$0x13000] =	vst v63  }
0x181: {  	s23 =	simm.s32 $0x1200;
	s24 =	simm.s32 $0x4000  }
0x182: {  	[tilespmem:s24], [sflag:$0x2] =	stream.indirect.gather [hbm4b:s7+s13], $0x10, s23, s13, $0xb8;
	[tilespmem:$0x13000] =	vst v63  }
0x183: {  	s23 =	simm.s32 $0x1280;
	s24 =	simm.s32 $0x4800  }
0x184: {  	[tilespmem:s24], [sflag:$0x2] =	stream.indirect.gather [hbm4b:s7+s13], $0x10, s23, s13, $0xb8;
	[tilespmem:$0x13000] =	vst v63  }
0x185: {  	s23 =	simm.s32 $0x1300;
	s24 =	simm.s32 $0x5000  }
0x186: {  	[tilespmem:s24], [sflag:$0x2] =	stream.indirect.gather [hbm4b:s7+s13], $0x10, s23, s13, $0xb8;
	[tilespmem:$0x13000] =	vst v63  }
0x187: {  	s23 =	simm.s32 $0x1380;
	s24 =	simm.s32 $0x5800  }
0x188: {  	[tilespmem:s24], [sflag:$0x2] =	stream.indirect.gather [hbm4b:s7+s13], $0x10, s23, s13, $0xb8;
	[tilespmem:$0x13000] =	vst v63  }
0x189: {  	s23 =	simm.s32 $0x1400;
	s24 =	simm.s32 $0x6000  }
0x18a: {  	[tilespmem:s24], [sflag:$0x2] =	stream.indirect.gather [hbm4b:s7+s13], $0x10, s23, s13, $0xb8;
	[tilespmem:$0x13000] =	vst v63  }
0x18b: {  	s23 =	simm.s32 $0x1480;
	s24 =	simm.s32 $0x6800  }
0x18c: {  	[tilespmem:s24], [sflag:$0x2] =	stream.indirect.gather [hbm4b:s7+s13], $0x10, s23, s13, $0xb8;
	[tilespmem:$0x13000] =	vst v63  }
0x18d: {  	s23 =	simm.s32 $0x1500;
	s24 =	simm.s32 $0x7000  }
0x18e: {  	[tilespmem:s24], [sflag:$0x2] =	stream.indirect.gather [hbm4b:s7+s13], $0x10, s23, s13, $0xb8;
	[tilespmem:$0x13000] =	vst v63  }
0x18f: {  	s23 =	simm.s32 $0x1580;
	s24 =	simm.s32 $0x7800  }
0x190: {  	[tilespmem:s24], [sflag:$0x2] =	stream.indirect.gather [hbm4b:s7+s13], $0x10, s23, s13, $0xb8;
	[tilespmem:$0x13000] =	vst v63  }
0x191: {  	s23 =	simm.s32 $0x1600;
	s24 =	simm.s32 $0x8000  }
0x192: {  	[tilespmem:s24], [sflag:$0x2] =	stream.indirect.gather [hbm4b:s7+s13], $0x10, s23, s13, $0xb8;
	[tilespmem:$0x13000] =	vst v63  }
0x193: {  	s23 =	simm.s32 $0x1680;
	s24 =	simm.s32 $0x8800  }
0x194: {  	[tilespmem:s24], [sflag:$0x2] =	stream.indirect.gather [hbm4b:s7+s13], $0x10, s23, s13, $0xb8;
	[tilespmem:$0x13000] =	vst v63  }
0x195: {  	s23 =	simm.s32 $0x1700;
	s24 =	simm.s32 $0x9000  }
0x196: {  	[tilespmem:s24], [sflag:$0x2] =	stream.indirect.gather [hbm4b:s7+s13], $0x10, s23, s13, $0xb8;
	[tilespmem:$0x13000] =	vst v63  }
0x197: {  	s23 =	simm.s32 $0x1780;
	s24 =	simm.s32 $0x9800  }
0x198: {  	[tilespmem:s24], [sflag:$0x2] =	stream.indirect.gather [hbm4b:s7+s13], $0x10, s23, s13, $0xb8;
	[tilespmem:$0x13000] =	vst v63  }
.LBB2_12:
0x199: {  	_ =	swait.ge [sflag:s16], $0x800  }
0x19a: {  	[sflag:s16] =	ssyncset.done $0x0  }
0x19b: {  	[sflag:s16] =	ssyncadd.s32 $0xFFFFF800  }
0x19c: {  	_ =	swait.ge [sflag:s16], $0x800  }
0x19d: {  	[sflag:s16] =	ssyncset.done $0x0  }
0x19e: {  	[sflag:s16] =	ssyncadd.s32 $0xFFFFF800  }
0x19f: {  	_ =	swait.ge [sflag:s16], $0x800  }
0x1a0: {  	[sflag:s16] =	ssyncset.done $0x0  }
0x1a1: {  	[sflag:s16] =	ssyncadd.s32 $0xFFFFF800  }
0x1a2: {  	_ =	swait.ge [sflag:s16], $0x800  }
0x1a3: {  	[sflag:s16] =	ssyncset.done $0x0  }
0x1a4: {  	[sflag:s16] =	ssyncadd.s32 $0xFFFFF800  }
0x1a5: {  	_ =	swait.ge [sflag:s16], $0x800  }
0x1a6: {  	[sflag:s16] =	ssyncset.done $0x0  }
0x1a7: {  	[sflag:s16] =	ssyncadd.s32 $0xFFFFF800  }
0x1a8: {  	_ =	swait.ge [sflag:s16], $0x800  }
0x1a9: {  	[sflag:s16] =	ssyncset.done $0x0  }
0x1aa: {  	[sflag:s16] =	ssyncadd.s32 $0xFFFFF800  }
0x1ab: {  	_ =	swait.ge [sflag:s16], $0x800  }
0x1ac: {  	[sflag:s16] =	ssyncset.done $0x0  }
0x1ad: {  	[sflag:s16] =	ssyncadd.s32 $0xFFFFF800  }
0x1ae: {  	_ =	swait.ge [sflag:s16], $0x800  }
0x1af: {  	[sflag:s16] =	ssyncset.done $0x0  }
0x1b0: {  	[sflag:s16] =	ssyncadd.s32 $0xFFFFF800  }
0x1b1: {  	_ =	swait.ge [sflag:s16], $0x800  }
0x1b2: {  	[sflag:s16] =	ssyncset.done $0x0  }
0x1b3: {  	[sflag:s16] =	ssyncadd.s32 $0xFFFFF800  }
0x1b4: {  	_ =	swait.ge [sflag:s16], $0x800  }
0x1b5: {  	[sflag:s16] =	ssyncset.done $0x0  }
0x1b6: {  	[sflag:s16] =	ssyncadd.s32 $0xFFFFF800  }
0x1b7: {  	_ =	swait.ge [sflag:s16], $0x800  }
0x1b8: {  	[sflag:s16] =	ssyncset.done $0x0  }
0x1b9: {  	[sflag:s16] =	ssyncadd.s32 $0xFFFFF800  }
0x1ba: {  	_ =	swait.ge [sflag:s16], $0x800  }
0x1bb: {  	[sflag:s16] =	ssyncset.done $0x0  }
0x1bc: {  	[sflag:s16] =	ssyncadd.s32 $0xFFFFF800  }
0x1bd: {  	_ =	swait.ge [sflag:s16], $0x800  }
0x1be: {  	[sflag:s16] =	ssyncset.done $0x0  }
0x1bf: {  	[sflag:s16] =	ssyncadd.s32 $0xFFFFF800  }
0x1c0: {  	_ =	swait.ge [sflag:s16], $0x800  }
0x1c1: {  	[sflag:s16] =	ssyncset.done $0x0  }
0x1c2: {  	[sflag:s16] =	ssyncadd.s32 $0xFFFFF800  }
0x1c3: {  	_ =	swait.ge [sflag:s16], $0x800  }
0x1c4: {  	[sflag:s16] =	ssyncset.done $0x0  }
0x1c5: {  	[sflag:s16] =	ssyncadd.s32 $0xFFFFF800  }
0x1c6: {  	_ =	swait.ge [sflag:s16], $0x800  }
0x1c7: {  	[sflag:s16] =	ssyncset.done $0x0  }
0x1c8: {  	s9 =	simm.s32 @!p0 $0x3;
	[sflag:s16] =	ssyncadd.s32 $0xFFFFF800  }
0x1c9: {  	_ =	swait.ge @!p0 [sflag:s9], $0x800  }
0x1ca: {  	[sflag:s9] =	ssyncset.done @!p0 $0x0  }
0x1cb: {  	s23 =	simm.s32 $0x800;
	[sflag:s9] =	ssyncadd.s32 @!p0 $0xFFFFF800  }
0x1cc: {  	v2 =	vld [tilespmem:s23+$0x0];
	_ =	sdelay $0x4  }
0x1cd: {  	v3 =	vmul.f32 v2, v0;
	_ =	sdelay $0x1  }
0x1ce: {  	s24 =	simm.s32 $0x0;
	v3 =	vtrunc.f32 v3  }
0x1cf: {  	v4 =	vmov s24;
	v3 =	vcvt.f32.s32 v3  }
0x1d0: {  	v4 =	vshll.u32 v4, $0x4  }
0x1d1: {  	v4 =	vor.u32 v1, v4;
	v3 =	vand.u32 $0x1, v3  }
0x1d2: {  	v5 =	vor.u32 v4, v3  }
0x1d3: {  	v6 =	vadd.s32 $0x1, v3  }
0x1d4: {  	v7 =	vor.u32 v4, v6;
	_ =	sdelay $0x1  }
0x1d5: {  	v9 =	vadd.s32 $0x3, v3;
	v8 =	vor.u32 $0x2, v5  }
0x1d6: {  	v11 =	vor.u32 v4, v9;
	v10 =	vld.idx.msk [tilespmem:v5+s28+$0x0], $0xffff;
	_ =	sdelay $0x1  }
0x1d7: {  	v12 =	vor.u32 $0x4, v5;
	v7 =	vld.idx.msk [tilespmem:v7+s28+$0x0], $0xffff  }
0x1d8: {  	v13 =	vadd.s32 $0x5, v3  }
0x1d9: {  	v14 =	vor.u32 v4, v13;
	v8 =	vld.idx.msk [tilespmem:v8+s28+$0x0], $0xffff  }
0x1da: {  	v11 =	vld.idx.msk [tilespmem:v11+s28+$0x0], $0xffff;
	v10 =	vsub.f32 v2, v10  }
0x1db: {  	v15 =	vor.u32 $0x6, v5  }
0x1dc: {  	v12 =	vld.idx.msk [tilespmem:v12+s28+$0x0], $0xffff;
	v7 =	vsub.f32 v2, v7;
	v10 =	vmul.f32 v10, v0;
	_ =	sdelay $0x1  }
0x1dd: {  	v14 =	vld.idx.msk [tilespmem:v14+s28+$0x0], $0xffff;
	v8 =	vsub.f32 v2, v8;
	v7 =	vmul.f32 v7, v0;
	v10 =	vmul.f32 v10, v10  }
0x1de: {  	v11 =	vsub.f32 v2, v11  }
0x1df: {  	v15 =	vld.idx.msk [tilespmem:v15+s28+$0x0], $0xffff;
	v8 =	vmul.f32 v8, v0;
	v7 =	vmul.f32 v7, v7;
	v10 =	vsub.f32 $0.0e+00, v10  }
0x1e0: {  	v12 =	vsub.f32 v2, v12;
	v11 =	vmul.f32 v11, v0  }
0x1e1: {  	v8 =	vmul.f32 v8, v8;
	v7 =	vsub.f32 $0.0e+00, v7;
	v10 =	vmul.f32 $1.442695020e+00, v10  }
0x1e2: {  	v14 =	vsub.f32 v2, v14;
	v12 =	vmul.f32 v12, v0;
	v11 =	vmul.f32 v11, v11  }
0x1e3: {  	v8 =	vsub.f32 $0.0e+00, v8;
	v7 =	vmul.f32 $1.442695020e+00, v7;
	(erf) = vpow2.f32 v10  }
0x1e4: {  	v2 =	vsub.f32 v2, v15;
	v47 =	vmul.f32 v14, v0;
	v46 =	vmul.f32 v12, v12  }
0x1e5: {  	v11 =	vsub.f32 $0.0e+00, v11;
	v8 =	vmul.f32 $1.442695020e+00, v8;
	(erf) = vpow2.f32 v7  }
0x1e6: {  	v4 =	vor.u32 $0x8, v4;
	v2 =	vmul.f32 v2, v0;
	v48 =	vmul.f32 v47, v47  }
0x1e7: {  	v11 =	vmul.f32 $1.442695020e+00, v11;
	v10 =	vsub.f32 $0.0e+00, v46;
	(erf) = vpow2.f32 v8  }
0x1e8: {  	v3 =	vor.u32 v4, v3;
	v2 =	vmul.f32 v2, v2  }
0x1e9: {  	v7 =	vsub.f32 $0.0e+00, v48;
	v49 =	vmul.f32 $1.442695020e+00, v10;
	(erf) = vpow2.f32 v11  }
0x1ea: {  	v6 =	vor.u32 v4, v6  }
0x1eb: {  	v2 =	vsub.f32 $0.0e+00, v2;
	v7 =	vmul.f32 $1.442695020e+00, v7;
	(erf) = vpow2.f32 v49  }
0x1ec: {  	v50 =	vor.u32 $0xA, v5;
	v51 =	vpop (erf)  }
0x1ed: {  	v2 =	vmul.f32 $1.442695020e+00, v2;
	(erf) = vpow2.f32 v7;
	v52 =	vadd.f32 $0.0e+00, v51  }
0x1ee: {  	v3 =	vld.idx.msk [tilespmem:v3+s28+$0x0], $0xffff;
	v53 =	vpop (erf)  }
0x1ef: {  	v9 =	vor.u32 v4, v9;
	(erf) = vpow2.f32 v2;
	v11 =	vadd.f32 v53, v52  }
0x1f0: {  	v2 =	vld.idx.msk [tilespmem:v6+s28+$0x0], $0xffff;
	v54 =	vpop (erf)  }
0x1f1: {  	v55 =	vor.u32 $0xC, v5;
	v11 =	vadd.f32 v54, v11  }
0x1f2: {  	v8 =	vld.idx.msk [tilespmem:v50+s28+$0x0], $0xffff;
	v56 =	vpop (erf)  }
0x1f3: {  	v4 =	vor.u32 v4, v13;
	v3 =	vmul.f32 v51, v3;
	v57 =	vadd.f32 v56, v11  }
0x1f4: {  	v5 =	vor.u32 $0xE, v5;
	v9 =	vld.idx.msk [tilespmem:v9+s28+$0x0], $0xffff;
	v58 =	vpop (erf)  }
0x1f5: {  	v3 =	vadd.f32 $0.0e+00, v3;
	v2 =	vmul.f32 v53, v2;
	v59 =	vadd.f32 v58, v57  }
0x1f6: {  	v60 =	vld.idx.msk [tilespmem:v55+s28+$0x0], $0xffff;
	v61 =	vpop (erf)  }
0x1f7: {  	v2 =	vadd.f32 v2, v3;
	v3 =	vmul.f32 v54, v8;
	v62 =	vadd.f32 v61, v59  }
0x1f8: {  	v4 =	vld.idx.msk [tilespmem:v4+s28+$0x0], $0xffff;
	v63 =	vpop (erf)  }
0x1f9: {  	v2 =	vadd.f32 v3, v2;
	v3 =	vmul.f32 v56, v9;
	v6 =	vadd.f32 v63, v62  }
0x1fa: {  	v5 =	vld.idx.msk [tilespmem:v5+s28+$0x0], $0xffff  }
0x1fb: {  	v2 =	vadd.f32 v3, v2;
	v3 =	vmul.f32 v58, v60;
	(erf) = vrcp.f32 v6;
	_ =	sdelay $0x1  }
0x1fc: {  	v2 =	vadd.f32 v3, v2;
	v3 =	vmul.f32 v61, v4;
	_ =	sdelay $0x1  }
0x1fd: {  	v2 =	vadd.f32 v3, v2;
	v3 =	vmul.f32 v63, v5;
	_ =	sdelay $0x1  }
0x1fe: {  	v2 =	vadd.f32 v3, v2;
	_ =	sdelay $0x1  }
0x1ff: {  	v2 =	vmul.f32 $5.641896130e-01, v2  }
0x200: {  	v3 =	vpop (erf)  }
0x201: {  	v2 =	vmul.f32 v2, v3  }
0x202: {  	s22 =	simm.s32 $0x12800  }
0x203: {  	s24 =	simm.s32 $0x810;
	[tilespmem:s22+$0x0] =	vst v2  }
0x204: {  	s9 =	simm.s32 $0x20;
	s23 =	simm.s32 $0x10;
	v2 =	vld [tilespmem:s24+$0x0]  }
.LBB2_13:
0x205: {  	p0 =	sne.s32 s9, $0x7F0;
	_ =	sdelay $0x3  }
0x206: {  	v3 =	vmul.f32 v2, v0;
	_ =	sdelay $0x1  }
0x207: {  	v3 =	vtrunc.f32 v3  }
0x208: {  	v4 =	vmov s23;
	s23 =	smov.u32 s9;
	v3 =	vcvt.f32.s32 v3  }
0x209: {  	v4 =	vshll.u32 v4, $0x4  }
0x20a: {  	v4 =	vor.u32 v1, v4;
	v3 =	vand.u32 $0x1, v3  }
0x20b: {  	v5 =	vor.u32 v4, v3  }
0x20c: {  	v6 =	vadd.s32 $0x1, v3  }
0x20d: {  	v7 =	vor.u32 v4, v6;
	_ =	sdelay $0x1  }
0x20e: {  	v9 =	vadd.s32 $0x3, v3;
	v8 =	vor.u32 $0x2, v5  }
0x20f: {  	v11 =	vor.u32 v4, v9;
	v10 =	vld.idx.msk [tilespmem:v5+s28+$0x0], $0xffff;
	_ =	sdelay $0x1  }
0x210: {  	v12 =	vor.u32 $0x4, v5;
	v7 =	vld.idx.msk [tilespmem:v7+s28+$0x0], $0xffff  }
0x211: {  	v13 =	vadd.s32 $0x5, v3  }
0x212: {  	v14 =	vor.u32 v4, v13;
	v8 =	vld.idx.msk [tilespmem:v8+s28+$0x0], $0xffff  }
0x213: {  	v11 =	vld.idx.msk [tilespmem:v11+s28+$0x0], $0xffff  }
0x214: {  	v15 =	vor.u32 $0x6, v5;
	v10 =	vsub.f32 v2, v10  }
0x215: {  	v12 =	vld.idx.msk [tilespmem:v12+s28+$0x0], $0xffff  }
0x216: {  	v10 =	vmul.f32 v10, v0;
	v7 =	vsub.f32 v2, v7  }
0x217: {  	v14 =	vld.idx.msk [tilespmem:v14+s28+$0x0], $0xffff  }
0x218: {  	v10 =	vmul.f32 v10, v10;
	v7 =	vmul.f32 v7, v0;
	v8 =	vsub.f32 v2, v8  }
0x219: {  	v11 =	vsub.f32 v2, v11;
	v15 =	vld.idx.msk [tilespmem:v15+s28+$0x0], $0xffff  }
0x21a: {  	v10 =	vsub.f32 $0.0e+00, v10;
	v7 =	vmul.f32 v7, v7;
	v8 =	vmul.f32 v8, v0  }
0x21b: {  	v11 =	vmul.f32 v11, v0;
	v12 =	vsub.f32 v2, v12  }
0x21c: {  	v10 =	vmul.f32 $1.442695020e+00, v10;
	v7 =	vsub.f32 $0.0e+00, v7;
	v8 =	vmul.f32 v8, v8  }
0x21d: {  	v11 =	vmul.f32 v11, v11;
	v12 =	vmul.f32 v12, v0;
	v14 =	vsub.f32 v2, v14  }
0x21e: {  	v7 =	vmul.f32 $1.442695020e+00, v7;
	v8 =	vsub.f32 $0.0e+00, v8;
	(erf) = vpow2.f32 v10  }
0x21f: {  	v10 =	vmul.f32 v12, v12;
	v12 =	vmul.f32 v14, v0;
	v2 =	vsub.f32 v2, v15  }
0x220: {  	v11 =	vsub.f32 $0.0e+00, v11;
	v8 =	vmul.f32 $1.442695020e+00, v8;
	(erf) = vpow2.f32 v7  }
0x221: {  	v4 =	vor.u32 $0x8, v4;
	v7 =	vmul.f32 v12, v12;
	v2 =	vmul.f32 v2, v0  }
0x222: {  	v11 =	vmul.f32 $1.442695020e+00, v11;
	v10 =	vsub.f32 $0.0e+00, v10;
	(erf) = vpow2.f32 v8  }
0x223: {  	v3 =	vor.u32 v4, v3;
	v2 =	vmul.f32 v2, v2  }
0x224: {  	v8 =	vmul.f32 $1.442695020e+00, v10;
	v7 =	vsub.f32 $0.0e+00, v7;
	(erf) = vpow2.f32 v11  }
0x225: {  	v6 =	vor.u32 v4, v6  }
0x226: {  	v7 =	vmul.f32 $1.442695020e+00, v7;
	v2 =	vsub.f32 $0.0e+00, v2;
	(erf) = vpow2.f32 v8  }
0x227: {  	v8 =	vor.u32 $0xA, v5;
	v10 =	vpop (erf)  }
0x228: {  	v2 =	vmul.f32 $1.442695020e+00, v2;
	v3 =	vld.idx.msk [tilespmem:v3+s28+$0x0], $0xffff;
	v11 =	vadd.f32 $0.0e+00, v10;
	(erf) = vpow2.f32 v7  }
0x229: {  	v7 =	vor.u32 v4, v9;
	v9 =	vpop (erf)  }
0x22a: {  	v6 =	vld.idx.msk [tilespmem:v6+s28+$0x0], $0xffff;
	v11 =	vadd.f32 v9, v11;
	(erf) = vpow2.f32 v2  }
0x22b: {  	v2 =	vor.u32 $0xC, v5;
	v12 =	vpop (erf)  }
0x22c: {  	v8 =	vld.idx.msk [tilespmem:v8+s28+$0x0], $0xffff;
	v14 =	vadd.f32 v12, v11  }
0x22d: {  	v4 =	vor.u32 v4, v13;
	v13 =	vpop (erf)  }
0x22e: {  	v3 =	vmul.f32 v10, v3;
	v7 =	vld.idx.msk [tilespmem:v7+s28+$0x0], $0xffff;
	v14 =	vadd.f32 v13, v14  }
0x22f: {  	v5 =	vor.u32 $0xE, v5;
	v11 =	vpop (erf)  }
0x230: {  	v3 =	vadd.f32 $0.0e+00, v3;
	v6 =	vmul.f32 v9, v6;
	v2 =	vld.idx.msk [tilespmem:v2+s28+$0x0], $0xffff;
	v14 =	vadd.f32 v11, v14  }
0x231: {  	v10 =	vpop (erf)  }
0x232: {  	v3 =	vadd.f32 v6, v3;
	v6 =	vmul.f32 v12, v8;
	v4 =	vld.idx.msk [tilespmem:v4+s28+$0x0], $0xffff;
	v8 =	vadd.f32 v10, v14  }
0x233: {  	v9 =	vpop (erf)  }
0x234: {  	v3 =	vadd.f32 v6, v3;
	v6 =	vmul.f32 v13, v7;
	v5 =	vld.idx.msk [tilespmem:v5+s28+$0x0], $0xffff;
	v7 =	vadd.f32 v9, v8;
	_ =	sdelay $0x1  }
0x235: {  	v3 =	vadd.f32 v6, v3;
	v2 =	vmul.f32 v11, v2;
	(erf) = vrcp.f32 v7;
	_ =	sdelay $0x1  }
0x236: {  	v2 =	vadd.f32 v2, v3;
	v3 =	vmul.f32 v10, v4;
	_ =	sdelay $0x1  }
0x237: {  	v2 =	vadd.f32 v3, v2;
	v3 =	vmul.f32 v9, v5;
	_ =	sdelay $0x1  }
0x238: {  	v2 =	vadd.f32 v3, v2;
	_ =	sdelay $0x1  }
0x239: {  	v2 =	vmul.f32 $5.641896130e-01, v2  }
.Ltmp7:
0x23a: {  	v3 =	vpop (erf);
	(pc) =	sbr.rel @p0 .LBB2_13-.Ltmp7, $4  }
0x23b: {  	v2 =	vmul.f32 v2, v3  }
0x23c: {  	s22 =	sadd.s32 $0x10, s22  }
0x23d: {  	s24 =	sadd.s32 $0x10, s24;
	[tilespmem:s22+$0x0] =	vst v2  }
0x23e: {  	s9 =	sadd.s32 $0x10, s9;
	v2 =	vld [tilespmem:s24+$0x0]  }
0x23f: {  	_ =	sdelay $0x3  }
0x240: {  	v3 =	vmul.f32 v2, v0;
	_ =	sdelay $0x1  }
0x241: {  	v3 =	vtrunc.f32 v3  }
0x242: {  	v4 =	vmov s23;
	v3 =	vcvt.f32.s32 v3  }
0x243: {  	v4 =	vshll.u32 v4, $0x4  }
0x244: {  	v4 =	vor.u32 v1, v4;
	v3 =	vand.u32 $0x1, v3  }
0x245: {  	v5 =	vor.u32 v4, v3  }
0x246: {  	v6 =	vadd.s32 $0x1, v3  }
0x247: {  	v7 =	vor.u32 v4, v6;
	_ =	sdelay $0x1  }
0x248: {  	v9 =	vadd.s32 $0x3, v3;
	v8 =	vor.u32 $0x2, v5  }
0x249: {  	v11 =	vor.u32 v4, v9;
	v10 =	vld.idx.msk [tilespmem:v5+s28+$0x0], $0xffff;
	_ =	sdelay $0x1  }
0x24a: {  	v12 =	vor.u32 $0x4, v5;
	v7 =	vld.idx.msk [tilespmem:v7+s28+$0x0], $0xffff  }
0x24b: {  	v13 =	vadd.s32 $0x5, v3  }
0x24c: {  	v14 =	vor.u32 v4, v13;
	v8 =	vld.idx.msk [tilespmem:v8+s28+$0x0], $0xffff  }
0x24d: {  	v11 =	vld.idx.msk [tilespmem:v11+s28+$0x0], $0xffff;
	v10 =	vsub.f32 v2, v10  }
0x24e: {  	v15 =	vor.u32 $0x6, v5  }
0x24f: {  	v12 =	vld.idx.msk [tilespmem:v12+s28+$0x0], $0xffff;
	v7 =	vsub.f32 v2, v7;
	v10 =	vmul.f32 v10, v0;
	_ =	sdelay $0x1  }
0x250: {  	v14 =	vld.idx.msk [tilespmem:v14+s28+$0x0], $0xffff;
	v8 =	vsub.f32 v2, v8;
	v7 =	vmul.f32 v7, v0;
	v10 =	vmul.f32 v10, v10  }
0x251: {  	v11 =	vsub.f32 v2, v11  }
0x252: {  	v15 =	vld.idx.msk [tilespmem:v15+s28+$0x0], $0xffff;
	v8 =	vmul.f32 v8, v0;
	v7 =	vmul.f32 v7, v7;
	v10 =	vsub.f32 $0.0e+00, v10  }
0x253: {  	v12 =	vsub.f32 v2, v12;
	v11 =	vmul.f32 v11, v0  }
0x254: {  	v8 =	vmul.f32 v8, v8;
	v7 =	vsub.f32 $0.0e+00, v7;
	v10 =	vmul.f32 $1.442695020e+00, v10  }
0x255: {  	v14 =	vsub.f32 v2, v14;
	v12 =	vmul.f32 v12, v0;
	v11 =	vmul.f32 v11, v11  }
0x256: {  	v8 =	vsub.f32 $0.0e+00, v8;
	v7 =	vmul.f32 $1.442695020e+00, v7;
	(erf) = vpow2.f32 v10  }
0x257: {  	v2 =	vsub.f32 v2, v15;
	v47 =	vmul.f32 v14, v0;
	v46 =	vmul.f32 v12, v12  }
0x258: {  	v11 =	vsub.f32 $0.0e+00, v11;
	v8 =	vmul.f32 $1.442695020e+00, v8;
	(erf) = vpow2.f32 v7  }
0x259: {  	v4 =	vor.u32 $0x8, v4;
	v2 =	vmul.f32 v2, v0;
	v48 =	vmul.f32 v47, v47  }
0x25a: {  	v11 =	vmul.f32 $1.442695020e+00, v11;
	v10 =	vsub.f32 $0.0e+00, v46;
	(erf) = vpow2.f32 v8  }
0x25b: {  	v3 =	vor.u32 v4, v3;
	v2 =	vmul.f32 v2, v2  }
0x25c: {  	v7 =	vsub.f32 $0.0e+00, v48;
	v49 =	vmul.f32 $1.442695020e+00, v10;
	(erf) = vpow2.f32 v11  }
0x25d: {  	v6 =	vor.u32 v4, v6  }
0x25e: {  	v2 =	vsub.f32 $0.0e+00, v2;
	v7 =	vmul.f32 $1.442695020e+00, v7;
	(erf) = vpow2.f32 v49  }
0x25f: {  	v50 =	vor.u32 $0xA, v5;
	v51 =	vpop (erf)  }
0x260: {  	v2 =	vmul.f32 $1.442695020e+00, v2;
	(erf) = vpow2.f32 v7;
	v52 =	vadd.f32 $0.0e+00, v51  }
0x261: {  	v3 =	vld.idx.msk [tilespmem:v3+s28+$0x0], $0xffff;
	v53 =	vpop (erf)  }
0x262: {  	v9 =	vor.u32 v4, v9;
	(erf) = vpow2.f32 v2;
	v11 =	vadd.f32 v53, v52  }
0x263: {  	v2 =	vld.idx.msk [tilespmem:v6+s28+$0x0], $0xffff;
	v54 =	vpop (erf)  }
0x264: {  	v55 =	vor.u32 $0xC, v5;
	v11 =	vadd.f32 v54, v11  }
0x265: {  	v8 =	vld.idx.msk [tilespmem:v50+s28+$0x0], $0xffff;
	v56 =	vpop (erf)  }
0x266: {  	v4 =	vor.u32 v4, v13;
	v3 =	vmul.f32 v51, v3;
	v57 =	vadd.f32 v56, v11  }
0x267: {  	v5 =	vor.u32 $0xE, v5;
	v9 =	vld.idx.msk [tilespmem:v9+s28+$0x0], $0xffff;
	v58 =	vpop (erf)  }
0x268: {  	v3 =	vadd.f32 $0.0e+00, v3;
	v2 =	vmul.f32 v53, v2;
	v59 =	vadd.f32 v58, v57  }
0x269: {  	v60 =	vld.idx.msk [tilespmem:v55+s28+$0x0], $0xffff;
	v61 =	vpop (erf)  }
0x26a: {  	v2 =	vadd.f32 v2, v3;
	v3 =	vmul.f32 v54, v8;
	v62 =	vadd.f32 v61, v59  }
0x26b: {  	v4 =	vld.idx.msk [tilespmem:v4+s28+$0x0], $0xffff;
	v63 =	vpop (erf)  }
0x26c: {  	v2 =	vadd.f32 v3, v2;
	v3 =	vmul.f32 v56, v9;
	v6 =	vadd.f32 v63, v62  }
0x26d: {  	v5 =	vld.idx.msk [tilespmem:v5+s28+$0x0], $0xffff  }
0x26e: {  	v2 =	vadd.f32 v3, v2;
	v3 =	vmul.f32 v58, v60;
	(erf) = vrcp.f32 v6;
	_ =	sdelay $0x1  }
0x26f: {  	v2 =	vadd.f32 v3, v2;
	v3 =	vmul.f32 v61, v4;
	_ =	sdelay $0x1  }
0x270: {  	v2 =	vadd.f32 v3, v2;
	v3 =	vmul.f32 v63, v5;
	_ =	sdelay $0x1  }
0x271: {  	v2 =	vadd.f32 v3, v2;
	_ =	sdelay $0x1  }
0x272: {  	v2 =	vmul.f32 $5.641896130e-01, v2  }
.Ltmp8:
0x273: {  	v3 =	vpop (erf);
	(pc) =	sbr.rel @p1 .LBB2_16-.Ltmp8, $4  }
0x274: {  	v2 =	vmul.f32 v2, v3  }
0x275: {  	s9 =	sadd.s32 $0x10, s22;
	s21 =	sadd.s32 s21, s3  }
0x276: {  	s24 =	sadd.s32 $0x100, s21;
	[tilespmem:s9+$0x0] =	vst v2  }
0x277: {  	[hbm4b:s24+s4] =	stream.linear.scatter [tilespmem:s18], [sflag:$0x3], $0x800, $0x38;
	[tilespmem:$0x13000] =	vst v63  }
.Ltmp9:
0x278: {  	(pc) =	sbr.rel .LBB2_4-.Ltmp9, $4  }
0x279: {  	s9 =	sadd.s32 s20, s10  }
0x27a: {  	s9 =	sshrl.u32 s9, $0x3  }
0x27b: {  	s24 =	simm.s32 $0x800;
	s19 =	sadd.s32 $0x1, s19;
	s9 =	sadd.s32 s1, s9  }
0x27c: {  	[tilespmem:s24], [sflag:$0x1] =	stream.linear.gather [hbm4b:s9+s4], $0x800, $0x38;
	[tilespmem:$0x13000] =	vst v63  }
.LBB2_17:
0x27d: {  	_ =	sfence.sel $0x180000  }
0x27e: {  	[bflag:$0x0] =	sbarrier.arrive $0xFFFF  }
0x27f: {  	_ =	strace $0x9000004A  }
0x280: {  	s0 =	stileid.u32;
	[bflag:$0x2] =	sbarrier.arrive $0xFFFF  }
0x281: {  	p0 =	sne.s32 s0, $0x0;
	s0 =	rddreg [dreg:$0x3]  }
0x282: {  	s0 =	sadd.s32 @!p0 $0x100000, s0  }
0x283: {  	[sflag:s0] =	ssyncadd.tile.s32 @!p0 $0x1;
	_ =	shalt  }
.Lfunc_end2:
_tile_overlayer_lowered:
.L_overlay_start_2:
0x284: {  	(tag) =	ssettag $0x2  }
0x285: {  	s0 =	rddreg [dreg:$0x0];
	s2 =	stileid.u32  }
0x286: {  	s1 =	rddreg [dreg:$0x1];
	p0 =	sne.s32 s2, $0x0  }
0x287: {  	s3 =	rddreg [dreg:$0x2];
	[bflag:$0x3] =	sbarrier.arrive $0xFFFF;
	s2 =	simm.s32 @!p0 $0x1C04  }
0x288: {  	[timem:s3], [sflag:s2] =	dma.local @!p0 [hbm:s0], s1  }
0x289: {  	s0 =	simm.s32 @!p0 $0x4  }
0x28a: {  	_ =	swait.ge @!p0 [sflag:s0], s1  }
0x28b: {  	s1 =	ssub.s32 @!p0 $0x0, s1;
	[sflag:s0] =	ssyncset.done @!p0 $0x0  }
0x28c: {  	[sflag:s0] =	ssyncadd.s32 @!p0 s1  }
0x28d: {  	[bflag:$0x3] =	sbarrier.arrive $0xFFFF  }
0x28e: {  	_ =	shalt  }

</sc_bundles>
